<compile_context>
chip_gen: v7x
topology: tpu7x:2x2x1
jax: 0.10.2.dev20260603
libtpu: 0.0.44.dev20260713+nightly
codegen_flags: <defaults>
</compile_context>

<pallas_src>
import functools

import jax
import jax.numpy as jnp
from jax import lax
from jax.experimental import pallas as pl
from jax.experimental.pallas import tpu as pltpu
from jax.experimental.pallas import tpu_sc as plsc

N_NODES = 10000
N_EDGES = 320000
D_IN = 128
D_H = 192
N_LAYERS = 4
NUM_GRAPHS = 64
EPS = 1e-5

NC = 2
NS = 16
CHUNK = 128
N_PAD = 10240
CPW = 157
E_PAD = NS * CPW * CHUNK


@functools.lru_cache(maxsize=None)
def _make_edge_agg(dh):
    rows_t = N_PAD // NS
    mesh = plsc.VectorSubcoreMesh(core_axis_name="c", subcore_axis_name="s")

    @functools.partial(
        pl.kernel,
        out_type=jax.ShapeDtypeStruct((NC, N_PAD, dh), jnp.float32),
        mesh=mesh,
        scratch_types=[
            pltpu.VMEM((CPW, CHUNK), jnp.int32),
            pltpu.VMEM((CHUNK,), jnp.int32),
            pltpu.VMEM((CHUNK,), jnp.int32),
            pltpu.VMEM((CHUNK,), jnp.int32),
            pltpu.VMEM((CHUNK, dh), jnp.float32),
            pltpu.VMEM((CHUNK, dh), jnp.float32),
            pltpu.VMEM((CHUNK, dh), jnp.float32),
            pltpu.VMEM_SHARED((N_PAD, dh), jnp.float32),
            pltpu.SemaphoreType.DMA,
            pltpu.SemaphoreType.DMA,
            pltpu.SemaphoreType.DMA,
            pltpu.SemaphoreType.DMA,
            pltpu.SemaphoreType.DMA,
            pltpu.SemaphoreType.DMA,
            pltpu.SemaphoreType.DMA,
            pltpu.SemaphoreType.DMA,
            pltpu.SemaphoreType.DMA,
        ],
        compiler_params=pltpu.CompilerParams(use_tc_tiling_on_sc=False),
    )
    def edge_kernel(src_hbm, dst_hbm, hlo_hbm, hhi_hbm, zeros_hbm, out_hbm,
                    src_v, db0, db1, db2, buf0, buf1, buf2, acc_sh,
                    gs0, gs1, gs2, ss0, ss1, ss2, ds0, ds1, ds2):
        bufs = (buf0, buf1, buf2)
        dbufs = (db0, db1, db2)
        gsems = (gs0, gs1, gs2)
        ssems = (ss0, ss1, ss2)
        dsems = (ds0, ds1, ds2)
        c = lax.axis_index("c")
        s = lax.axis_index("s")
        pltpu.sync_copy(zeros_hbm, acc_sh.at[pl.ds(s * rows_t, rows_t)])
        pltpu.sync_copy(src_hbm.at[pl.ds(s * CPW, CPW)], src_v)
        plsc.subcore_barrier()

        def gather(g, b):
            pltpu.async_copy(dst_hbm.at[s * CPW + g], dbufs[b], dsems[b])

            @pl.when(c == 0)
            def _():
                pltpu.async_copy(hlo_hbm.at[src_v.at[g]], bufs[b], gsems[b])

            @pl.when(c == 1)
            def _():
                pltpu.async_copy(hhi_hbm.at[src_v.at[g]], bufs[b], gsems[b])

        def wait_gather(b):
            pltpu.make_async_copy(
                dst_hbm.at[0], dbufs[b], dsems[b]).wait()
            pltpu.make_async_copy(
                hlo_hbm.at[src_v.at[0]], bufs[b], gsems[b]).wait()

        def scatter(g, b):
            pltpu.async_copy(bufs[b], acc_sh.at[dbufs[b]], ssems[b],
                             add=True)

        def wait_scatter(b):
            pltpu.make_async_copy(
                bufs[b], acc_sh.at[dbufs[b]], ssems[b]).wait()

        gather(0, 0)
        gather(1, 1)
        nt = (CPW - 1) // 3

        @pl.loop(0, nt)
        def _(t):
            for b in range(3):
                wait_gather(b)
                g = 3 * t + b
                scatter(g, b)
                prev = (b - 1) % 3
                if b == 0:
                    @pl.when(t > 0)
                    def _():
                        wait_scatter(prev)
                        gather(g + 2, prev)

                    @pl.when(t == 0)
                    def _():
                        gather(g + 2, prev)
                elif b == 1:
                    wait_scatter(prev)
                    gather(g + 2, prev)
                else:
                    wait_scatter(prev)

                    @pl.when(t < nt - 1)
                    def _():
                        gather(g + 2, prev)

        wait_scatter(2)
        wait_gather(0)
        pltpu.sync_copy(bufs[0], acc_sh.at[dbufs[0]], add=True)

        plsc.subcore_barrier()
        pltpu.sync_copy(acc_sh.at[pl.ds(s * rows_t, rows_t)],
                        out_hbm.at[c, pl.ds(s * rows_t, rows_t)])

    return edge_kernel


@functools.lru_cache(maxsize=None)
def _make_linear_stats(dh):
    br = 1000
    nb = N_NODES // br

    def body(acc_ref, hlo_ref, hhi_ref, wrel_ref, brel_ref, wroot_ref,
             h2_ref, stats_ref):
        b = pl.program_id(0)
        h2 = (jnp.dot(acc_ref[0], wrel_ref[0], preferred_element_type=jnp.float32)
              + jnp.dot(acc_ref[1], wrel_ref[1], preferred_element_type=jnp.float32)
              + jnp.dot(hlo_ref[...], wroot_ref[0],
                        preferred_element_type=jnp.float32)
              + jnp.dot(hhi_ref[...], wroot_ref[1],
                        preferred_element_type=jnp.float32)
              + brel_ref[...])
        h2_ref[...] = h2

        @pl.when(b == 0)
        def _():
            stats_ref[...] = jnp.zeros_like(stats_ref)

        stats_ref[0:1, :] += jnp.sum(h2, axis=0, keepdims=True)
        stats_ref[1:2, :] += jnp.sum(h2 * h2, axis=0, keepdims=True)

    return pl.pallas_call(
        body,
        grid=(nb,),
        in_specs=[
            pl.BlockSpec((NC, br, dh), lambda b: (0, b, 0)),
            pl.BlockSpec((br, dh), lambda b: (b, 0)),
            pl.BlockSpec((br, dh), lambda b: (b, 0)),
            pl.BlockSpec((NC, dh, D_H), lambda b: (0, 0, 0)),
            pl.BlockSpec((1, D_H), lambda b: (0, 0)),
            pl.BlockSpec((NC, dh, D_H), lambda b: (0, 0, 0)),
        ],
        out_specs=[
            pl.BlockSpec((br, D_H), lambda b: (b, 0)),
            pl.BlockSpec((2, D_H), lambda b: (0, 0)),
        ],
        out_shape=[
            jax.ShapeDtypeStruct((N_NODES, D_H), jnp.float32),
            jax.ShapeDtypeStruct((2, D_H), jnp.float32),
        ],
    )


def _make_bn_relu():
    br = 2000
    nb = N_NODES // br
    inv_n = 1.0 / N_NODES
    dh = D_H // 2

    def body(h2_ref, stats_ref, gb_ref, lo_ref, hi_ref, vacc):
        p = pl.program_id(0)
        b = pl.program_id(1)
        mean = stats_ref[0:1, :] * inv_n

        @pl.when(p == 0)
        def _():
            @pl.when(b == 0)
            def _():
                vacc[...] = jnp.zeros_like(vacc)

            d = h2_ref[...] - mean
            vacc[...] += jnp.sum(d * d, axis=0, keepdims=True)

        @pl.when(p == 1)
        def _():
            var = vacc[...] * inv_n
            scale = gb_ref[0:1, :] / jnp.sqrt(var + EPS)
            shift = gb_ref[1:2, :] - mean * scale
            res = jnp.maximum(h2_ref[...] * scale + shift, 0.0)
            lo_ref[...] = res[:, :dh]
            hi_ref[...] = res[:, dh:]

    return pl.pallas_call(
        body,
        grid=(2, nb),
        in_specs=[
            pl.BlockSpec((br, D_H), lambda p, b: (b, 0)),
            pl.BlockSpec((2, D_H), lambda p, b: (0, 0)),
            pl.BlockSpec((2, D_H), lambda p, b: (0, 0)),
        ],
        out_specs=[
            pl.BlockSpec((br, dh), lambda p, b: (b * p, 0)),
            pl.BlockSpec((br, dh), lambda p, b: (b * p, 0)),
        ],
        out_shape=[
            jax.ShapeDtypeStruct((N_NODES, dh), jnp.float32),
            jax.ShapeDtypeStruct((N_NODES, dh), jnp.float32),
        ],
        scratch_shapes=[pltpu.VMEM((1, D_H), jnp.float32)],
    )


_bn_relu = _make_bn_relu()


def _make_pool_head():
    dh = D_H // 2

    def body(hlo_ref, hhi_ref, bc_ref, w1_ref, b1_ref, w2_ref, b2_ref,
             wo_ref, bo_ref, out_ref):
        giota = lax.broadcasted_iota(
            jnp.int32, (N_NODES, NUM_GRAPHS), 1).astype(jnp.float32)
        eqt = (bc_ref[...] == giota).astype(jnp.float32)
        ones = jnp.zeros((N_NODES, 1), jnp.float32) + 1.0
        dn = (((0,), (0,)), ((), ()))
        counts = lax.dot_general(eqt, ones, dn,
                                 preferred_element_type=jnp.float32)
        inv = 1.0 / jnp.maximum(counts, 1.0)
        g0 = lax.dot_general(eqt, hlo_ref[...], dn,
                             preferred_element_type=jnp.float32) * inv
        g1 = lax.dot_general(eqt, hhi_ref[...], dn,
                             preferred_element_type=jnp.float32) * inv
        gp = jnp.concatenate(
            [g0, jnp.zeros((NUM_GRAPHS, 128 - dh), jnp.float32),
             g1, jnp.zeros((NUM_GRAPHS, 128 - dh), jnp.float32)], axis=1)
        hh = jnp.maximum(
            jnp.dot(gp, w1_ref[...], preferred_element_type=jnp.float32)
            + b1_ref[...], 0.0)
        hh = jnp.concatenate(
            [hh, jnp.zeros((NUM_GRAPHS, 256 - D_H), jnp.float32)], axis=1)
        hh = jnp.dot(hh, w2_ref[...],
                     preferred_element_type=jnp.float32) + b2_ref[...]
        hh = jnp.concatenate(
            [hh, jnp.zeros((NUM_GRAPHS, 256 - D_H), jnp.float32)], axis=1)
        out_ref[...] = jnp.dot(hh, wo_ref[...],
                               preferred_element_type=jnp.float32) + bo_ref[...]

    return pl.pallas_call(
        body,
        out_shape=jax.ShapeDtypeStruct((NUM_GRAPHS, 1), jnp.float32),
    )


_pool_head = _make_pool_head()


def _pad_rows(w, rows):
    return jnp.pad(w, ((0, rows - w.shape[0]), (0, 0)))


def _split2(w):
    d = w.shape[0]
    return jnp.stack([w[:d // 2], w[d // 2:]])


def kernel(x, edge_index, batch, params):
    src = edge_index[0].astype(jnp.int32)
    dst = edge_index[1].astype(jnp.int32)
    batch_c = batch.astype(jnp.float32).reshape(N_NODES, 1)

    npad_e = E_PAD - N_EDGES
    src2d = jnp.concatenate(
        [src, jnp.zeros((npad_e,), jnp.int32)]).reshape(NS * CPW, CHUNK)
    dst2d = jnp.concatenate(
        [dst, jnp.full((npad_e,), N_NODES, jnp.int32)]).reshape(NS * CPW, CHUNK)

    hlo, hhi = x[:, :D_IN // 2], x[:, D_IN // 2:]
    d = D_IN
    for i in range(N_LAYERS):
        p = params[f'conv{i}']
        dh = d // 2
        zeros = jnp.zeros((N_PAD // NS, dh), dtype=jnp.float32)
        acc2 = _make_edge_agg(dh)(src2d, dst2d, hlo, hhi, zeros)
        h2, stats = _make_linear_stats(dh)(
            acc2, hlo, hhi, _split2(p['W_rel']), p['b_rel'].reshape(1, D_H),
            _split2(p['W_root']))
        gb = jnp.stack([p['gamma'], p['beta']])
        hlo, hhi = _bn_relu(h2, stats, gb)
        d = D_H

    hd = params['head']
    dh = D_H // 2
    w1p = jnp.concatenate(
        [hd['W1'][:dh], jnp.zeros((128 - dh, D_H), jnp.float32),
         hd['W1'][dh:], jnp.zeros((128 - dh, D_H), jnp.float32)], axis=0)
    out = _pool_head(
        hlo, hhi, batch_c,
        w1p, hd['b1'].reshape(1, D_H),
        _pad_rows(hd['W2'], 256), hd['b2'].reshape(1, D_H),
        _pad_rows(params['out']['W'], 256), params['out']['b'].reshape(1, 1))
    return out.reshape(-1)

# --- scband reference (transcript-rebuilt; emitter-appended) ---
"""Pipeline reference for scband-ligand-gnn-67929202754018 (READ-ONLY COPY).

The authoritative reference and input builder live on the scoring server;
editing this copy changes nothing except your own understanding.
"""

import jax, jax.numpy as jnp
import numpy as np

N_NODES = 10000
N_EDGES = 320000
D_IN = 128
D_H = 192
N_LAYERS = 4
NUM_GRAPHS = 64
EPS = 1e-5


def setup_inputs(seed: int = 0) -> dict:
    key = jax.random.key(seed)
    ks = jax.random.split(key, 64)
    x = jax.random.normal(ks[0], (N_NODES, D_IN), dtype=jnp.float32)
    edge_index = jax.random.randint(ks[1], (2, N_EDGES), 0, N_NODES, dtype=jnp.int64) if jax.config.jax_enable_x64 else jax.random.randint(ks[1], (2, N_EDGES), 0, N_NODES).astype(jnp.int32)
    batch = jnp.sort(jax.random.randint(ks[2], (N_NODES,), 0, NUM_GRAPHS)).astype(jnp.int32)
    params = {}
    ki = 3
    cur = D_IN
    for i in range(N_LAYERS):
        params[f'conv{i}'] = {
            'W_rel': 0.05 * jax.random.normal(ks[ki], (cur, D_H), dtype=jnp.float32),
            'b_rel': jnp.zeros((D_H,), dtype=jnp.float32),
            'W_root': 0.05 * jax.random.normal(ks[ki + 1], (cur, D_H), dtype=jnp.float32),
            'gamma': jnp.ones((D_H,), dtype=jnp.float32),
            'beta': jnp.zeros((D_H,), dtype=jnp.float32),
        }
        ki += 2
        cur = D_H
    params['head'] = {
        'W1': 0.05 * jax.random.normal(ks[ki], (D_H, D_H), dtype=jnp.float32),
        'b1': jnp.zeros((D_H,), dtype=jnp.float32),
        'W2': 0.05 * jax.random.normal(ks[ki + 1], (D_H, D_H), dtype=jnp.float32),
        'b2': jnp.zeros((D_H,), dtype=jnp.float32),
    }
    params['out'] = {
        'W': 0.05 * jax.random.normal(ks[ki + 2], (D_H, 1), dtype=jnp.float32),
        'b': jnp.zeros((1,), dtype=jnp.float32),
    }
    return {'x': x, 'edge_index': edge_index, 'batch': batch, 'params': params}


def reference(x, edge_index, batch, params):
    src = edge_index[0]
    dst = edge_index[1]
    h = x
    for i in range(N_LAYERS):
        p = params[f'conv{i}']
        # GraphConv: aggregate-add of neighbor features, then lin_rel + lin_root(x)
        msgs = jnp.take(h, src, axis=0)
        agg = jax.ops.segment_sum(msgs, dst, num_segments=N_NODES)
        h2 = agg @ p['W_rel'] + p['b_rel'] + h @ p['W_root']
        # BatchNorm1d (training-mode batch stats, biased variance)
        mean = jnp.mean(h2, axis=0)
        var = jnp.mean((h2 - mean) ** 2, axis=0)
        h2 = (h2 - mean) / jnp.sqrt(var + EPS) * p['gamma'] + p['beta']
        h = jax.nn.relu(h2)
    # global_mean_pool over graph ids
    sums = jax.ops.segment_sum(h, batch, num_segments=NUM_GRAPHS)
    counts = jax.ops.segment_sum(jnp.ones((N_NODES, 1), dtype=h.dtype), batch, num_segments=NUM_GRAPHS)
    g = sums / jnp.maximum(counts, 1.0)
    # head MLP (dropout disabled / eval)
    hh = jax.nn.relu(g @ params['head']['W1'] + params['head']['b1'])
    hh = hh @ params['head']['W2'] + params['head']['b2']
    out = hh @ params['out']['W'] + params['out']['b']
    return out.reshape(-1)

if __name__ == "__main__":
    import jax
    _d = setup_inputs()
    print(jax.jit(kernel)(*tuple(_d.values())))

</pallas_src>

<mosaic_0001>
#map = affine_map<(d0, d1) -> (0, 0)>
#map1 = affine_map<(d0, d1) -> (0, 0, 0)>
module attributes {stable_mosaic.version = 14 : i64} {
  func.func @edge_kernel(%arg0: i32, %arg1: i32, %arg2: memref<2512x128xi32, #tpu.memory_space<hbm>>, %arg3: memref<2512x128xi32, #tpu.memory_space<hbm>>, %arg4: memref<10000x96xf32, #tpu.memory_space<hbm>>, %arg5: memref<10000x96xf32, #tpu.memory_space<hbm>>, %arg6: memref<640x96xf32, #tpu.memory_space<hbm>>, %arg7: memref<2x10240x96xf32, #tpu.memory_space<hbm>>, %arg8: memref<157x128xi32, #tpu.memory_space<vmem>>, %arg9: memref<128xi32, #tpu.memory_space<vmem>>, %arg10: memref<128xi32, #tpu.memory_space<vmem>>, %arg11: memref<128xi32, #tpu.memory_space<vmem>>, %arg12: memref<128x96xf32, #tpu.memory_space<vmem>>, %arg13: memref<128x96xf32, #tpu.memory_space<vmem>>, %arg14: memref<128x96xf32, #tpu.memory_space<vmem>>, %arg15: memref<10240x96xf32, #tpu.memory_space<vmem_shared>>, %arg16: memref<!tpu.dma_semaphore, #tpu.memory_space<semaphore_mem>>, %arg17: memref<!tpu.dma_semaphore, #tpu.memory_space<semaphore_mem>>, %arg18: memref<!tpu.dma_semaphore, #tpu.memory_space<semaphore_mem>>, %arg19: memref<!tpu.dma_semaphore, #tpu.memory_space<semaphore_mem>>, %arg20: memref<!tpu.dma_semaphore, #tpu.memory_space<semaphore_mem>>, %arg21: memref<!tpu.dma_semaphore, #tpu.memory_space<semaphore_mem>>, %arg22: memref<!tpu.dma_semaphore, #tpu.memory_space<semaphore_mem>>, %arg23: memref<!tpu.dma_semaphore, #tpu.memory_space<semaphore_mem>>, %arg24: memref<!tpu.dma_semaphore, #tpu.memory_space<semaphore_mem>>) attributes {dimension_semantics = [#tpu.dimension_semantics<core_parallel>, #tpu.dimension_semantics<subcore_parallel>], iteration_bounds = array<i64: 2, 16>, scalar_prefetch = 0 : i64, scratch_operands = 17 : i64, tpu.core_type = #tpu.core_type<sc_vector_subcore>, window_params = [{transform_indices = #map}, {transform_indices = #map}, {transform_indices = #map}, {transform_indices = #map}, {transform_indices = #map}, {transform_indices = #map1}]} {
    %mul3A = arith.constant 640 : i32
    %mul3A_0 = arith.muli %arg1, %mul3A : i32
    "tpu.region"() ({
      %run_scoped3A = tpu.sem_alloc : memref<!tpu.dma_semaphore, #tpu.memory_space<semaphore_mem>>
      %dma_start3A_63 = arith.constant 0 : i32
      %dma_start3A_64 = tpu.memref_slice %arg15[%mul3A_0, %dma_start3A_63] : memref<10240x96xf32, #tpu.memory_space<vmem_shared>> -> memref<640x96xf32, #tpu.memory_space<vmem_shared>>
      tpu.enqueue_dma source(%arg6 : memref<640x96xf32, #tpu.memory_space<hbm>>) target(%dma_start3A_64 : memref<640x96xf32, #tpu.memory_space<vmem_shared>>) target_semaphore(%run_scoped3A : memref<!tpu.dma_semaphore, #tpu.memory_space<semaphore_mem>>)
      %dma_wait3A_65 = arith.constant 0 : i32
      %dma_wait3A_66 = tpu.memref_slice %arg15[%mul3A_0, %dma_wait3A_65] : memref<10240x96xf32, #tpu.memory_space<vmem_shared>> -> memref<640x96xf32, #tpu.memory_space<vmem_shared>>
      tpu.wait_dma2 semaphore(%run_scoped3A : memref<!tpu.dma_semaphore, #tpu.memory_space<semaphore_mem>>) src(%arg6 : memref<640x96xf32, #tpu.memory_space<hbm>>) dst(%dma_wait3A_66 : memref<640x96xf32, #tpu.memory_space<vmem_shared>>)
      tpu.yield
    }) : () -> ()
    %mul3A_1 = arith.constant 157 : i32
    %mul3A_2 = arith.muli %arg1, %mul3A_1 : i32
    "tpu.region"() ({
      %run_scoped3A = tpu.sem_alloc : memref<!tpu.dma_semaphore, #tpu.memory_space<semaphore_mem>>
      %dma_start3A_63 = arith.constant 0 : i32
      %dma_start3A_64 = tpu.memref_slice %arg2[%mul3A_2, %dma_start3A_63] : memref<2512x128xi32, #tpu.memory_space<hbm>> -> memref<157x128xi32, #tpu.memory_space<hbm>>
      %dma_start3A_65 = arith.constant 0 : i32
      %dma_start3A_66 = tpu.memref_slice %arg2[%mul3A_2, %dma_start3A_65] : memref<2512x128xi32, #tpu.memory_space<hbm>> -> memref<157x128xi32, #tpu.memory_space<hbm>>
      tpu.enqueue_dma source(%dma_start3A_66 : memref<157x128xi32, #tpu.memory_space<hbm>>) target(%arg8 : memref<157x128xi32, #tpu.memory_space<vmem>>) target_semaphore(%run_scoped3A : memref<!tpu.dma_semaphore, #tpu.memory_space<semaphore_mem>>)
      %dma_wait3A_67 = arith.constant 0 : i32
      %dma_wait3A_68 = tpu.memref_slice %arg2[%mul3A_2, %dma_wait3A_67] : memref<2512x128xi32, #tpu.memory_space<hbm>> -> memref<157x128xi32, #tpu.memory_space<hbm>>
      %dma_wait3A_69 = arith.constant 0 : i32
      %dma_wait3A_70 = tpu.memref_slice %arg2[%mul3A_2, %dma_wait3A_69] : memref<2512x128xi32, #tpu.memory_space<hbm>> -> memref<157x128xi32, #tpu.memory_space<hbm>>
      tpu.wait_dma2 semaphore(%run_scoped3A : memref<!tpu.dma_semaphore, #tpu.memory_space<semaphore_mem>>) src(%dma_wait3A_70 : memref<157x128xi32, #tpu.memory_space<hbm>>) dst(%arg8 : memref<157x128xi32, #tpu.memory_space<vmem>>)
      tpu.yield
    }) : () -> ()
    %barrier3A = arith.constant 0 : index
    tpu.barrier barrier_id(%barrier3A)
    %mul3A_3 = arith.constant 157 : i32
    %mul3A_4 = arith.muli %arg1, %mul3A_3 : i32
    %add3A = arith.constant 0 : i32
    %add3A_5 = arith.addi %mul3A_4, %add3A : i32
    %dma_start3A = arith.constant 0 : i32
    %dma_start3A_6 = tpu.memref_slice %arg3[%add3A_5, %dma_start3A] : memref<2512x128xi32, #tpu.memory_space<hbm>> -> memref<1x128xi32, #tpu.memory_space<hbm>>
    %dma_start3A_7 = tpu.memref_squeeze %dma_start3A_6 : memref<1x128xi32, #tpu.memory_space<hbm>> -> memref<128xi32, #tpu.memory_space<hbm>>
    %dma_start3A_8 = arith.constant 0 : i32
    %dma_start3A_9 = tpu.memref_slice %arg3[%add3A_5, %dma_start3A_8] : memref<2512x128xi32, #tpu.memory_space<hbm>> -> memref<1x128xi32, #tpu.memory_space<hbm>>
    %dma_start3A_10 = tpu.memref_squeeze %dma_start3A_9 : memref<1x128xi32, #tpu.memory_space<hbm>> -> memref<128xi32, #tpu.memory_space<hbm>>
    tpu.enqueue_dma source(%dma_start3A_10 : memref<128xi32, #tpu.memory_space<hbm>>) target(%arg9 : memref<128xi32, #tpu.memory_space<vmem>>) target_semaphore(%arg22 : memref<!tpu.dma_semaphore, #tpu.memory_space<semaphore_mem>>)
    %eq3A = arith.constant 0 : i32
    %eq3A_11 = arith.cmpi eq, %arg0, %eq3A : i32
    %convert_element_type3A = arith.extui %eq3A_11 : i1 to i32
    %cond3A = arith.constant 0 : i32
    %cond3A_12 = arith.cmpi ne, %convert_element_type3A, %cond3A : i32
    scf.if %cond3A_12 {
      %dma_start3A_63 = arith.constant 0 : i32
      %dma_start3A_64 = arith.constant 0 : i32
      %dma_start3A_65 = tpu.memref_slice %arg8[%dma_start3A_63, %dma_start3A_64] : memref<157x128xi32, #tpu.memory_space<vmem>> -> memref<1x128xi32, #tpu.memory_space<vmem>>
      %dma_start3A_66 = tpu.memref_squeeze %dma_start3A_65 : memref<1x128xi32, #tpu.memory_space<vmem>> -> memref<128xi32, #tpu.memory_space<vmem>>
      %dma_start3A_67 = arith.constant 0 : i32
      %dma_start3A_68 = arith.constant 0 : i32
      %dma_start3A_69 = tpu.memref_slice %arg4[%dma_start3A_67, %dma_start3A_68] : memref<10000x96xf32, #tpu.memory_space<hbm>> -> memref<10000x96xf32, #tpu.memory_space<hbm>>
      tpu.enqueue_indirect_dma source(%dma_start3A_69 : memref<10000x96xf32, #tpu.memory_space<hbm>>) target(%arg12 : memref<128x96xf32, #tpu.memory_space<vmem>>) offsets(%dma_start3A_66 : memref<128xi32, #tpu.memory_space<vmem>>) semaphore(%arg16 : memref<!tpu.dma_semaphore, #tpu.memory_space<semaphore_mem>>)
    } else {
    }
    %eq3A_13 = arith.constant 1 : i32
    %eq3A_14 = arith.cmpi eq, %arg0, %eq3A_13 : i32
    %convert_element_type3A_15 = arith.extui %eq3A_14 : i1 to i32
    %cond3A_16 = arith.constant 0 : i32
    %cond3A_17 = arith.cmpi ne, %convert_element_type3A_15, %cond3A_16 : i32
    scf.if %cond3A_17 {
      %dma_start3A_63 = arith.constant 0 : i32
      %dma_start3A_64 = arith.constant 0 : i32
      %dma_start3A_65 = tpu.memref_slice %arg8[%dma_start3A_63, %dma_start3A_64] : memref<157x128xi32, #tpu.memory_space<vmem>> -> memref<1x128xi32, #tpu.memory_space<vmem>>
      %dma_start3A_66 = tpu.memref_squeeze %dma_start3A_65 : memref<1x128xi32, #tpu.memory_space<vmem>> -> memref<128xi32, #tpu.memory_space<vmem>>
      %dma_start3A_67 = arith.constant 0 : i32
      %dma_start3A_68 = arith.constant 0 : i32
      %dma_start3A_69 = tpu.memref_slice %arg5[%dma_start3A_67, %dma_start3A_68] : memref<10000x96xf32, #tpu.memory_space<hbm>> -> memref<10000x96xf32, #tpu.memory_space<hbm>>
      tpu.enqueue_indirect_dma source(%dma_start3A_69 : memref<10000x96xf32, #tpu.memory_space<hbm>>) target(%arg12 : memref<128x96xf32, #tpu.memory_space<vmem>>) offsets(%dma_start3A_66 : memref<128xi32, #tpu.memory_space<vmem>>) semaphore(%arg16 : memref<!tpu.dma_semaphore, #tpu.memory_space<semaphore_mem>>)
    } else {
    }
    %mul3A_18 = arith.constant 157 : i32
    %mul3A_19 = arith.muli %arg1, %mul3A_18 : i32
    %add3A_20 = arith.constant 1 : i32
    %add3A_21 = arith.addi %mul3A_19, %add3A_20 : i32
    %dma_start3A_22 = arith.constant 0 : i32
    %dma_start3A_23 = tpu.memref_slice %arg3[%add3A_21, %dma_start3A_22] : memref<2512x128xi32, #tpu.memory_space<hbm>> -> memref<1x128xi32, #tpu.memory_space<hbm>>
    %dma_start3A_24 = tpu.memref_squeeze %dma_start3A_23 : memref<1x128xi32, #tpu.memory_space<hbm>> -> memref<128xi32, #tpu.memory_space<hbm>>
    %dma_start3A_25 = arith.constant 0 : i32
    %dma_start3A_26 = tpu.memref_slice %arg3[%add3A_21, %dma_start3A_25] : memref<2512x128xi32, #tpu.memory_space<hbm>> -> memref<1x128xi32, #tpu.memory_space<hbm>>
    %dma_start3A_27 = tpu.memref_squeeze %dma_start3A_26 : memref<1x128xi32, #tpu.memory_space<hbm>> -> memref<128xi32, #tpu.memory_space<hbm>>
    tpu.enqueue_dma source(%dma_start3A_27 : memref<128xi32, #tpu.memory_space<hbm>>) target(%arg10 : memref<128xi32, #tpu.memory_space<vmem>>) target_semaphore(%arg23 : memref<!tpu.dma_semaphore, #tpu.memory_space<semaphore_mem>>)
    %eq3A_28 = arith.constant 0 : i32
    %eq3A_29 = arith.cmpi eq, %arg0, %eq3A_28 : i32
    %convert_element_type3A_30 = arith.extui %eq3A_29 : i1 to i32
    %cond3A_31 = arith.constant 0 : i32
    %cond3A_32 = arith.cmpi ne, %convert_element_type3A_30, %cond3A_31 : i32
    scf.if %cond3A_32 {
      %dma_start3A_63 = arith.constant 1 : i32
      %dma_start3A_64 = arith.constant 0 : i32
      %dma_start3A_65 = tpu.memref_slice %arg8[%dma_start3A_63, %dma_start3A_64] : memref<157x128xi32, #tpu.memory_space<vmem>> -> memref<1x128xi32, #tpu.memory_space<vmem>>
      %dma_start3A_66 = tpu.memref_squeeze %dma_start3A_65 : memref<1x128xi32, #tpu.memory_space<vmem>> -> memref<128xi32, #tpu.memory_space<vmem>>
      %dma_start3A_67 = arith.constant 0 : i32
      %dma_start3A_68 = arith.constant 0 : i32
      %dma_start3A_69 = tpu.memref_slice %arg4[%dma_start3A_67, %dma_start3A_68] : memref<10000x96xf32, #tpu.memory_space<hbm>> -> memref<10000x96xf32, #tpu.memory_space<hbm>>
      tpu.enqueue_indirect_dma source(%dma_start3A_69 : memref<10000x96xf32, #tpu.memory_space<hbm>>) target(%arg13 : memref<128x96xf32, #tpu.memory_space<vmem>>) offsets(%dma_start3A_66 : memref<128xi32, #tpu.memory_space<vmem>>) semaphore(%arg17 : memref<!tpu.dma_semaphore, #tpu.memory_space<semaphore_mem>>)
    } else {
    }
    %eq3A_33 = arith.constant 1 : i32
    %eq3A_34 = arith.cmpi eq, %arg0, %eq3A_33 : i32
    %convert_element_type3A_35 = arith.extui %eq3A_34 : i1 to i32
    %cond3A_36 = arith.constant 0 : i32
    %cond3A_37 = arith.cmpi ne, %convert_element_type3A_35, %cond3A_36 : i32
    scf.if %cond3A_37 {
      %dma_start3A_63 = arith.constant 1 : i32
      %dma_start3A_64 = arith.constant 0 : i32
      %dma_start3A_65 = tpu.memref_slice %arg8[%dma_start3A_63, %dma_start3A_64] : memref<157x128xi32, #tpu.memory_space<vmem>> -> memref<1x128xi32, #tpu.memory_space<vmem>>
      %dma_start3A_66 = tpu.memref_squeeze %dma_start3A_65 : memref<1x128xi32, #tpu.memory_space<vmem>> -> memref<128xi32, #tpu.memory_space<vmem>>
      %dma_start3A_67 = arith.constant 0 : i32
      %dma_start3A_68 = arith.constant 0 : i32
      %dma_start3A_69 = tpu.memref_slice %arg5[%dma_start3A_67, %dma_start3A_68] : memref<10000x96xf32, #tpu.memory_space<hbm>> -> memref<10000x96xf32, #tpu.memory_space<hbm>>
      tpu.enqueue_indirect_dma source(%dma_start3A_69 : memref<10000x96xf32, #tpu.memory_space<hbm>>) target(%arg13 : memref<128x96xf32, #tpu.memory_space<vmem>>) offsets(%dma_start3A_66 : memref<128xi32, #tpu.memory_space<vmem>>) semaphore(%arg17 : memref<!tpu.dma_semaphore, #tpu.memory_space<semaphore_mem>>)
    } else {
    }
    %scan3A = arith.constant 0 : i32
    %scan3A_38 = arith.constant 52 : i32
    %scan3A_39 = arith.addi %scan3A, %scan3A_38 : i32
    %scan3A_40 = arith.constant 1 : i32
    scf.for %scan3A_63 = %scan3A to %scan3A_39 step %scan3A_40  : i32 {
      %mul3A_64 = arith.constant 1 : i32
      %mul3A_65 = arith.muli %scan3A_63, %mul3A_64 : i32
      %add3A_66 = arith.constant 0 : i32
      %add3A_67 = arith.addi %add3A_66, %mul3A_65 : i32
      %dma_wait3A_68 = arith.constant 0 : i32
      %dma_wait3A_69 = arith.constant 0 : i32
      %dma_wait3A_70 = tpu.memref_slice %arg3[%dma_wait3A_68, %dma_wait3A_69] : memref<2512x128xi32, #tpu.memory_space<hbm>> -> memref<1x128xi32, #tpu.memory_space<hbm>>
      %dma_wait3A_71 = tpu.memref_squeeze %dma_wait3A_70 : memref<1x128xi32, #tpu.memory_space<hbm>> -> memref<128xi32, #tpu.memory_space<hbm>>
      %dma_wait3A_72 = arith.constant 0 : i32
      %dma_wait3A_73 = tpu.memref_slice %arg3[%dma_wait3A_68, %dma_wait3A_72] : memref<2512x128xi32, #tpu.memory_space<hbm>> -> memref<1x128xi32, #tpu.memory_space<hbm>>
      %dma_wait3A_74 = tpu.memref_squeeze %dma_wait3A_73 : memref<1x128xi32, #tpu.memory_space<hbm>> -> memref<128xi32, #tpu.memory_space<hbm>>
      tpu.wait_dma2 semaphore(%arg22 : memref<!tpu.dma_semaphore, #tpu.memory_space<semaphore_mem>>) src(%dma_wait3A_74 : memref<128xi32, #tpu.memory_space<hbm>>) dst(%arg9 : memref<128xi32, #tpu.memory_space<vmem>>)
      %dma_wait3A_75 = arith.constant 0 : i32
      %dma_wait3A_76 = arith.constant 0 : i32
      %dma_wait3A_77 = tpu.memref_slice %arg8[%dma_wait3A_75, %dma_wait3A_76] : memref<157x128xi32, #tpu.memory_space<vmem>> -> memref<1x128xi32, #tpu.memory_space<vmem>>
      %dma_wait3A_78 = tpu.memref_squeeze %dma_wait3A_77 : memref<1x128xi32, #tpu.memory_space<vmem>> -> memref<128xi32, #tpu.memory_space<vmem>>
      %dma_wait3A_79 = arith.constant 0 : i32
      %dma_wait3A_80 = arith.constant 0 : i32
      %dma_wait3A_81 = tpu.memref_slice %arg4[%dma_wait3A_79, %dma_wait3A_80] : memref<10000x96xf32, #tpu.memory_space<hbm>> -> memref<10000x96xf32, #tpu.memory_space<hbm>>
      tpu.wait_indirect_dma semaphore(%arg16 : memref<!tpu.dma_semaphore, #tpu.memory_space<semaphore_mem>>) src(%dma_wait3A_81 : memref<10000x96xf32, #tpu.memory_space<hbm>>) dst(%arg12 : memref<128x96xf32, #tpu.memory_space<vmem>>)
      %mul3A_82 = arith.constant 3 : i32
      %mul3A_83 = arith.muli %mul3A_82, %add3A_67 : i32
      %add3A_84 = arith.constant 0 : i32
      %add3A_85 = arith.addi %mul3A_83, %add3A_84 : i32
      %dma_start3A_86 = arith.constant 0 : i32
      %dma_start3A_87 = arith.constant 0 : i32
      %dma_start3A_88 = tpu.memref_slice %arg15[%dma_start3A_86, %dma_start3A_87] : memref<10240x96xf32, #tpu.memory_space<vmem_shared>> -> memref<10240x96xf32, #tpu.memory_space<vmem_shared>>
      tpu.enqueue_indirect_dma source(%arg12 : memref<128x96xf32, #tpu.memory_space<vmem>>) target(%dma_start3A_88 : memref<10240x96xf32, #tpu.memory_space<vmem_shared>>) offsets(%arg9 : memref<128xi32, #tpu.memory_space<vmem>>) semaphore(%arg19 : memref<!tpu.dma_semaphore, #tpu.memory_space<semaphore_mem>>) {add = true}
      %gt3A = arith.constant 0 : i32
      %gt3A_89 = arith.cmpi sgt, %add3A_67, %gt3A : i32
      %convert_element_type3A_90 = arith.extui %gt3A_89 : i1 to i32
      %cond3A_91 = arith.constant 0 : i32
      %cond3A_92 = arith.cmpi ne, %convert_element_type3A_90, %cond3A_91 : i32
      scf.if %cond3A_92 {
        %dma_wait3A_171 = arith.constant 0 : i32
        %dma_wait3A_172 = arith.constant 0 : i32
        %dma_wait3A_173 = tpu.memref_slice %arg15[%dma_wait3A_171, %dma_wait3A_172] : memref<10240x96xf32, #tpu.memory_space<vmem_shared>> -> memref<10240x96xf32, #tpu.memory_space<vmem_shared>>
        tpu.wait_indirect_dma semaphore(%arg21 : memref<!tpu.dma_semaphore, #tpu.memory_space<semaphore_mem>>) src(%arg14 : memref<128x96xf32, #tpu.memory_space<vmem>>) dst(%dma_wait3A_173 : memref<10240x96xf32, #tpu.memory_space<vmem_shared>>)
        %add3A_174 = arith.constant 2 : i32
        %add3A_175 = arith.addi %add3A_85, %add3A_174 : i32
        %mul3A_176 = arith.constant 157 : i32
        %mul3A_177 = arith.muli %arg1, %mul3A_176 : i32
        %add3A_178 = arith.addi %mul3A_177, %add3A_175 : i32
        %dma_start3A_179 = arith.constant 0 : i32
        %dma_start3A_180 = tpu.memref_slice %arg3[%add3A_178, %dma_start3A_179] : memref<2512x128xi32, #tpu.memory_space<hbm>> -> memref<1x128xi32, #tpu.memory_space<hbm>>
        %dma_start3A_181 = tpu.memref_squeeze %dma_start3A_180 : memref<1x128xi32, #tpu.memory_space<hbm>> -> memref<128xi32, #tpu.memory_space<hbm>>
        %dma_start3A_182 = arith.constant 0 : i32
        %dma_start3A_183 = tpu.memref_slice %arg3[%add3A_178, %dma_start3A_182] : memref<2512x128xi32, #tpu.memory_space<hbm>> -> memref<1x128xi32, #tpu.memory_space<hbm>>
        %dma_start3A_184 = tpu.memref_squeeze %dma_start3A_183 : memref<1x128xi32, #tpu.memory_space<hbm>> -> memref<128xi32, #tpu.memory_space<hbm>>
        tpu.enqueue_dma source(%dma_start3A_184 : memref<128xi32, #tpu.memory_space<hbm>>) target(%arg11 : memref<128xi32, #tpu.memory_space<vmem>>) target_semaphore(%arg24 : memref<!tpu.dma_semaphore, #tpu.memory_space<semaphore_mem>>)
        %eq3A_185 = arith.constant 0 : i32
        %eq3A_186 = arith.cmpi eq, %arg0, %eq3A_185 : i32
        %convert_element_type3A_187 = arith.extui %eq3A_186 : i1 to i32
        %cond3A_188 = arith.constant 0 : i32
        %cond3A_189 = arith.cmpi ne, %convert_element_type3A_187, %cond3A_188 : i32
        scf.if %cond3A_189 {
          %dma_start3A_195 = arith.constant 0 : i32
          %dma_start3A_196 = tpu.memref_slice %arg8[%add3A_175, %dma_start3A_195] : memref<157x128xi32, #tpu.memory_space<vmem>> -> memref<1x128xi32, #tpu.memory_space<vmem>>
          %dma_start3A_197 = tpu.memref_squeeze %dma_start3A_196 : memref<1x128xi32, #tpu.memory_space<vmem>> -> memref<128xi32, #tpu.memory_space<vmem>>
          %dma_start3A_198 = arith.constant 0 : i32
          %dma_start3A_199 = arith.constant 0 : i32
          %dma_start3A_200 = tpu.memref_slice %arg4[%dma_start3A_198, %dma_start3A_199] : memref<10000x96xf32, #tpu.memory_space<hbm>> -> memref<10000x96xf32, #tpu.memory_space<hbm>>
          tpu.enqueue_indirect_dma source(%dma_start3A_200 : memref<10000x96xf32, #tpu.memory_space<hbm>>) target(%arg14 : memref<128x96xf32, #tpu.memory_space<vmem>>) offsets(%dma_start3A_197 : memref<128xi32, #tpu.memory_space<vmem>>) semaphore(%arg18 : memref<!tpu.dma_semaphore, #tpu.memory_space<semaphore_mem>>)
        } else {
        }
        %eq3A_190 = arith.constant 1 : i32
        %eq3A_191 = arith.cmpi eq, %arg0, %eq3A_190 : i32
        %convert_element_type3A_192 = arith.extui %eq3A_191 : i1 to i32
        %cond3A_193 = arith.constant 0 : i32
        %cond3A_194 = arith.cmpi ne, %convert_element_type3A_192, %cond3A_193 : i32
        scf.if %cond3A_194 {
          %dma_start3A_195 = arith.constant 0 : i32
          %dma_start3A_196 = tpu.memref_slice %arg8[%add3A_175, %dma_start3A_195] : memref<157x128xi32, #tpu.memory_space<vmem>> -> memref<1x128xi32, #tpu.memory_space<vmem>>
          %dma_start3A_197 = tpu.memref_squeeze %dma_start3A_196 : memref<1x128xi32, #tpu.memory_space<vmem>> -> memref<128xi32, #tpu.memory_space<vmem>>
          %dma_start3A_198 = arith.constant 0 : i32
          %dma_start3A_199 = arith.constant 0 : i32
          %dma_start3A_200 = tpu.memref_slice %arg5[%dma_start3A_198, %dma_start3A_199] : memref<10000x96xf32, #tpu.memory_space<hbm>> -> memref<10000x96xf32, #tpu.memory_space<hbm>>
          tpu.enqueue_indirect_dma source(%dma_start3A_200 : memref<10000x96xf32, #tpu.memory_space<hbm>>) target(%arg14 : memref<128x96xf32, #tpu.memory_space<vmem>>) offsets(%dma_start3A_197 : memref<128xi32, #tpu.memory_space<vmem>>) semaphore(%arg18 : memref<!tpu.dma_semaphore, #tpu.memory_space<semaphore_mem>>)
        } else {
        }
      } else {
      }
      %eq3A_93 = arith.constant 0 : i32
      %eq3A_94 = arith.cmpi eq, %add3A_67, %eq3A_93 : i32
      %convert_element_type3A_95 = arith.extui %eq3A_94 : i1 to i32
      %cond3A_96 = arith.constant 0 : i32
      %cond3A_97 = arith.cmpi ne, %convert_element_type3A_95, %cond3A_96 : i32
      scf.if %cond3A_97 {
        %add3A_171 = arith.constant 2 : i32
        %add3A_172 = arith.addi %add3A_85, %add3A_171 : i32
        %mul3A_173 = arith.constant 157 : i32
        %mul3A_174 = arith.muli %arg1, %mul3A_173 : i32
        %add3A_175 = arith.addi %mul3A_174, %add3A_172 : i32
        %dma_start3A_176 = arith.constant 0 : i32
        %dma_start3A_177 = tpu.memref_slice %arg3[%add3A_175, %dma_start3A_176] : memref<2512x128xi32, #tpu.memory_space<hbm>> -> memref<1x128xi32, #tpu.memory_space<hbm>>
        %dma_start3A_178 = tpu.memref_squeeze %dma_start3A_177 : memref<1x128xi32, #tpu.memory_space<hbm>> -> memref<128xi32, #tpu.memory_space<hbm>>
        %dma_start3A_179 = arith.constant 0 : i32
        %dma_start3A_180 = tpu.memref_slice %arg3[%add3A_175, %dma_start3A_179] : memref<2512x128xi32, #tpu.memory_space<hbm>> -> memref<1x128xi32, #tpu.memory_space<hbm>>
        %dma_start3A_181 = tpu.memref_squeeze %dma_start3A_180 : memref<1x128xi32, #tpu.memory_space<hbm>> -> memref<128xi32, #tpu.memory_space<hbm>>
        tpu.enqueue_dma source(%dma_start3A_181 : memref<128xi32, #tpu.memory_space<hbm>>) target(%arg11 : memref<128xi32, #tpu.memory_space<vmem>>) target_semaphore(%arg24 : memref<!tpu.dma_semaphore, #tpu.memory_space<semaphore_mem>>)
        %eq3A_182 = arith.constant 0 : i32
        %eq3A_183 = arith.cmpi eq, %arg0, %eq3A_182 : i32
        %convert_element_type3A_184 = arith.extui %eq3A_183 : i1 to i32
        %cond3A_185 = arith.constant 0 : i32
        %cond3A_186 = arith.cmpi ne, %convert_element_type3A_184, %cond3A_185 : i32
        scf.if %cond3A_186 {
          %dma_start3A_192 = arith.constant 0 : i32
          %dma_start3A_193 = tpu.memref_slice %arg8[%add3A_172, %dma_start3A_192] : memref<157x128xi32, #tpu.memory_space<vmem>> -> memref<1x128xi32, #tpu.memory_space<vmem>>
          %dma_start3A_194 = tpu.memref_squeeze %dma_start3A_193 : memref<1x128xi32, #tpu.memory_space<vmem>> -> memref<128xi32, #tpu.memory_space<vmem>>
          %dma_start3A_195 = arith.constant 0 : i32
          %dma_start3A_196 = arith.constant 0 : i32
          %dma_start3A_197 = tpu.memref_slice %arg4[%dma_start3A_195, %dma_start3A_196] : memref<10000x96xf32, #tpu.memory_space<hbm>> -> memref<10000x96xf32, #tpu.memory_space<hbm>>
          tpu.enqueue_indirect_dma source(%dma_start3A_197 : memref<10000x96xf32, #tpu.memory_space<hbm>>) target(%arg14 : memref<128x96xf32, #tpu.memory_space<vmem>>) offsets(%dma_start3A_194 : memref<128xi32, #tpu.memory_space<vmem>>) semaphore(%arg18 : memref<!tpu.dma_semaphore, #tpu.memory_space<semaphore_mem>>)
        } else {
        }
        %eq3A_187 = arith.constant 1 : i32
        %eq3A_188 = arith.cmpi eq, %arg0, %eq3A_187 : i32
        %convert_element_type3A_189 = arith.extui %eq3A_188 : i1 to i32
        %cond3A_190 = arith.constant 0 : i32
        %cond3A_191 = arith.cmpi ne, %convert_element_type3A_189, %cond3A_190 : i32
        scf.if %cond3A_191 {
          %dma_start3A_192 = arith.constant 0 : i32
          %dma_start3A_193 = tpu.memref_slice %arg8[%add3A_172, %dma_start3A_192] : memref<157x128xi32, #tpu.memory_space<vmem>> -> memref<1x128xi32, #tpu.memory_space<vmem>>
          %dma_start3A_194 = tpu.memref_squeeze %dma_start3A_193 : memref<1x128xi32, #tpu.memory_space<vmem>> -> memref<128xi32, #tpu.memory_space<vmem>>
          %dma_start3A_195 = arith.constant 0 : i32
          %dma_start3A_196 = arith.constant 0 : i32
          %dma_start3A_197 = tpu.memref_slice %arg5[%dma_start3A_195, %dma_start3A_196] : memref<10000x96xf32, #tpu.memory_space<hbm>> -> memref<10000x96xf32, #tpu.memory_space<hbm>>
          tpu.enqueue_indirect_dma source(%dma_start3A_197 : memref<10000x96xf32, #tpu.memory_space<hbm>>) target(%arg14 : memref<128x96xf32, #tpu.memory_space<vmem>>) offsets(%dma_start3A_194 : memref<128xi32, #tpu.memory_space<vmem>>) semaphore(%arg18 : memref<!tpu.dma_semaphore, #tpu.memory_space<semaphore_mem>>)
        } else {
        }
      } else {
      }
      %dma_wait3A_98 = arith.constant 0 : i32
      %dma_wait3A_99 = arith.constant 0 : i32
      %dma_wait3A_100 = tpu.memref_slice %arg3[%dma_wait3A_98, %dma_wait3A_99] : memref<2512x128xi32, #tpu.memory_space<hbm>> -> memref<1x128xi32, #tpu.memory_space<hbm>>
      %dma_wait3A_101 = tpu.memref_squeeze %dma_wait3A_100 : memref<1x128xi32, #tpu.memory_space<hbm>> -> memref<128xi32, #tpu.memory_space<hbm>>
      %dma_wait3A_102 = arith.constant 0 : i32
      %dma_wait3A_103 = tpu.memref_slice %arg3[%dma_wait3A_98, %dma_wait3A_102] : memref<2512x128xi32, #tpu.memory_space<hbm>> -> memref<1x128xi32, #tpu.memory_space<hbm>>
      %dma_wait3A_104 = tpu.memref_squeeze %dma_wait3A_103 : memref<1x128xi32, #tpu.memory_space<hbm>> -> memref<128xi32, #tpu.memory_space<hbm>>
      tpu.wait_dma2 semaphore(%arg23 : memref<!tpu.dma_semaphore, #tpu.memory_space<semaphore_mem>>) src(%dma_wait3A_104 : memref<128xi32, #tpu.memory_space<hbm>>) dst(%arg10 : memref<128xi32, #tpu.memory_space<vmem>>)
      %dma_wait3A_105 = arith.constant 0 : i32
      %dma_wait3A_106 = arith.constant 0 : i32
      %dma_wait3A_107 = tpu.memref_slice %arg8[%dma_wait3A_105, %dma_wait3A_106] : memref<157x128xi32, #tpu.memory_space<vmem>> -> memref<1x128xi32, #tpu.memory_space<vmem>>
      %dma_wait3A_108 = tpu.memref_squeeze %dma_wait3A_107 : memref<1x128xi32, #tpu.memory_space<vmem>> -> memref<128xi32, #tpu.memory_space<vmem>>
      %dma_wait3A_109 = arith.constant 0 : i32
      %dma_wait3A_110 = arith.constant 0 : i32
      %dma_wait3A_111 = tpu.memref_slice %arg4[%dma_wait3A_109, %dma_wait3A_110] : memref<10000x96xf32, #tpu.memory_space<hbm>> -> memref<10000x96xf32, #tpu.memory_space<hbm>>
      tpu.wait_indirect_dma semaphore(%arg17 : memref<!tpu.dma_semaphore, #tpu.memory_space<semaphore_mem>>) src(%dma_wait3A_111 : memref<10000x96xf32, #tpu.memory_space<hbm>>) dst(%arg13 : memref<128x96xf32, #tpu.memory_space<vmem>>)
      %mul3A_112 = arith.constant 3 : i32
      %mul3A_113 = arith.muli %mul3A_112, %add3A_67 : i32
      %add3A_114 = arith.constant 1 : i32
      %add3A_115 = arith.addi %mul3A_113, %add3A_114 : i32
      %dma_start3A_116 = arith.constant 0 : i32
      %dma_start3A_117 = arith.constant 0 : i32
      %dma_start3A_118 = tpu.memref_slice %arg15[%dma_start3A_116, %dma_start3A_117] : memref<10240x96xf32, #tpu.memory_space<vmem_shared>> -> memref<10240x96xf32, #tpu.memory_space<vmem_shared>>
      tpu.enqueue_indirect_dma source(%arg13 : memref<128x96xf32, #tpu.memory_space<vmem>>) target(%dma_start3A_118 : memref<10240x96xf32, #tpu.memory_space<vmem_shared>>) offsets(%arg10 : memref<128xi32, #tpu.memory_space<vmem>>) semaphore(%arg20 : memref<!tpu.dma_semaphore, #tpu.memory_space<semaphore_mem>>) {add = true}
      %dma_wait3A_119 = arith.constant 0 : i32
      %dma_wait3A_120 = arith.constant 0 : i32
      %dma_wait3A_121 = tpu.memref_slice %arg15[%dma_wait3A_119, %dma_wait3A_120] : memref<10240x96xf32, #tpu.memory_space<vmem_shared>> -> memref<10240x96xf32, #tpu.memory_space<vmem_shared>>
      tpu.wait_indirect_dma semaphore(%arg19 : memref<!tpu.dma_semaphore, #tpu.memory_space<semaphore_mem>>) src(%arg12 : memref<128x96xf32, #tpu.memory_space<vmem>>) dst(%dma_wait3A_121 : memref<10240x96xf32, #tpu.memory_space<vmem_shared>>)
      %add3A_122 = arith.constant 2 : i32
      %add3A_123 = arith.addi %add3A_115, %add3A_122 : i32
      %mul3A_124 = arith.constant 157 : i32
      %mul3A_125 = arith.muli %arg1, %mul3A_124 : i32
      %add3A_126 = arith.addi %mul3A_125, %add3A_123 : i32
      %dma_start3A_127 = arith.constant 0 : i32
      %dma_start3A_128 = tpu.memref_slice %arg3[%add3A_126, %dma_start3A_127] : memref<2512x128xi32, #tpu.memory_space<hbm>> -> memref<1x128xi32, #tpu.memory_space<hbm>>
      %dma_start3A_129 = tpu.memref_squeeze %dma_start3A_128 : memref<1x128xi32, #tpu.memory_space<hbm>> -> memref<128xi32, #tpu.memory_space<hbm>>
      %dma_start3A_130 = arith.constant 0 : i32
      %dma_start3A_131 = tpu.memref_slice %arg3[%add3A_126, %dma_start3A_130] : memref<2512x128xi32, #tpu.memory_space<hbm>> -> memref<1x128xi32, #tpu.memory_space<hbm>>
      %dma_start3A_132 = tpu.memref_squeeze %dma_start3A_131 : memref<1x128xi32, #tpu.memory_space<hbm>> -> memref<128xi32, #tpu.memory_space<hbm>>
      tpu.enqueue_dma source(%dma_start3A_132 : memref<128xi32, #tpu.memory_space<hbm>>) target(%arg9 : memref<128xi32, #tpu.memory_space<vmem>>) target_semaphore(%arg22 : memref<!tpu.dma_semaphore, #tpu.memory_space<semaphore_mem>>)
      %eq3A_133 = arith.constant 0 : i32
      %eq3A_134 = arith.cmpi eq, %arg0, %eq3A_133 : i32
      %convert_element_type3A_135 = arith.extui %eq3A_134 : i1 to i32
      %cond3A_136 = arith.constant 0 : i32
      %cond3A_137 = arith.cmpi ne, %convert_element_type3A_135, %cond3A_136 : i32
      scf.if %cond3A_137 {
        %dma_start3A_171 = arith.constant 0 : i32
        %dma_start3A_172 = tpu.memref_slice %arg8[%add3A_123, %dma_start3A_171] : memref<157x128xi32, #tpu.memory_space<vmem>> -> memref<1x128xi32, #tpu.memory_space<vmem>>
        %dma_start3A_173 = tpu.memref_squeeze %dma_start3A_172 : memref<1x128xi32, #tpu.memory_space<vmem>> -> memref<128xi32, #tpu.memory_space<vmem>>
        %dma_start3A_174 = arith.constant 0 : i32
        %dma_start3A_175 = arith.constant 0 : i32
        %dma_start3A_176 = tpu.memref_slice %arg4[%dma_start3A_174, %dma_start3A_175] : memref<10000x96xf32, #tpu.memory_space<hbm>> -> memref<10000x96xf32, #tpu.memory_space<hbm>>
        tpu.enqueue_indirect_dma source(%dma_start3A_176 : memref<10000x96xf32, #tpu.memory_space<hbm>>) target(%arg12 : memref<128x96xf32, #tpu.memory_space<vmem>>) offsets(%dma_start3A_173 : memref<128xi32, #tpu.memory_space<vmem>>) semaphore(%arg16 : memref<!tpu.dma_semaphore, #tpu.memory_space<semaphore_mem>>)
      } else {
      }
      %eq3A_138 = arith.constant 1 : i32
      %eq3A_139 = arith.cmpi eq, %arg0, %eq3A_138 : i32
      %convert_element_type3A_140 = arith.extui %eq3A_139 : i1 to i32
      %cond3A_141 = arith.constant 0 : i32
      %cond3A_142 = arith.cmpi ne, %convert_element_type3A_140, %cond3A_141 : i32
      scf.if %cond3A_142 {
        %dma_start3A_171 = arith.constant 0 : i32
        %dma_start3A_172 = tpu.memref_slice %arg8[%add3A_123, %dma_start3A_171] : memref<157x128xi32, #tpu.memory_space<vmem>> -> memref<1x128xi32, #tpu.memory_space<vmem>>
        %dma_start3A_173 = tpu.memref_squeeze %dma_start3A_172 : memref<1x128xi32, #tpu.memory_space<vmem>> -> memref<128xi32, #tpu.memory_space<vmem>>
        %dma_start3A_174 = arith.constant 0 : i32
        %dma_start3A_175 = arith.constant 0 : i32
        %dma_start3A_176 = tpu.memref_slice %arg5[%dma_start3A_174, %dma_start3A_175] : memref<10000x96xf32, #tpu.memory_space<hbm>> -> memref<10000x96xf32, #tpu.memory_space<hbm>>
        tpu.enqueue_indirect_dma source(%dma_start3A_176 : memref<10000x96xf32, #tpu.memory_space<hbm>>) target(%arg12 : memref<128x96xf32, #tpu.memory_space<vmem>>) offsets(%dma_start3A_173 : memref<128xi32, #tpu.memory_space<vmem>>) semaphore(%arg16 : memref<!tpu.dma_semaphore, #tpu.memory_space<semaphore_mem>>)
      } else {
      }
      %dma_wait3A_143 = arith.constant 0 : i32
      %dma_wait3A_144 = arith.constant 0 : i32
      %dma_wait3A_145 = tpu.memref_slice %arg3[%dma_wait3A_143, %dma_wait3A_144] : memref<2512x128xi32, #tpu.memory_space<hbm>> -> memref<1x128xi32, #tpu.memory_space<hbm>>
      %dma_wait3A_146 = tpu.memref_squeeze %dma_wait3A_145 : memref<1x128xi32, #tpu.memory_space<hbm>> -> memref<128xi32, #tpu.memory_space<hbm>>
      %dma_wait3A_147 = arith.constant 0 : i32
      %dma_wait3A_148 = tpu.memref_slice %arg3[%dma_wait3A_143, %dma_wait3A_147] : memref<2512x128xi32, #tpu.memory_space<hbm>> -> memref<1x128xi32, #tpu.memory_space<hbm>>
      %dma_wait3A_149 = tpu.memref_squeeze %dma_wait3A_148 : memref<1x128xi32, #tpu.memory_space<hbm>> -> memref<128xi32, #tpu.memory_space<hbm>>
      tpu.wait_dma2 semaphore(%arg24 : memref<!tpu.dma_semaphore, #tpu.memory_space<semaphore_mem>>) src(%dma_wait3A_149 : memref<128xi32, #tpu.memory_space<hbm>>) dst(%arg11 : memref<128xi32, #tpu.memory_space<vmem>>)
      %dma_wait3A_150 = arith.constant 0 : i32
      %dma_wait3A_151 = arith.constant 0 : i32
      %dma_wait3A_152 = tpu.memref_slice %arg8[%dma_wait3A_150, %dma_wait3A_151] : memref<157x128xi32, #tpu.memory_space<vmem>> -> memref<1x128xi32, #tpu.memory_space<vmem>>
      %dma_wait3A_153 = tpu.memref_squeeze %dma_wait3A_152 : memref<1x128xi32, #tpu.memory_space<vmem>> -> memref<128xi32, #tpu.memory_space<vmem>>
      %dma_wait3A_154 = arith.constant 0 : i32
      %dma_wait3A_155 = arith.constant 0 : i32
      %dma_wait3A_156 = tpu.memref_slice %arg4[%dma_wait3A_154, %dma_wait3A_155] : memref<10000x96xf32, #tpu.memory_space<hbm>> -> memref<10000x96xf32, #tpu.memory_space<hbm>>
      tpu.wait_indirect_dma semaphore(%arg18 : memref<!tpu.dma_semaphore, #tpu.memory_space<semaphore_mem>>) src(%dma_wait3A_156 : memref<10000x96xf32, #tpu.memory_space<hbm>>) dst(%arg14 : memref<128x96xf32, #tpu.memory_space<vmem>>)
      %mul3A_157 = arith.constant 3 : i32
      %mul3A_158 = arith.muli %mul3A_157, %add3A_67 : i32
      %add3A_159 = arith.constant 2 : i32
      %add3A_160 = arith.addi %mul3A_158, %add3A_159 : i32
      %dma_start3A_161 = arith.constant 0 : i32
      %dma_start3A_162 = arith.constant 0 : i32
      %dma_start3A_163 = tpu.memref_slice %arg15[%dma_start3A_161, %dma_start3A_162] : memref<10240x96xf32, #tpu.memory_space<vmem_shared>> -> memref<10240x96xf32, #tpu.memory_space<vmem_shared>>
      tpu.enqueue_indirect_dma source(%arg14 : memref<128x96xf32, #tpu.memory_space<vmem>>) target(%dma_start3A_163 : memref<10240x96xf32, #tpu.memory_space<vmem_shared>>) offsets(%arg11 : memref<128xi32, #tpu.memory_space<vmem>>) semaphore(%arg21 : memref<!tpu.dma_semaphore, #tpu.memory_space<semaphore_mem>>) {add = true}
      %dma_wait3A_164 = arith.constant 0 : i32
      %dma_wait3A_165 = arith.constant 0 : i32
      %dma_wait3A_166 = tpu.memref_slice %arg15[%dma_wait3A_164, %dma_wait3A_165] : memref<10240x96xf32, #tpu.memory_space<vmem_shared>> -> memref<10240x96xf32, #tpu.memory_space<vmem_shared>>
      tpu.wait_indirect_dma semaphore(%arg20 : memref<!tpu.dma_semaphore, #tpu.memory_space<semaphore_mem>>) src(%arg13 : memref<128x96xf32, #tpu.memory_space<vmem>>) dst(%dma_wait3A_166 : memref<10240x96xf32, #tpu.memory_space<vmem_shared>>)
      %lt3A = arith.constant 51 : i32
      %lt3A_167 = arith.cmpi slt, %add3A_67, %lt3A : i32
      %convert_element_type3A_168 = arith.extui %lt3A_167 : i1 to i32
      %cond3A_169 = arith.constant 0 : i32
      %cond3A_170 = arith.cmpi ne, %convert_element_type3A_168, %cond3A_169 : i32
      scf.if %cond3A_170 {
        %add3A_171 = arith.constant 2 : i32
        %add3A_172 = arith.addi %add3A_160, %add3A_171 : i32
        %mul3A_173 = arith.constant 157 : i32
        %mul3A_174 = arith.muli %arg1, %mul3A_173 : i32
        %add3A_175 = arith.addi %mul3A_174, %add3A_172 : i32
        %dma_start3A_176 = arith.constant 0 : i32
        %dma_start3A_177 = tpu.memref_slice %arg3[%add3A_175, %dma_start3A_176] : memref<2512x128xi32, #tpu.memory_space<hbm>> -> memref<1x128xi32, #tpu.memory_space<hbm>>
        %dma_start3A_178 = tpu.memref_squeeze %dma_start3A_177 : memref<1x128xi32, #tpu.memory_space<hbm>> -> memref<128xi32, #tpu.memory_space<hbm>>
        %dma_start3A_179 = arith.constant 0 : i32
        %dma_start3A_180 = tpu.memref_slice %arg3[%add3A_175, %dma_start3A_179] : memref<2512x128xi32, #tpu.memory_space<hbm>> -> memref<1x128xi32, #tpu.memory_space<hbm>>
        %dma_start3A_181 = tpu.memref_squeeze %dma_start3A_180 : memref<1x128xi32, #tpu.memory_space<hbm>> -> memref<128xi32, #tpu.memory_space<hbm>>
        tpu.enqueue_dma source(%dma_start3A_181 : memref<128xi32, #tpu.memory_space<hbm>>) target(%arg10 : memref<128xi32, #tpu.memory_space<vmem>>) target_semaphore(%arg23 : memref<!tpu.dma_semaphore, #tpu.memory_space<semaphore_mem>>)
        %eq3A_182 = arith.constant 0 : i32
        %eq3A_183 = arith.cmpi eq, %arg0, %eq3A_182 : i32
        %convert_element_type3A_184 = arith.extui %eq3A_183 : i1 to i32
        %cond3A_185 = arith.constant 0 : i32
        %cond3A_186 = arith.cmpi ne, %convert_element_type3A_184, %cond3A_185 : i32
        scf.if %cond3A_186 {
          %dma_start3A_192 = arith.constant 0 : i32
          %dma_start3A_193 = tpu.memref_slice %arg8[%add3A_172, %dma_start3A_192] : memref<157x128xi32, #tpu.memory_space<vmem>> -> memref<1x128xi32, #tpu.memory_space<vmem>>
          %dma_start3A_194 = tpu.memref_squeeze %dma_start3A_193 : memref<1x128xi32, #tpu.memory_space<vmem>> -> memref<128xi32, #tpu.memory_space<vmem>>
          %dma_start3A_195 = arith.constant 0 : i32
          %dma_start3A_196 = arith.constant 0 : i32
          %dma_start3A_197 = tpu.memref_slice %arg4[%dma_start3A_195, %dma_start3A_196] : memref<10000x96xf32, #tpu.memory_space<hbm>> -> memref<10000x96xf32, #tpu.memory_space<hbm>>
          tpu.enqueue_indirect_dma source(%dma_start3A_197 : memref<10000x96xf32, #tpu.memory_space<hbm>>) target(%arg13 : memref<128x96xf32, #tpu.memory_space<vmem>>) offsets(%dma_start3A_194 : memref<128xi32, #tpu.memory_space<vmem>>) semaphore(%arg17 : memref<!tpu.dma_semaphore, #tpu.memory_space<semaphore_mem>>)
        } else {
        }
        %eq3A_187 = arith.constant 1 : i32
        %eq3A_188 = arith.cmpi eq, %arg0, %eq3A_187 : i32
        %convert_element_type3A_189 = arith.extui %eq3A_188 : i1 to i32
        %cond3A_190 = arith.constant 0 : i32
        %cond3A_191 = arith.cmpi ne, %convert_element_type3A_189, %cond3A_190 : i32
        scf.if %cond3A_191 {
          %dma_start3A_192 = arith.constant 0 : i32
          %dma_start3A_193 = tpu.memref_slice %arg8[%add3A_172, %dma_start3A_192] : memref<157x128xi32, #tpu.memory_space<vmem>> -> memref<1x128xi32, #tpu.memory_space<vmem>>
          %dma_start3A_194 = tpu.memref_squeeze %dma_start3A_193 : memref<1x128xi32, #tpu.memory_space<vmem>> -> memref<128xi32, #tpu.memory_space<vmem>>
          %dma_start3A_195 = arith.constant 0 : i32
          %dma_start3A_196 = arith.constant 0 : i32
          %dma_start3A_197 = tpu.memref_slice %arg5[%dma_start3A_195, %dma_start3A_196] : memref<10000x96xf32, #tpu.memory_space<hbm>> -> memref<10000x96xf32, #tpu.memory_space<hbm>>
          tpu.enqueue_indirect_dma source(%dma_start3A_197 : memref<10000x96xf32, #tpu.memory_space<hbm>>) target(%arg13 : memref<128x96xf32, #tpu.memory_space<vmem>>) offsets(%dma_start3A_194 : memref<128xi32, #tpu.memory_space<vmem>>) semaphore(%arg17 : memref<!tpu.dma_semaphore, #tpu.memory_space<semaphore_mem>>)
        } else {
        }
      } else {
      }
    }
    %scan3A_41 = arith.constant 52 : i32
    %dma_wait3A = arith.constant 0 : i32
    %dma_wait3A_42 = arith.constant 0 : i32
    %dma_wait3A_43 = tpu.memref_slice %arg15[%dma_wait3A, %dma_wait3A_42] : memref<10240x96xf32, #tpu.memory_space<vmem_shared>> -> memref<10240x96xf32, #tpu.memory_space<vmem_shared>>
    tpu.wait_indirect_dma semaphore(%arg21 : memref<!tpu.dma_semaphore, #tpu.memory_space<semaphore_mem>>) src(%arg14 : memref<128x96xf32, #tpu.memory_space<vmem>>) dst(%dma_wait3A_43 : memref<10240x96xf32, #tpu.memory_space<vmem_shared>>)
    %dma_wait3A_44 = arith.constant 0 : i32
    %dma_wait3A_45 = arith.constant 0 : i32
    %dma_wait3A_46 = tpu.memref_slice %arg3[%dma_wait3A_44, %dma_wait3A_45] : memref<2512x128xi32, #tpu.memory_space<hbm>> -> memref<1x128xi32, #tpu.memory_space<hbm>>
    %dma_wait3A_47 = tpu.memref_squeeze %dma_wait3A_46 : memref<1x128xi32, #tpu.memory_space<hbm>> -> memref<128xi32, #tpu.memory_space<hbm>>
    %dma_wait3A_48 = arith.constant 0 : i32
    %dma_wait3A_49 = tpu.memref_slice %arg3[%dma_wait3A_44, %dma_wait3A_48] : memref<2512x128xi32, #tpu.memory_space<hbm>> -> memref<1x128xi32, #tpu.memory_space<hbm>>
    %dma_wait3A_50 = tpu.memref_squeeze %dma_wait3A_49 : memref<1x128xi32, #tpu.memory_space<hbm>> -> memref<128xi32, #tpu.memory_space<hbm>>
    tpu.wait_dma2 semaphore(%arg22 : memref<!tpu.dma_semaphore, #tpu.memory_space<semaphore_mem>>) src(%dma_wait3A_50 : memref<128xi32, #tpu.memory_space<hbm>>) dst(%arg9 : memref<128xi32, #tpu.memory_space<vmem>>)
    %dma_wait3A_51 = arith.constant 0 : i32
    %dma_wait3A_52 = arith.constant 0 : i32
    %dma_wait3A_53 = tpu.memref_slice %arg8[%dma_wait3A_51, %dma_wait3A_52] : memref<157x128xi32, #tpu.memory_space<vmem>> -> memref<1x128xi32, #tpu.memory_space<vmem>>
    %dma_wait3A_54 = tpu.memref_squeeze %dma_wait3A_53 : memref<1x128xi32, #tpu.memory_space<vmem>> -> memref<128xi32, #tpu.memory_space<vmem>>
    %dma_wait3A_55 = arith.constant 0 : i32
    %dma_wait3A_56 = arith.constant 0 : i32
    %dma_wait3A_57 = tpu.memref_slice %arg4[%dma_wait3A_55, %dma_wait3A_56] : memref<10000x96xf32, #tpu.memory_space<hbm>> -> memref<10000x96xf32, #tpu.memory_space<hbm>>
    tpu.wait_indirect_dma semaphore(%arg16 : memref<!tpu.dma_semaphore, #tpu.memory_space<semaphore_mem>>) src(%dma_wait3A_57 : memref<10000x96xf32, #tpu.memory_space<hbm>>) dst(%arg12 : memref<128x96xf32, #tpu.memory_space<vmem>>)
    "tpu.region"() ({
      %run_scoped3A = tpu.sem_alloc : memref<!tpu.dma_semaphore, #tpu.memory_space<semaphore_mem>>
      %dma_start3A_63 = arith.constant 0 : i32
      %dma_start3A_64 = arith.constant 0 : i32
      %dma_start3A_65 = tpu.memref_slice %arg15[%dma_start3A_63, %dma_start3A_64] : memref<10240x96xf32, #tpu.memory_space<vmem_shared>> -> memref<10240x96xf32, #tpu.memory_space<vmem_shared>>
      tpu.enqueue_indirect_dma source(%arg12 : memref<128x96xf32, #tpu.memory_space<vmem>>) target(%dma_start3A_65 : memref<10240x96xf32, #tpu.memory_space<vmem_shared>>) offsets(%arg9 : memref<128xi32, #tpu.memory_space<vmem>>) semaphore(%run_scoped3A : memref<!tpu.dma_semaphore, #tpu.memory_space<semaphore_mem>>) {add = true}
      %dma_wait3A_66 = arith.constant 0 : i32
      %dma_wait3A_67 = arith.constant 0 : i32
      %dma_wait3A_68 = tpu.memref_slice %arg15[%dma_wait3A_66, %dma_wait3A_67] : memref<10240x96xf32, #tpu.memory_space<vmem_shared>> -> memref<10240x96xf32, #tpu.memory_space<vmem_shared>>
      tpu.wait_indirect_dma semaphore(%run_scoped3A : memref<!tpu.dma_semaphore, #tpu.memory_space<semaphore_mem>>) src(%arg12 : memref<128x96xf32, #tpu.memory_space<vmem>>) dst(%dma_wait3A_68 : memref<10240x96xf32, #tpu.memory_space<vmem_shared>>)
      tpu.yield
    }) : () -> ()
    %barrier3A_58 = arith.constant 0 : index
    tpu.barrier barrier_id(%barrier3A_58)
    %mul3A_59 = arith.constant 640 : i32
    %mul3A_60 = arith.muli %arg1, %mul3A_59 : i32
    %mul3A_61 = arith.constant 640 : i32
    %mul3A_62 = arith.muli %arg1, %mul3A_61 : i32
    "tpu.region"() ({
      %run_scoped3A = tpu.sem_alloc : memref<!tpu.dma_semaphore, #tpu.memory_space<semaphore_mem>>
      %dma_start3A_63 = arith.constant 0 : i32
      %dma_start3A_64 = tpu.memref_slice %arg7[%arg0, %mul3A_62, %dma_start3A_63] : memref<2x10240x96xf32, #tpu.memory_space<hbm>> -> memref<1x640x96xf32, #tpu.memory_space<hbm>>
      %dma_start3A_65 = tpu.memref_squeeze %dma_start3A_64 : memref<1x640x96xf32, #tpu.memory_space<hbm>> -> memref<640x96xf32, #tpu.memory_space<hbm>>
      %dma_start3A_66 = arith.constant 0 : i32
      %dma_start3A_67 = tpu.memref_slice %arg15[%mul3A_60, %dma_start3A_66] : memref<10240x96xf32, #tpu.memory_space<vmem_shared>> -> memref<640x96xf32, #tpu.memory_space<vmem_shared>>
      tpu.enqueue_dma source(%dma_start3A_67 : memref<640x96xf32, #tpu.memory_space<vmem_shared>>) target(%dma_start3A_65 : memref<640x96xf32, #tpu.memory_space<hbm>>) target_semaphore(%run_scoped3A : memref<!tpu.dma_semaphore, #tpu.memory_space<semaphore_mem>>)
      %dma_wait3A_68 = arith.constant 0 : i32
      %dma_wait3A_69 = tpu.memref_slice %arg7[%arg0, %mul3A_62, %dma_wait3A_68] : memref<2x10240x96xf32, #tpu.memory_space<hbm>> -> memref<1x640x96xf32, #tpu.memory_space<hbm>>
      %dma_wait3A_70 = tpu.memref_squeeze %dma_wait3A_69 : memref<1x640x96xf32, #tpu.memory_space<hbm>> -> memref<640x96xf32, #tpu.memory_space<hbm>>
      %dma_wait3A_71 = arith.constant 0 : i32
      %dma_wait3A_72 = tpu.memref_slice %arg15[%mul3A_60, %dma_wait3A_71] : memref<10240x96xf32, #tpu.memory_space<vmem_shared>> -> memref<640x96xf32, #tpu.memory_space<vmem_shared>>
      tpu.wait_dma2 semaphore(%run_scoped3A : memref<!tpu.dma_semaphore, #tpu.memory_space<semaphore_mem>>) src(%dma_wait3A_72 : memref<640x96xf32, #tpu.memory_space<vmem_shared>>) dst(%dma_wait3A_70 : memref<640x96xf32, #tpu.memory_space<hbm>>)
      tpu.yield
    }) : () -> ()
    return
  }
}

#map = affine_map<(d0, d1) -> (0, 0)>
#map1 = affine_map<(d0, d1) -> (0, 0, 0)>
module attributes {stable_mosaic.version = 14 : i64} {
  func.func @edge_kernel(%arg0: i32, %arg1: i32, %arg2: memref<2512x128xi32, #tpu.memory_space<hbm>>, %arg3: memref<2512x128xi32, #tpu.memory_space<hbm>>, %arg4: memref<10000x64xf32, #tpu.memory_space<hbm>>, %arg5: memref<10000x64xf32, #tpu.memory_space<hbm>>, %arg6: memref<640x64xf32, #tpu.memory_space<hbm>>, %arg7: memref<2x10240x64xf32, #tpu.memory_space<hbm>>, %arg8: memref<157x128xi32, #tpu.memory_space<vmem>>, %arg9: memref<128xi32, #tpu.memory_space<vmem>>, %arg10: memref<128xi32, #tpu.memory_space<vmem>>, %arg11: memref<128xi32, #tpu.memory_space<vmem>>, %arg12: memref<128x64xf32, #tpu.memory_space<vmem>>, %arg13: memref<128x64xf32, #tpu.memory_space<vmem>>, %arg14: memref<128x64xf32, #tpu.memory_space<vmem>>, %arg15: memref<10240x64xf32, #tpu.memory_space<vmem_shared>>, %arg16: memref<!tpu.dma_semaphore, #tpu.memory_space<semaphore_mem>>, %arg17: memref<!tpu.dma_semaphore, #tpu.memory_space<semaphore_mem>>, %arg18: memref<!tpu.dma_semaphore, #tpu.memory_space<semaphore_mem>>, %arg19: memref<!tpu.dma_semaphore, #tpu.memory_space<semaphore_mem>>, %arg20: memref<!tpu.dma_semaphore, #tpu.memory_space<semaphore_mem>>, %arg21: memref<!tpu.dma_semaphore, #tpu.memory_space<semaphore_mem>>, %arg22: memref<!tpu.dma_semaphore, #tpu.memory_space<semaphore_mem>>, %arg23: memref<!tpu.dma_semaphore, #tpu.memory_space<semaphore_mem>>, %arg24: memref<!tpu.dma_semaphore, #tpu.memory_space<semaphore_mem>>) attributes {dimension_semantics = [#tpu.dimension_semantics<core_parallel>, #tpu.dimension_semantics<subcore_parallel>], iteration_bounds = array<i64: 2, 16>, scalar_prefetch = 0 : i64, scratch_operands = 17 : i64, tpu.core_type = #tpu.core_type<sc_vector_subcore>, window_params = [{transform_indices = #map}, {transform_indices = #map}, {transform_indices = #map}, {transform_indices = #map}, {transform_indices = #map}, {transform_indices = #map1}]} {
    %mul3A = arith.constant 640 : i32
    %mul3A_0 = arith.muli %arg1, %mul3A : i32
    "tpu.region"() ({
      %run_scoped3A = tpu.sem_alloc : memref<!tpu.dma_semaphore, #tpu.memory_space<semaphore_mem>>
      %dma_start3A_63 = arith.constant 0 : i32
      %dma_start3A_64 = tpu.memref_slice %arg15[%mul3A_0, %dma_start3A_63] : memref<10240x64xf32, #tpu.memory_space<vmem_shared>> -> memref<640x64xf32, #tpu.memory_space<vmem_shared>>
      tpu.enqueue_dma source(%arg6 : memref<640x64xf32, #tpu.memory_space<hbm>>) target(%dma_start3A_64 : memref<640x64xf32, #tpu.memory_space<vmem_shared>>) target_semaphore(%run_scoped3A : memref<!tpu.dma_semaphore, #tpu.memory_space<semaphore_mem>>)
      %dma_wait3A_65 = arith.constant 0 : i32
      %dma_wait3A_66 = tpu.memref_slice %arg15[%mul3A_0, %dma_wait3A_65] : memref<10240x64xf32, #tpu.memory_space<vmem_shared>> -> memref<640x64xf32, #tpu.memory_space<vmem_shared>>
      tpu.wait_dma2 semaphore(%run_scoped3A : memref<!tpu.dma_semaphore, #tpu.memory_space<semaphore_mem>>) src(%arg6 : memref<640x64xf32, #tpu.memory_space<hbm>>) dst(%dma_wait3A_66 : memref<640x64xf32, #tpu.memory_space<vmem_shared>>)
      tpu.yield
    }) : () -> ()
    %mul3A_1 = arith.constant 157 : i32
    %mul3A_2 = arith.muli %arg1, %mul3A_1 : i32
    "tpu.region"() ({
      %run_scoped3A = tpu.sem_alloc : memref<!tpu.dma_semaphore, #tpu.memory_space<semaphore_mem>>
      %dma_start3A_63 = arith.constant 0 : i32
      %dma_start3A_64 = tpu.memref_slice %arg2[%mul3A_2, %dma_start3A_63] : memref<2512x128xi32, #tpu.memory_space<hbm>> -> memref<157x128xi32, #tpu.memory_space<hbm>>
      %dma_start3A_65 = arith.constant 0 : i32
      %dma_start3A_66 = tpu.memref_slice %arg2[%mul3A_2, %dma_start3A_65] : memref<2512x128xi32, #tpu.memory_space<hbm>> -> memref<157x128xi32, #tpu.memory_space<hbm>>
      tpu.enqueue_dma source(%dma_start3A_66 : memref<157x128xi32, #tpu.memory_space<hbm>>) target(%arg8 : memref<157x128xi32, #tpu.memory_space<vmem>>) target_semaphore(%run_scoped3A : memref<!tpu.dma_semaphore, #tpu.memory_space<semaphore_mem>>)
      %dma_wait3A_67 = arith.constant 0 : i32
      %dma_wait3A_68 = tpu.memref_slice %arg2[%mul3A_2, %dma_wait3A_67] : memref<2512x128xi32, #tpu.memory_space<hbm>> -> memref<157x128xi32, #tpu.memory_space<hbm>>
      %dma_wait3A_69 = arith.constant 0 : i32
      %dma_wait3A_70 = tpu.memref_slice %arg2[%mul3A_2, %dma_wait3A_69] : memref<2512x128xi32, #tpu.memory_space<hbm>> -> memref<157x128xi32, #tpu.memory_space<hbm>>
      tpu.wait_dma2 semaphore(%run_scoped3A : memref<!tpu.dma_semaphore, #tpu.memory_space<semaphore_mem>>) src(%dma_wait3A_70 : memref<157x128xi32, #tpu.memory_space<hbm>>) dst(%arg8 : memref<157x128xi32, #tpu.memory_space<vmem>>)
      tpu.yield
    }) : () -> ()
    %barrier3A = arith.constant 0 : index
    tpu.barrier barrier_id(%barrier3A)
    %mul3A_3 = arith.constant 157 : i32
    %mul3A_4 = arith.muli %arg1, %mul3A_3 : i32
    %add3A = arith.constant 0 : i32
    %add3A_5 = arith.addi %mul3A_4, %add3A : i32
    %dma_start3A = arith.constant 0 : i32
    %dma_start3A_6 = tpu.memref_slice %arg3[%add3A_5, %dma_start3A] : memref<2512x128xi32, #tpu.memory_space<hbm>> -> memref<1x128xi32, #tpu.memory_space<hbm>>
    %dma_start3A_7 = tpu.memref_squeeze %dma_start3A_6 : memref<1x128xi32, #tpu.memory_space<hbm>> -> memref<128xi32, #tpu.memory_space<hbm>>
    %dma_start3A_8 = arith.constant 0 : i32
    %dma_start3A_9 = tpu.memref_slice %arg3[%add3A_5, %dma_start3A_8] : memref<2512x128xi32, #tpu.memory_space<hbm>> -> memref<1x128xi32, #tpu.memory_space<hbm>>
    %dma_start3A_10 = tpu.memref_squeeze %dma_start3A_9 : memref<1x128xi32, #tpu.memory_space<hbm>> -> memref<128xi32, #tpu.memory_space<hbm>>
    tpu.enqueue_dma source(%dma_start3A_10 : memref<128xi32, #tpu.memory_space<hbm>>) target(%arg9 : memref<128xi32, #tpu.memory_space<vmem>>) target_semaphore(%arg22 : memref<!tpu.dma_semaphore, #tpu.memory_space<semaphore_mem>>)
    %eq3A = arith.constant 0 : i32
    %eq3A_11 = arith.cmpi eq, %arg0, %eq3A : i32
    %convert_element_type3A = arith.extui %eq3A_11 : i1 to i32
    %cond3A = arith.constant 0 : i32
    %cond3A_12 = arith.cmpi ne, %convert_element_type3A, %cond3A : i32
    scf.if %cond3A_12 {
      %dma_start3A_63 = arith.constant 0 : i32
      %dma_start3A_64 = arith.constant 0 : i32
      %dma_start3A_65 = tpu.memref_slice %arg8[%dma_start3A_63, %dma_start3A_64] : memref<157x128xi32, #tpu.memory_space<vmem>> -> memref<1x128xi32, #tpu.memory_space<vmem>>
      %dma_start3A_66 = tpu.memref_squeeze %dma_start3A_65 : memref<1x128xi32, #tpu.memory_space<vmem>> -> memref<128xi32, #tpu.memory_space<vmem>>
      %dma_start3A_67 = arith.constant 0 : i32
      %dma_start3A_68 = arith.constant 0 : i32
      %dma_start3A_69 = tpu.memref_slice %arg4[%dma_start3A_67, %dma_start3A_68] : memref<10000x64xf32, #tpu.memory_space<hbm>> -> memref<10000x64xf32, #tpu.memory_space<hbm>>
      tpu.enqueue_indirect_dma source(%dma_start3A_69 : memref<10000x64xf32, #tpu.memory_space<hbm>>) target(%arg12 : memref<128x64xf32, #tpu.memory_space<vmem>>) offsets(%dma_start3A_66 : memref<128xi32, #tpu.memory_space<vmem>>) semaphore(%arg16 : memref<!tpu.dma_semaphore, #tpu.memory_space<semaphore_mem>>)
    } else {
    }
    %eq3A_13 = arith.constant 1 : i32
    %eq3A_14 = arith.cmpi eq, %arg0, %eq3A_13 : i32
    %convert_element_type3A_15 = arith.extui %eq3A_14 : i1 to i32
    %cond3A_16 = arith.constant 0 : i32
    %cond3A_17 = arith.cmpi ne, %convert_element_type3A_15, %cond3A_16 : i32
    scf.if %cond3A_17 {
      %dma_start3A_63 = arith.constant 0 : i32
      %dma_start3A_64 = arith.constant 0 : i32
      %dma_start3A_65 = tpu.memref_slice %arg8[%dma_start3A_63, %dma_start3A_64] : memref<157x128xi32, #tpu.memory_space<vmem>> -> memref<1x128xi32, #tpu.memory_space<vmem>>
      %dma_start3A_66 = tpu.memref_squeeze %dma_start3A_65 : memref<1x128xi32, #tpu.memory_space<vmem>> -> memref<128xi32, #tpu.memory_space<vmem>>
      %dma_start3A_67 = arith.constant 0 : i32
      %dma_start3A_68 = arith.constant 0 : i32
      %dma_start3A_69 = tpu.memref_slice %arg5[%dma_start3A_67, %dma_start3A_68] : memref<10000x64xf32, #tpu.memory_space<hbm>> -> memref<10000x64xf32, #tpu.memory_space<hbm>>
      tpu.enqueue_indirect_dma source(%dma_start3A_69 : memref<10000x64xf32, #tpu.memory_space<hbm>>) target(%arg12 : memref<128x64xf32, #tpu.memory_space<vmem>>) offsets(%dma_start3A_66 : memref<128xi32, #tpu.memory_space<vmem>>) semaphore(%arg16 : memref<!tpu.dma_semaphore, #tpu.memory_space<semaphore_mem>>)
    } else {
    }
    %mul3A_18 = arith.constant 157 : i32
    %mul3A_19 = arith.muli %arg1, %mul3A_18 : i32
    %add3A_20 = arith.constant 1 : i32
    %add3A_21 = arith.addi %mul3A_19, %add3A_20 : i32
    %dma_start3A_22 = arith.constant 0 : i32
    %dma_start3A_23 = tpu.memref_slice %arg3[%add3A_21, %dma_start3A_22] : memref<2512x128xi32, #tpu.memory_space<hbm>> -> memref<1x128xi32, #tpu.memory_space<hbm>>
    %dma_start3A_24 = tpu.memref_squeeze %dma_start3A_23 : memref<1x128xi32, #tpu.memory_space<hbm>> -> memref<128xi32, #tpu.memory_space<hbm>>
    %dma_start3A_25 = arith.constant 0 : i32
    %dma_start3A_26 = tpu.memref_slice %arg3[%add3A_21, %dma_start3A_25] : memref<2512x128xi32, #tpu.memory_space<hbm>> -> memref<1x128xi32, #tpu.memory_space<hbm>>
    %dma_start3A_27 = tpu.memref_squeeze %dma_start3A_26 : memref<1x128xi32, #tpu.memory_space<hbm>> -> memref<128xi32, #tpu.memory_space<hbm>>
    tpu.enqueue_dma source(%dma_start3A_27 : memref<128xi32, #tpu.memory_space<hbm>>) target(%arg10 : memref<128xi32, #tpu.memory_space<vmem>>) target_semaphore(%arg23 : memref<!tpu.dma_semaphore, #tpu.memory_space<semaphore_mem>>)
    %eq3A_28 = arith.constant 0 : i32
    %eq3A_29 = arith.cmpi eq, %arg0, %eq3A_28 : i32
    %convert_element_type3A_30 = arith.extui %eq3A_29 : i1 to i32
    %cond3A_31 = arith.constant 0 : i32
    %cond3A_32 = arith.cmpi ne, %convert_element_type3A_30, %cond3A_31 : i32
    scf.if %cond3A_32 {
      %dma_start3A_63 = arith.constant 1 : i32
      %dma_start3A_64 = arith.constant 0 : i32
      %dma_start3A_65 = tpu.memref_slice %arg8[%dma_start3A_63, %dma_start3A_64] : memref<157x128xi32, #tpu.memory_space<vmem>> -> memref<1x128xi32, #tpu.memory_space<vmem>>
      %dma_start3A_66 = tpu.memref_squeeze %dma_start3A_65 : memref<1x128xi32, #tpu.memory_space<vmem>> -> memref<128xi32, #tpu.memory_space<vmem>>
      %dma_start3A_67 = arith.constant 0 : i32
      %dma_start3A_68 = arith.constant 0 : i32
      %dma_start3A_69 = tpu.memref_slice %arg4[%dma_start3A_67, %dma_start3A_68] : memref<10000x64xf32, #tpu.memory_space<hbm>> -> memref<10000x64xf32, #tpu.memory_space<hbm>>
      tpu.enqueue_indirect_dma source(%dma_start3A_69 : memref<10000x64xf32, #tpu.memory_space<hbm>>) target(%arg13 : memref<128x64xf32, #tpu.memory_space<vmem>>) offsets(%dma_start3A_66 : memref<128xi32, #tpu.memory_space<vmem>>) semaphore(%arg17 : memref<!tpu.dma_semaphore, #tpu.memory_space<semaphore_mem>>)
    } else {
    }
    %eq3A_33 = arith.constant 1 : i32
    %eq3A_34 = arith.cmpi eq, %arg0, %eq3A_33 : i32
    %convert_element_type3A_35 = arith.extui %eq3A_34 : i1 to i32
    %cond3A_36 = arith.constant 0 : i32
    %cond3A_37 = arith.cmpi ne, %convert_element_type3A_35, %cond3A_36 : i32
    scf.if %cond3A_37 {
      %dma_start3A_63 = arith.constant 1 : i32
      %dma_start3A_64 = arith.constant 0 : i32
      %dma_start3A_65 = tpu.memref_slice %arg8[%dma_start3A_63, %dma_start3A_64] : memref<157x128xi32, #tpu.memory_space<vmem>> -> memref<1x128xi32, #tpu.memory_space<vmem>>
      %dma_start3A_66 = tpu.memref_squeeze %dma_start3A_65 : memref<1x128xi32, #tpu.memory_space<vmem>> -> memref<128xi32, #tpu.memory_space<vmem>>
      %dma_start3A_67 = arith.constant 0 : i32
      %dma_start3A_68 = arith.constant 0 : i32
      %dma_start3A_69 = tpu.memref_slice %arg5[%dma_start3A_67, %dma_start3A_68] : memref<10000x64xf32, #tpu.memory_space<hbm>> -> memref<10000x64xf32, #tpu.memory_space<hbm>>
      tpu.enqueue_indirect_dma source(%dma_start3A_69 : memref<10000x64xf32, #tpu.memory_space<hbm>>) target(%arg13 : memref<128x64xf32, #tpu.memory_space<vmem>>) offsets(%dma_start3A_66 : memref<128xi32, #tpu.memory_space<vmem>>) semaphore(%arg17 : memref<!tpu.dma_semaphore, #tpu.memory_space<semaphore_mem>>)
    } else {
    }
    %scan3A = arith.constant 0 : i32
    %scan3A_38 = arith.constant 52 : i32
    %scan3A_39 = arith.addi %scan3A, %scan3A_38 : i32
    %scan3A_40 = arith.constant 1 : i32
    scf.for %scan3A_63 = %scan3A to %scan3A_39 step %scan3A_40  : i32 {
      %mul3A_64 = arith.constant 1 : i32
      %mul3A_65 = arith.muli %scan3A_63, %mul3A_64 : i32
      %add3A_66 = arith.constant 0 : i32
      %add3A_67 = arith.addi %add3A_66, %mul3A_65 : i32
      %dma_wait3A_68 = arith.constant 0 : i32
      %dma_wait3A_69 = arith.constant 0 : i32
      %dma_wait3A_70 = tpu.memref_slice %arg3[%dma_wait3A_68, %dma_wait3A_69] : memref<2512x128xi32, #tpu.memory_space<hbm>> -> memref<1x128xi32, #tpu.memory_space<hbm>>
      %dma_wait3A_71 = tpu.memref_squeeze %dma_wait3A_70 : memref<1x128xi32, #tpu.memory_space<hbm>> -> memref<128xi32, #tpu.memory_space<hbm>>
      %dma_wait3A_72 = arith.constant 0 : i32
      %dma_wait3A_73 = tpu.memref_slice %arg3[%dma_wait3A_68, %dma_wait3A_72] : memref<2512x128xi32, #tpu.memory_space<hbm>> -> memref<1x128xi32, #tpu.memory_space<hbm>>
      %dma_wait3A_74 = tpu.memref_squeeze %dma_wait3A_73 : memref<1x128xi32, #tpu.memory_space<hbm>> -> memref<128xi32, #tpu.memory_space<hbm>>
      tpu.wait_dma2 semaphore(%arg22 : memref<!tpu.dma_semaphore, #tpu.memory_space<semaphore_mem>>) src(%dma_wait3A_74 : memref<128xi32, #tpu.memory_space<hbm>>) dst(%arg9 : memref<128xi32, #tpu.memory_space<vmem>>)
      %dma_wait3A_75 = arith.constant 0 : i32
      %dma_wait3A_76 = arith.constant 0 : i32
      %dma_wait3A_77 = tpu.memref_slice %arg8[%dma_wait3A_75, %dma_wait3A_76] : memref<157x128xi32, #tpu.memory_space<vmem>> -> memref<1x128xi32, #tpu.memory_space<vmem>>
      %dma_wait3A_78 = tpu.memref_squeeze %dma_wait3A_77 : memref<1x128xi32, #tpu.memory_space<vmem>> -> memref<128xi32, #tpu.memory_space<vmem>>
      %dma_wait3A_79 = arith.constant 0 : i32
      %dma_wait3A_80 = arith.constant 0 : i32
      %dma_wait3A_81 = tpu.memref_slice %arg4[%dma_wait3A_79, %dma_wait3A_80] : memref<10000x64xf32, #tpu.memory_space<hbm>> -> memref<10000x64xf32, #tpu.memory_space<hbm>>
      tpu.wait_indirect_dma semaphore(%arg16 : memref<!tpu.dma_semaphore, #tpu.memory_space<semaphore_mem>>) src(%dma_wait3A_81 : memref<10000x64xf32, #tpu.memory_space<hbm>>) dst(%arg12 : memref<128x64xf32, #tpu.memory_space<vmem>>)
      %mul3A_82 = arith.constant 3 : i32
      %mul3A_83 = arith.muli %mul3A_82, %add3A_67 : i32
      %add3A_84 = arith.constant 0 : i32
      %add3A_85 = arith.addi %mul3A_83, %add3A_84 : i32
      %dma_start3A_86 = arith.constant 0 : i32
      %dma_start3A_87 = arith.constant 0 : i32
      %dma_start3A_88 = tpu.memref_slice %arg15[%dma_start3A_86, %dma_start3A_87] : memref<10240x64xf32, #tpu.memory_space<vmem_shared>> -> memref<10240x64xf32, #tpu.memory_space<vmem_shared>>
      tpu.enqueue_indirect_dma source(%arg12 : memref<128x64xf32, #tpu.memory_space<vmem>>) target(%dma_start3A_88 : memref<10240x64xf32, #tpu.memory_space<vmem_shared>>) offsets(%arg9 : memref<128xi32, #tpu.memory_space<vmem>>) semaphore(%arg19 : memref<!tpu.dma_semaphore, #tpu.memory_space<semaphore_mem>>) {add = true}
      %gt3A = arith.constant 0 : i32
      %gt3A_89 = arith.cmpi sgt, %add3A_67, %gt3A : i32
      %convert_element_type3A_90 = arith.extui %gt3A_89 : i1 to i32
      %cond3A_91 = arith.constant 0 : i32
      %cond3A_92 = arith.cmpi ne, %convert_element_type3A_90, %cond3A_91 : i32
      scf.if %cond3A_92 {
        %dma_wait3A_171 = arith.constant 0 : i32
        %dma_wait3A_172 = arith.constant 0 : i32
        %dma_wait3A_173 = tpu.memref_slice %arg15[%dma_wait3A_171, %dma_wait3A_172] : memref<10240x64xf32, #tpu.memory_space<vmem_shared>> -> memref<10240x64xf32, #tpu.memory_space<vmem_shared>>
        tpu.wait_indirect_dma semaphore(%arg21 : memref<!tpu.dma_semaphore, #tpu.memory_space<semaphore_mem>>) src(%arg14 : memref<128x64xf32, #tpu.memory_space<vmem>>) dst(%dma_wait3A_173 : memref<10240x64xf32, #tpu.memory_space<vmem_shared>>)
        %add3A_174 = arith.constant 2 : i32
        %add3A_175 = arith.addi %add3A_85, %add3A_174 : i32
        %mul3A_176 = arith.constant 157 : i32
        %mul3A_177 = arith.muli %arg1, %mul3A_176 : i32
        %add3A_178 = arith.addi %mul3A_177, %add3A_175 : i32
        %dma_start3A_179 = arith.constant 0 : i32
        %dma_start3A_180 = tpu.memref_slice %arg3[%add3A_178, %dma_start3A_179] : memref<2512x128xi32, #tpu.memory_space<hbm>> -> memref<1x128xi32, #tpu.memory_space<hbm>>
        %dma_start3A_181 = tpu.memref_squeeze %dma_start3A_180 : memref<1x128xi32, #tpu.memory_space<hbm>> -> memref<128xi32, #tpu.memory_space<hbm>>
        %dma_start3A_182 = arith.constant 0 : i32
        %dma_start3A_183 = tpu.memref_slice %arg3[%add3A_178, %dma_start3A_182] : memref<2512x128xi32, #tpu.memory_space<hbm>> -> memref<1x128xi32, #tpu.memory_space<hbm>>
        %dma_start3A_184 = tpu.memref_squeeze %dma_start3A_183 : memref<1x128xi32, #tpu.memory_space<hbm>> -> memref<128xi32, #tpu.memory_space<hbm>>
        tpu.enqueue_dma source(%dma_start3A_184 : memref<128xi32, #tpu.memory_space<hbm>>) target(%arg11 : memref<128xi32, #tpu.memory_space<vmem>>) target_semaphore(%arg24 : memref<!tpu.dma_semaphore, #tpu.memory_space<semaphore_mem>>)
        %eq3A_185 = arith.constant 0 : i32
        %eq3A_186 = arith.cmpi eq, %arg0, %eq3A_185 : i32
        %convert_element_type3A_187 = arith.extui %eq3A_186 : i1 to i32
        %cond3A_188 = arith.constant 0 : i32
        %cond3A_189 = arith.cmpi ne, %convert_element_type3A_187, %cond3A_188 : i32
        scf.if %cond3A_189 {
          %dma_start3A_195 = arith.constant 0 : i32
          %dma_start3A_196 = tpu.memref_slice %arg8[%add3A_175, %dma_start3A_195] : memref<157x128xi32, #tpu.memory_space<vmem>> -> memref<1x128xi32, #tpu.memory_space<vmem>>
          %dma_start3A_197 = tpu.memref_squeeze %dma_start3A_196 : memref<1x128xi32, #tpu.memory_space<vmem>> -> memref<128xi32, #tpu.memory_space<vmem>>
          %dma_start3A_198 = arith.constant 0 : i32
          %dma_start3A_199 = arith.constant 0 : i32
          %dma_start3A_200 = tpu.memref_slice %arg4[%dma_start3A_198, %dma_start3A_199] : memref<10000x64xf32, #tpu.memory_space<hbm>> -> memref<10000x64xf32, #tpu.memory_space<hbm>>
          tpu.enqueue_indirect_dma source(%dma_start3A_200 : memref<10000x64xf32, #tpu.memory_space<hbm>>) target(%arg14 : memref<128x64xf32, #tpu.memory_space<vmem>>) offsets(%dma_start3A_197 : memref<128xi32, #tpu.memory_space<vmem>>) semaphore(%arg18 : memref<!tpu.dma_semaphore, #tpu.memory_space<semaphore_mem>>)
        } else {
        }
        %eq3A_190 = arith.constant 1 : i32
        %eq3A_191 = arith.cmpi eq, %arg0, %eq3A_190 : i32
        %convert_element_type3A_192 = arith.extui %eq3A_191 : i1 to i32
        %cond3A_193 = arith.constant 0 : i32
        %cond3A_194 = arith.cmpi ne, %convert_element_type3A_192, %cond3A_193 : i32
        scf.if %cond3A_194 {
          %dma_start3A_195 = arith.constant 0 : i32
          %dma_start3A_196 = tpu.memref_slice %arg8[%add3A_175, %dma_start3A_195] : memref<157x128xi32, #tpu.memory_space<vmem>> -> memref<1x128xi32, #tpu.memory_space<vmem>>
          %dma_start3A_197 = tpu.memref_squeeze %dma_start3A_196 : memref<1x128xi32, #tpu.memory_space<vmem>> -> memref<128xi32, #tpu.memory_space<vmem>>
          %dma_start3A_198 = arith.constant 0 : i32
          %dma_start3A_199 = arith.constant 0 : i32
          %dma_start3A_200 = tpu.memref_slice %arg5[%dma_start3A_198, %dma_start3A_199] : memref<10000x64xf32, #tpu.memory_space<hbm>> -> memref<10000x64xf32, #tpu.memory_space<hbm>>
          tpu.enqueue_indirect_dma source(%dma_start3A_200 : memref<10000x64xf32, #tpu.memory_space<hbm>>) target(%arg14 : memref<128x64xf32, #tpu.memory_space<vmem>>) offsets(%dma_start3A_197 : memref<128xi32, #tpu.memory_space<vmem>>) semaphore(%arg18 : memref<!tpu.dma_semaphore, #tpu.memory_space<semaphore_mem>>)
        } else {
        }
      } else {
      }
      %eq3A_93 = arith.constant 0 : i32
      %eq3A_94 = arith.cmpi eq, %add3A_67, %eq3A_93 : i32
      %convert_element_type3A_95 = arith.extui %eq3A_94 : i1 to i32
      %cond3A_96 = arith.constant 0 : i32
      %cond3A_97 = arith.cmpi ne, %convert_element_type3A_95, %cond3A_96 : i32
      scf.if %cond3A_97 {
        %add3A_171 = arith.constant 2 : i32
        %add3A_172 = arith.addi %add3A_85, %add3A_171 : i32
        %mul3A_173 = arith.constant 157 : i32
        %mul3A_174 = arith.muli %arg1, %mul3A_173 : i32
        %add3A_175 = arith.addi %mul3A_174, %add3A_172 : i32
        %dma_start3A_176 = arith.constant 0 : i32
        %dma_start3A_177 = tpu.memref_slice %arg3[%add3A_175, %dma_start3A_176] : memref<2512x128xi32, #tpu.memory_space<hbm>> -> memref<1x128xi32, #tpu.memory_space<hbm>>
        %dma_start3A_178 = tpu.memref_squeeze %dma_start3A_177 : memref<1x128xi32, #tpu.memory_space<hbm>> -> memref<128xi32, #tpu.memory_space<hbm>>
        %dma_start3A_179 = arith.constant 0 : i32
        %dma_start3A_180 = tpu.memref_slice %arg3[%add3A_175, %dma_start3A_179] : memref<2512x128xi32, #tpu.memory_space<hbm>> -> memref<1x128xi32, #tpu.memory_space<hbm>>
        %dma_start3A_181 = tpu.memref_squeeze %dma_start3A_180 : memref<1x128xi32, #tpu.memory_space<hbm>> -> memref<128xi32, #tpu.memory_space<hbm>>
        tpu.enqueue_dma source(%dma_start3A_181 : memref<128xi32, #tpu.memory_space<hbm>>) target(%arg11 : memref<128xi32, #tpu.memory_space<vmem>>) target_semaphore(%arg24 : memref<!tpu.dma_semaphore, #tpu.memory_space<semaphore_mem>>)
        %eq3A_182 = arith.constant 0 : i32
        %eq3A_183 = arith.cmpi eq, %arg0, %eq3A_182 : i32
        %convert_element_type3A_184 = arith.extui %eq3A_183 : i1 to i32
        %cond3A_185 = arith.constant 0 : i32
        %cond3A_186 = arith.cmpi ne, %convert_element_type3A_184, %cond3A_185 : i32
        scf.if %cond3A_186 {
          %dma_start3A_192 = arith.constant 0 : i32
          %dma_start3A_193 = tpu.memref_slice %arg8[%add3A_172, %dma_start3A_192] : memref<157x128xi32, #tpu.memory_space<vmem>> -> memref<1x128xi32, #tpu.memory_space<vmem>>
          %dma_start3A_194 = tpu.memref_squeeze %dma_start3A_193 : memref<1x128xi32, #tpu.memory_space<vmem>> -> memref<128xi32, #tpu.memory_space<vmem>>
          %dma_start3A_195 = arith.constant 0 : i32
          %dma_start3A_196 = arith.constant 0 : i32
          %dma_start3A_197 = tpu.memref_slice %arg4[%dma_start3A_195, %dma_start3A_196] : memref<10000x64xf32, #tpu.memory_space<hbm>> -> memref<10000x64xf32, #tpu.memory_space<hbm>>
          tpu.enqueue_indirect_dma source(%dma_start3A_197 : memref<10000x64xf32, #tpu.memory_space<hbm>>) target(%arg14 : memref<128x64xf32, #tpu.memory_space<vmem>>) offsets(%dma_start3A_194 : memref<128xi32, #tpu.memory_space<vmem>>) semaphore(%arg18 : memref<!tpu.dma_semaphore, #tpu.memory_space<semaphore_mem>>)
        } else {
        }
        %eq3A_187 = arith.constant 1 : i32
        %eq3A_188 = arith.cmpi eq, %arg0, %eq3A_187 : i32
        %convert_element_type3A_189 = arith.extui %eq3A_188 : i1 to i32
        %cond3A_190 = arith.constant 0 : i32
        %cond3A_191 = arith.cmpi ne, %convert_element_type3A_189, %cond3A_190 : i32
        scf.if %cond3A_191 {
          %dma_start3A_192 = arith.constant 0 : i32
          %dma_start3A_193 = tpu.memref_slice %arg8[%add3A_172, %dma_start3A_192] : memref<157x128xi32, #tpu.memory_space<vmem>> -> memref<1x128xi32, #tpu.memory_space<vmem>>
          %dma_start3A_194 = tpu.memref_squeeze %dma_start3A_193 : memref<1x128xi32, #tpu.memory_space<vmem>> -> memref<128xi32, #tpu.memory_space<vmem>>
          %dma_start3A_195 = arith.constant 0 : i32
          %dma_start3A_196 = arith.constant 0 : i32
          %dma_start3A_197 = tpu.memref_slice %arg5[%dma_start3A_195, %dma_start3A_196] : memref<10000x64xf32, #tpu.memory_space<hbm>> -> memref<10000x64xf32, #tpu.memory_space<hbm>>
          tpu.enqueue_indirect_dma source(%dma_start3A_197 : memref<10000x64xf32, #tpu.memory_space<hbm>>) target(%arg14 : memref<128x64xf32, #tpu.memory_space<vmem>>) offsets(%dma_start3A_194 : memref<128xi32, #tpu.memory_space<vmem>>) semaphore(%arg18 : memref<!tpu.dma_semaphore, #tpu.memory_space<semaphore_mem>>)
        } else {
        }
      } else {
      }
      %dma_wait3A_98 = arith.constant 0 : i32
      %dma_wait3A_99 = arith.constant 0 : i32
      %dma_wait3A_100 = tpu.memref_slice %arg3[%dma_wait3A_98, %dma_wait3A_99] : memref<2512x128xi32, #tpu.memory_space<hbm>> -> memref<1x128xi32, #tpu.memory_space<hbm>>
      %dma_wait3A_101 = tpu.memref_squeeze %dma_wait3A_100 : memref<1x128xi32, #tpu.memory_space<hbm>> -> memref<128xi32, #tpu.memory_space<hbm>>
      %dma_wait3A_102 = arith.constant 0 : i32
      %dma_wait3A_103 = tpu.memref_slice %arg3[%dma_wait3A_98, %dma_wait3A_102] : memref<2512x128xi32, #tpu.memory_space<hbm>> -> memref<1x128xi32, #tpu.memory_space<hbm>>
      %dma_wait3A_104 = tpu.memref_squeeze %dma_wait3A_103 : memref<1x128xi32, #tpu.memory_space<hbm>> -> memref<128xi32, #tpu.memory_space<hbm>>
      tpu.wait_dma2 semaphore(%arg23 : memref<!tpu.dma_semaphore, #tpu.memory_space<semaphore_mem>>) src(%dma_wait3A_104 : memref<128xi32, #tpu.memory_space<hbm>>) dst(%arg10 : memref<128xi32, #tpu.memory_space<vmem>>)
      %dma_wait3A_105 = arith.constant 0 : i32
      %dma_wait3A_106 = arith.constant 0 : i32
      %dma_wait3A_107 = tpu.memref_slice %arg8[%dma_wait3A_105, %dma_wait3A_106] : memref<157x128xi32, #tpu.memory_space<vmem>> -> memref<1x128xi32, #tpu.memory_space<vmem>>
      %dma_wait3A_108 = tpu.memref_squeeze %dma_wait3A_107 : memref<1x128xi32, #tpu.memory_space<vmem>> -> memref<128xi32, #tpu.memory_space<vmem>>
      %dma_wait3A_109 = arith.constant 0 : i32
      %dma_wait3A_110 = arith.constant 0 : i32
      %dma_wait3A_111 = tpu.memref_slice %arg4[%dma_wait3A_109, %dma_wait3A_110] : memref<10000x64xf32, #tpu.memory_space<hbm>> -> memref<10000x64xf32, #tpu.memory_space<hbm>>
      tpu.wait_indirect_dma semaphore(%arg17 : memref<!tpu.dma_semaphore, #tpu.memory_space<semaphore_mem>>) src(%dma_wait3A_111 : memref<10000x64xf32, #tpu.memory_space<hbm>>) dst(%arg13 : memref<128x64xf32, #tpu.memory_space<vmem>>)
      %mul3A_112 = arith.constant 3 : i32
      %mul3A_113 = arith.muli %mul3A_112, %add3A_67 : i32
      %add3A_114 = arith.constant 1 : i32
      %add3A_115 = arith.addi %mul3A_113, %add3A_114 : i32
      %dma_start3A_116 = arith.constant 0 : i32
      %dma_start3A_117 = arith.constant 0 : i32
      %dma_start3A_118 = tpu.memref_slice %arg15[%dma_start3A_116, %dma_start3A_117] : memref<10240x64xf32, #tpu.memory_space<vmem_shared>> -> memref<10240x64xf32, #tpu.memory_space<vmem_shared>>
      tpu.enqueue_indirect_dma source(%arg13 : memref<128x64xf32, #tpu.memory_space<vmem>>) target(%dma_start3A_118 : memref<10240x64xf32, #tpu.memory_space<vmem_shared>>) offsets(%arg10 : memref<128xi32, #tpu.memory_space<vmem>>) semaphore(%arg20 : memref<!tpu.dma_semaphore, #tpu.memory_space<semaphore_mem>>) {add = true}
      %dma_wait3A_119 = arith.constant 0 : i32
      %dma_wait3A_120 = arith.constant 0 : i32
      %dma_wait3A_121 = tpu.memref_slice %arg15[%dma_wait3A_119, %dma_wait3A_120] : memref<10240x64xf32, #tpu.memory_space<vmem_shared>> -> memref<10240x64xf32, #tpu.memory_space<vmem_shared>>
      tpu.wait_indirect_dma semaphore(%arg19 : memref<!tpu.dma_semaphore, #tpu.memory_space<semaphore_mem>>) src(%arg12 : memref<128x64xf32, #tpu.memory_space<vmem>>) dst(%dma_wait3A_121 : memref<10240x64xf32, #tpu.memory_space<vmem_shared>>)
      %add3A_122 = arith.constant 2 : i32
      %add3A_123 = arith.addi %add3A_115, %add3A_122 : i32
      %mul3A_124 = arith.constant 157 : i32
      %mul3A_125 = arith.muli %arg1, %mul3A_124 : i32
      %add3A_126 = arith.addi %mul3A_125, %add3A_123 : i32
      %dma_start3A_127 = arith.constant 0 : i32
      %dma_start3A_128 = tpu.memref_slice %arg3[%add3A_126, %dma_start3A_127] : memref<2512x128xi32, #tpu.memory_space<hbm>> -> memref<1x128xi32, #tpu.memory_space<hbm>>
      %dma_start3A_129 = tpu.memref_squeeze %dma_start3A_128 : memref<1x128xi32, #tpu.memory_space<hbm>> -> memref<128xi32, #tpu.memory_space<hbm>>
      %dma_start3A_130 = arith.constant 0 : i32
      %dma_start3A_131 = tpu.memref_slice %arg3[%add3A_126, %dma_start3A_130] : memref<2512x128xi32, #tpu.memory_space<hbm>> -> memref<1x128xi32, #tpu.memory_space<hbm>>
      %dma_start3A_132 = tpu.memref_squeeze %dma_start3A_131 : memref<1x128xi32, #tpu.memory_space<hbm>> -> memref<128xi32, #tpu.memory_space<hbm>>
      tpu.enqueue_dma source(%dma_start3A_132 : memref<128xi32, #tpu.memory_space<hbm>>) target(%arg9 : memref<128xi32, #tpu.memory_space<vmem>>) target_semaphore(%arg22 : memref<!tpu.dma_semaphore, #tpu.memory_space<semaphore_mem>>)
      %eq3A_133 = arith.constant 0 : i32
      %eq3A_134 = arith.cmpi eq, %arg0, %eq3A_133 : i32
      %convert_element_type3A_135 = arith.extui %eq3A_134 : i1 to i32
      %cond3A_136 = arith.constant 0 : i32
      %cond3A_137 = arith.cmpi ne, %convert_element_type3A_135, %cond3A_136 : i32
      scf.if %cond3A_137 {
        %dma_start3A_171 = arith.constant 0 : i32
        %dma_start3A_172 = tpu.memref_slice %arg8[%add3A_123, %dma_start3A_171] : memref<157x128xi32, #tpu.memory_space<vmem>> -> memref<1x128xi32, #tpu.memory_space<vmem>>
        %dma_start3A_173 = tpu.memref_squeeze %dma_start3A_172 : memref<1x128xi32, #tpu.memory_space<vmem>> -> memref<128xi32, #tpu.memory_space<vmem>>
        %dma_start3A_174 = arith.constant 0 : i32
        %dma_start3A_175 = arith.constant 0 : i32
        %dma_start3A_176 = tpu.memref_slice %arg4[%dma_start3A_174, %dma_start3A_175] : memref<10000x64xf32, #tpu.memory_space<hbm>> -> memref<10000x64xf32, #tpu.memory_space<hbm>>
        tpu.enqueue_indirect_dma source(%dma_start3A_176 : memref<10000x64xf32, #tpu.memory_space<hbm>>) target(%arg12 : memref<128x64xf32, #tpu.memory_space<vmem>>) offsets(%dma_start3A_173 : memref<128xi32, #tpu.memory_space<vmem>>) semaphore(%arg16 : memref<!tpu.dma_semaphore, #tpu.memory_space<semaphore_mem>>)
      } else {
      }
      %eq3A_138 = arith.constant 1 : i32
      %eq3A_139 = arith.cmpi eq, %arg0, %eq3A_138 : i32
      %convert_element_type3A_140 = arith.extui %eq3A_139 : i1 to i32
      %cond3A_141 = arith.constant 0 : i32
      %cond3A_142 = arith.cmpi ne, %convert_element_type3A_140, %cond3A_141 : i32
      scf.if %cond3A_142 {
        %dma_start3A_171 = arith.constant 0 : i32
        %dma_start3A_172 = tpu.memref_slice %arg8[%add3A_123, %dma_start3A_171] : memref<157x128xi32, #tpu.memory_space<vmem>> -> memref<1x128xi32, #tpu.memory_space<vmem>>
        %dma_start3A_173 = tpu.memref_squeeze %dma_start3A_172 : memref<1x128xi32, #tpu.memory_space<vmem>> -> memref<128xi32, #tpu.memory_space<vmem>>
        %dma_start3A_174 = arith.constant 0 : i32
        %dma_start3A_175 = arith.constant 0 : i32
        %dma_start3A_176 = tpu.memref_slice %arg5[%dma_start3A_174, %dma_start3A_175] : memref<10000x64xf32, #tpu.memory_space<hbm>> -> memref<10000x64xf32, #tpu.memory_space<hbm>>
        tpu.enqueue_indirect_dma source(%dma_start3A_176 : memref<10000x64xf32, #tpu.memory_space<hbm>>) target(%arg12 : memref<128x64xf32, #tpu.memory_space<vmem>>) offsets(%dma_start3A_173 : memref<128xi32, #tpu.memory_space<vmem>>) semaphore(%arg16 : memref<!tpu.dma_semaphore, #tpu.memory_space<semaphore_mem>>)
      } else {
      }
      %dma_wait3A_143 = arith.constant 0 : i32
      %dma_wait3A_144 = arith.constant 0 : i32
      %dma_wait3A_145 = tpu.memref_slice %arg3[%dma_wait3A_143, %dma_wait3A_144] : memref<2512x128xi32, #tpu.memory_space<hbm>> -> memref<1x128xi32, #tpu.memory_space<hbm>>
      %dma_wait3A_146 = tpu.memref_squeeze %dma_wait3A_145 : memref<1x128xi32, #tpu.memory_space<hbm>> -> memref<128xi32, #tpu.memory_space<hbm>>
      %dma_wait3A_147 = arith.constant 0 : i32
      %dma_wait3A_148 = tpu.memref_slice %arg3[%dma_wait3A_143, %dma_wait3A_147] : memref<2512x128xi32, #tpu.memory_space<hbm>> -> memref<1x128xi32, #tpu.memory_space<hbm>>
      %dma_wait3A_149 = tpu.memref_squeeze %dma_wait3A_148 : memref<1x128xi32, #tpu.memory_space<hbm>> -> memref<128xi32, #tpu.memory_space<hbm>>
      tpu.wait_dma2 semaphore(%arg24 : memref<!tpu.dma_semaphore, #tpu.memory_space<semaphore_mem>>) src(%dma_wait3A_149 : memref<128xi32, #tpu.memory_space<hbm>>) dst(%arg11 : memref<128xi32, #tpu.memory_space<vmem>>)
      %dma_wait3A_150 = arith.constant 0 : i32
      %dma_wait3A_151 = arith.constant 0 : i32
      %dma_wait3A_152 = tpu.memref_slice %arg8[%dma_wait3A_150, %dma_wait3A_151] : memref<157x128xi32, #tpu.memory_space<vmem>> -> memref<1x128xi32, #tpu.memory_space<vmem>>
      %dma_wait3A_153 = tpu.memref_squeeze %dma_wait3A_152 : memref<1x128xi32, #tpu.memory_space<vmem>> -> memref<128xi32, #tpu.memory_space<vmem>>
      %dma_wait3A_154 = arith.constant 0 : i32
      %dma_wait3A_155 = arith.constant 0 : i32
      %dma_wait3A_156 = tpu.memref_slice %arg4[%dma_wait3A_154, %dma_wait3A_155] : memref<10000x64xf32, #tpu.memory_space<hbm>> -> memref<10000x64xf32, #tpu.memory_space<hbm>>
      tpu.wait_indirect_dma semaphore(%arg18 : memref<!tpu.dma_semaphore, #tpu.memory_space<semaphore_mem>>) src(%dma_wait3A_156 : memref<10000x64xf32, #tpu.memory_space<hbm>>) dst(%arg14 : memref<128x64xf32, #tpu.memory_space<vmem>>)
      %mul3A_157 = arith.constant 3 : i32
      %mul3A_158 = arith.muli %mul3A_157, %add3A_67 : i32
      %add3A_159 = arith.constant 2 : i32
      %add3A_160 = arith.addi %mul3A_158, %add3A_159 : i32
      %dma_start3A_161 = arith.constant 0 : i32
      %dma_start3A_162 = arith.constant 0 : i32
      %dma_start3A_163 = tpu.memref_slice %arg15[%dma_start3A_161, %dma_start3A_162] : memref<10240x64xf32, #tpu.memory_space<vmem_shared>> -> memref<10240x64xf32, #tpu.memory_space<vmem_shared>>
      tpu.enqueue_indirect_dma source(%arg14 : memref<128x64xf32, #tpu.memory_space<vmem>>) target(%dma_start3A_163 : memref<10240x64xf32, #tpu.memory_space<vmem_shared>>) offsets(%arg11 : memref<128xi32, #tpu.memory_space<vmem>>) semaphore(%arg21 : memref<!tpu.dma_semaphore, #tpu.memory_space<semaphore_mem>>) {add = true}
      %dma_wait3A_164 = arith.constant 0 : i32
      %dma_wait3A_165 = arith.constant 0 : i32
      %dma_wait3A_166 = tpu.memref_slice %arg15[%dma_wait3A_164, %dma_wait3A_165] : memref<10240x64xf32, #tpu.memory_space<vmem_shared>> -> memref<10240x64xf32, #tpu.memory_space<vmem_shared>>
      tpu.wait_indirect_dma semaphore(%arg20 : memref<!tpu.dma_semaphore, #tpu.memory_space<semaphore_mem>>) src(%arg13 : memref<128x64xf32, #tpu.memory_space<vmem>>) dst(%dma_wait3A_166 : memref<10240x64xf32, #tpu.memory_space<vmem_shared>>)
      %lt3A = arith.constant 51 : i32
      %lt3A_167 = arith.cmpi slt, %add3A_67, %lt3A : i32
      %convert_element_type3A_168 = arith.extui %lt3A_167 : i1 to i32
      %cond3A_169 = arith.constant 0 : i32
      %cond3A_170 = arith.cmpi ne, %convert_element_type3A_168, %cond3A_169 : i32
      scf.if %cond3A_170 {
        %add3A_171 = arith.constant 2 : i32
        %add3A_172 = arith.addi %add3A_160, %add3A_171 : i32
        %mul3A_173 = arith.constant 157 : i32
        %mul3A_174 = arith.muli %arg1, %mul3A_173 : i32
        %add3A_175 = arith.addi %mul3A_174, %add3A_172 : i32
        %dma_start3A_176 = arith.constant 0 : i32
        %dma_start3A_177 = tpu.memref_slice %arg3[%add3A_175, %dma_start3A_176] : memref<2512x128xi32, #tpu.memory_space<hbm>> -> memref<1x128xi32, #tpu.memory_space<hbm>>
        %dma_start3A_178 = tpu.memref_squeeze %dma_start3A_177 : memref<1x128xi32, #tpu.memory_space<hbm>> -> memref<128xi32, #tpu.memory_space<hbm>>
        %dma_start3A_179 = arith.constant 0 : i32
        %dma_start3A_180 = tpu.memref_slice %arg3[%add3A_175, %dma_start3A_179] : memref<2512x128xi32, #tpu.memory_space<hbm>> -> memref<1x128xi32, #tpu.memory_space<hbm>>
        %dma_start3A_181 = tpu.memref_squeeze %dma_start3A_180 : memref<1x128xi32, #tpu.memory_space<hbm>> -> memref<128xi32, #tpu.memory_space<hbm>>
        tpu.enqueue_dma source(%dma_start3A_181 : memref<128xi32, #tpu.memory_space<hbm>>) target(%arg10 : memref<128xi32, #tpu.memory_space<vmem>>) target_semaphore(%arg23 : memref<!tpu.dma_semaphore, #tpu.memory_space<semaphore_mem>>)
        %eq3A_182 = arith.constant 0 : i32
        %eq3A_183 = arith.cmpi eq, %arg0, %eq3A_182 : i32
        %convert_element_type3A_184 = arith.extui %eq3A_183 : i1 to i32
        %cond3A_185 = arith.constant 0 : i32
        %cond3A_186 = arith.cmpi ne, %convert_element_type3A_184, %cond3A_185 : i32
        scf.if %cond3A_186 {
          %dma_start3A_192 = arith.constant 0 : i32
          %dma_start3A_193 = tpu.memref_slice %arg8[%add3A_172, %dma_start3A_192] : memref<157x128xi32, #tpu.memory_space<vmem>> -> memref<1x128xi32, #tpu.memory_space<vmem>>
          %dma_start3A_194 = tpu.memref_squeeze %dma_start3A_193 : memref<1x128xi32, #tpu.memory_space<vmem>> -> memref<128xi32, #tpu.memory_space<vmem>>
          %dma_start3A_195 = arith.constant 0 : i32
          %dma_start3A_196 = arith.constant 0 : i32
          %dma_start3A_197 = tpu.memref_slice %arg4[%dma_start3A_195, %dma_start3A_196] : memref<10000x64xf32, #tpu.memory_space<hbm>> -> memref<10000x64xf32, #tpu.memory_space<hbm>>
          tpu.enqueue_indirect_dma source(%dma_start3A_197 : memref<10000x64xf32, #tpu.memory_space<hbm>>) target(%arg13 : memref<128x64xf32, #tpu.memory_space<vmem>>) offsets(%dma_start3A_194 : memref<128xi32, #tpu.memory_space<vmem>>) semaphore(%arg17 : memref<!tpu.dma_semaphore, #tpu.memory_space<semaphore_mem>>)
        } else {
        }
        %eq3A_187 = arith.constant 1 : i32
        %eq3A_188 = arith.cmpi eq, %arg0, %eq3A_187 : i32
        %convert_element_type3A_189 = arith.extui %eq3A_188 : i1 to i32
        %cond3A_190 = arith.constant 0 : i32
        %cond3A_191 = arith.cmpi ne, %convert_element_type3A_189, %cond3A_190 : i32
        scf.if %cond3A_191 {
          %dma_start3A_192 = arith.constant 0 : i32
          %dma_start3A_193 = tpu.memref_slice %arg8[%add3A_172, %dma_start3A_192] : memref<157x128xi32, #tpu.memory_space<vmem>> -> memref<1x128xi32, #tpu.memory_space<vmem>>
          %dma_start3A_194 = tpu.memref_squeeze %dma_start3A_193 : memref<1x128xi32, #tpu.memory_space<vmem>> -> memref<128xi32, #tpu.memory_space<vmem>>
          %dma_start3A_195 = arith.constant 0 : i32
          %dma_start3A_196 = arith.constant 0 : i32
          %dma_start3A_197 = tpu.memref_slice %arg5[%dma_start3A_195, %dma_start3A_196] : memref<10000x64xf32, #tpu.memory_space<hbm>> -> memref<10000x64xf32, #tpu.memory_space<hbm>>
          tpu.enqueue_indirect_dma source(%dma_start3A_197 : memref<10000x64xf32, #tpu.memory_space<hbm>>) target(%arg13 : memref<128x64xf32, #tpu.memory_space<vmem>>) offsets(%dma_start3A_194 : memref<128xi32, #tpu.memory_space<vmem>>) semaphore(%arg17 : memref<!tpu.dma_semaphore, #tpu.memory_space<semaphore_mem>>)
        } else {
        }
      } else {
      }
    }
    %scan3A_41 = arith.constant 52 : i32
    %dma_wait3A = arith.constant 0 : i32
    %dma_wait3A_42 = arith.constant 0 : i32
    %dma_wait3A_43 = tpu.memref_slice %arg15[%dma_wait3A, %dma_wait3A_42] : memref<10240x64xf32, #tpu.memory_space<vmem_shared>> -> memref<10240x64xf32, #tpu.memory_space<vmem_shared>>
    tpu.wait_indirect_dma semaphore(%arg21 : memref<!tpu.dma_semaphore, #tpu.memory_space<semaphore_mem>>) src(%arg14 : memref<128x64xf32, #tpu.memory_space<vmem>>) dst(%dma_wait3A_43 : memref<10240x64xf32, #tpu.memory_space<vmem_shared>>)
    %dma_wait3A_44 = arith.constant 0 : i32
    %dma_wait3A_45 = arith.constant 0 : i32
    %dma_wait3A_46 = tpu.memref_slice %arg3[%dma_wait3A_44, %dma_wait3A_45] : memref<2512x128xi32, #tpu.memory_space<hbm>> -> memref<1x128xi32, #tpu.memory_space<hbm>>
    %dma_wait3A_47 = tpu.memref_squeeze %dma_wait3A_46 : memref<1x128xi32, #tpu.memory_space<hbm>> -> memref<128xi32, #tpu.memory_space<hbm>>
    %dma_wait3A_48 = arith.constant 0 : i32
    %dma_wait3A_49 = tpu.memref_slice %arg3[%dma_wait3A_44, %dma_wait3A_48] : memref<2512x128xi32, #tpu.memory_space<hbm>> -> memref<1x128xi32, #tpu.memory_space<hbm>>
    %dma_wait3A_50 = tpu.memref_squeeze %dma_wait3A_49 : memref<1x128xi32, #tpu.memory_space<hbm>> -> memref<128xi32, #tpu.memory_space<hbm>>
    tpu.wait_dma2 semaphore(%arg22 : memref<!tpu.dma_semaphore, #tpu.memory_space<semaphore_mem>>) src(%dma_wait3A_50 : memref<128xi32, #tpu.memory_space<hbm>>) dst(%arg9 : memref<128xi32, #tpu.memory_space<vmem>>)
    %dma_wait3A_51 = arith.constant 0 : i32
    %dma_wait3A_52 = arith.constant 0 : i32
    %dma_wait3A_53 = tpu.memref_slice %arg8[%dma_wait3A_51, %dma_wait3A_52] : memref<157x128xi32, #tpu.memory_space<vmem>> -> memref<1x128xi32, #tpu.memory_space<vmem>>
    %dma_wait3A_54 = tpu.memref_squeeze %dma_wait3A_53 : memref<1x128xi32, #tpu.memory_space<vmem>> -> memref<128xi32, #tpu.memory_space<vmem>>
    %dma_wait3A_55 = arith.constant 0 : i32
    %dma_wait3A_56 = arith.constant 0 : i32
    %dma_wait3A_57 = tpu.memref_slice %arg4[%dma_wait3A_55, %dma_wait3A_56] : memref<10000x64xf32, #tpu.memory_space<hbm>> -> memref<10000x64xf32, #tpu.memory_space<hbm>>
    tpu.wait_indirect_dma semaphore(%arg16 : memref<!tpu.dma_semaphore, #tpu.memory_space<semaphore_mem>>) src(%dma_wait3A_57 : memref<10000x64xf32, #tpu.memory_space<hbm>>) dst(%arg12 : memref<128x64xf32, #tpu.memory_space<vmem>>)
    "tpu.region"() ({
      %run_scoped3A = tpu.sem_alloc : memref<!tpu.dma_semaphore, #tpu.memory_space<semaphore_mem>>
      %dma_start3A_63 = arith.constant 0 : i32
      %dma_start3A_64 = arith.constant 0 : i32
      %dma_start3A_65 = tpu.memref_slice %arg15[%dma_start3A_63, %dma_start3A_64] : memref<10240x64xf32, #tpu.memory_space<vmem_shared>> -> memref<10240x64xf32, #tpu.memory_space<vmem_shared>>
      tpu.enqueue_indirect_dma source(%arg12 : memref<128x64xf32, #tpu.memory_space<vmem>>) target(%dma_start3A_65 : memref<10240x64xf32, #tpu.memory_space<vmem_shared>>) offsets(%arg9 : memref<128xi32, #tpu.memory_space<vmem>>) semaphore(%run_scoped3A : memref<!tpu.dma_semaphore, #tpu.memory_space<semaphore_mem>>) {add = true}
      %dma_wait3A_66 = arith.constant 0 : i32
      %dma_wait3A_67 = arith.constant 0 : i32
      %dma_wait3A_68 = tpu.memref_slice %arg15[%dma_wait3A_66, %dma_wait3A_67] : memref<10240x64xf32, #tpu.memory_space<vmem_shared>> -> memref<10240x64xf32, #tpu.memory_space<vmem_shared>>
      tpu.wait_indirect_dma semaphore(%run_scoped3A : memref<!tpu.dma_semaphore, #tpu.memory_space<semaphore_mem>>) src(%arg12 : memref<128x64xf32, #tpu.memory_space<vmem>>) dst(%dma_wait3A_68 : memref<10240x64xf32, #tpu.memory_space<vmem_shared>>)
      tpu.yield
    }) : () -> ()
    %barrier3A_58 = arith.constant 0 : index
    tpu.barrier barrier_id(%barrier3A_58)
    %mul3A_59 = arith.constant 640 : i32
    %mul3A_60 = arith.muli %arg1, %mul3A_59 : i32
    %mul3A_61 = arith.constant 640 : i32
    %mul3A_62 = arith.muli %arg1, %mul3A_61 : i32
    "tpu.region"() ({
      %run_scoped3A = tpu.sem_alloc : memref<!tpu.dma_semaphore, #tpu.memory_space<semaphore_mem>>
      %dma_start3A_63 = arith.constant 0 : i32
      %dma_start3A_64 = tpu.memref_slice %arg7[%arg0, %mul3A_62, %dma_start3A_63] : memref<2x10240x64xf32, #tpu.memory_space<hbm>> -> memref<1x640x64xf32, #tpu.memory_space<hbm>>
      %dma_start3A_65 = tpu.memref_squeeze %dma_start3A_64 : memref<1x640x64xf32, #tpu.memory_space<hbm>> -> memref<640x64xf32, #tpu.memory_space<hbm>>
      %dma_start3A_66 = arith.constant 0 : i32
      %dma_start3A_67 = tpu.memref_slice %arg15[%mul3A_60, %dma_start3A_66] : memref<10240x64xf32, #tpu.memory_space<vmem_shared>> -> memref<640x64xf32, #tpu.memory_space<vmem_shared>>
      tpu.enqueue_dma source(%dma_start3A_67 : memref<640x64xf32, #tpu.memory_space<vmem_shared>>) target(%dma_start3A_65 : memref<640x64xf32, #tpu.memory_space<hbm>>) target_semaphore(%run_scoped3A : memref<!tpu.dma_semaphore, #tpu.memory_space<semaphore_mem>>)
      %dma_wait3A_68 = arith.constant 0 : i32
      %dma_wait3A_69 = tpu.memref_slice %arg7[%arg0, %mul3A_62, %dma_wait3A_68] : memref<2x10240x64xf32, #tpu.memory_space<hbm>> -> memref<1x640x64xf32, #tpu.memory_space<hbm>>
      %dma_wait3A_70 = tpu.memref_squeeze %dma_wait3A_69 : memref<1x640x64xf32, #tpu.memory_space<hbm>> -> memref<640x64xf32, #tpu.memory_space<hbm>>
      %dma_wait3A_71 = arith.constant 0 : i32
      %dma_wait3A_72 = tpu.memref_slice %arg15[%mul3A_60, %dma_wait3A_71] : memref<10240x64xf32, #tpu.memory_space<vmem_shared>> -> memref<640x64xf32, #tpu.memory_space<vmem_shared>>
      tpu.wait_dma2 semaphore(%run_scoped3A : memref<!tpu.dma_semaphore, #tpu.memory_space<semaphore_mem>>) src(%dma_wait3A_72 : memref<640x64xf32, #tpu.memory_space<vmem_shared>>) dst(%dma_wait3A_70 : memref<640x64xf32, #tpu.memory_space<hbm>>)
      tpu.yield
    }) : () -> ()
    return
  }
}

#map = affine_map<(d0, d1) -> (0, 0)>
#map1 = affine_map<(d0, d1) -> (0, 0, 0)>
module attributes {stable_mosaic.version = 14 : i64} {
  func.func @edge_kernel(%arg0: i32, %arg1: i32, %arg2: memref<2512x128xi32, #tpu.memory_space<hbm>>, %arg3: memref<2512x128xi32, #tpu.memory_space<hbm>>, %arg4: memref<10000x96xf32, #tpu.memory_space<hbm>>, %arg5: memref<10000x96xf32, #tpu.memory_space<hbm>>, %arg6: memref<640x96xf32, #tpu.memory_space<hbm>>, %arg7: memref<2x10240x96xf32, #tpu.memory_space<hbm>>, %arg8: memref<157x128xi32, #tpu.memory_space<vmem>>, %arg9: memref<128xi32, #tpu.memory_space<vmem>>, %arg10: memref<128xi32, #tpu.memory_space<vmem>>, %arg11: memref<128xi32, #tpu.memory_space<vmem>>, %arg12: memref<128x96xf32, #tpu.memory_space<vmem>>, %arg13: memref<128x96xf32, #tpu.memory_space<vmem>>, %arg14: memref<128x96xf32, #tpu.memory_space<vmem>>, %arg15: memref<10240x96xf32, #tpu.memory_space<vmem_shared>>, %arg16: memref<!tpu.dma_semaphore, #tpu.memory_space<semaphore_mem>>, %arg17: memref<!tpu.dma_semaphore, #tpu.memory_space<semaphore_mem>>, %arg18: memref<!tpu.dma_semaphore, #tpu.memory_space<semaphore_mem>>, %arg19: memref<!tpu.dma_semaphore, #tpu.memory_space<semaphore_mem>>, %arg20: memref<!tpu.dma_semaphore, #tpu.memory_space<semaphore_mem>>, %arg21: memref<!tpu.dma_semaphore, #tpu.memory_space<semaphore_mem>>, %arg22: memref<!tpu.dma_semaphore, #tpu.memory_space<semaphore_mem>>, %arg23: memref<!tpu.dma_semaphore, #tpu.memory_space<semaphore_mem>>, %arg24: memref<!tpu.dma_semaphore, #tpu.memory_space<semaphore_mem>>) attributes {dimension_semantics = [#tpu.dimension_semantics<core_parallel>, #tpu.dimension_semantics<subcore_parallel>], iteration_bounds = array<i64: 2, 16>, scalar_prefetch = 0 : i64, scratch_operands = 17 : i64, tpu.core_type = #tpu.core_type<sc_vector_subcore>, window_params = [{transform_indices = #map}, {transform_indices = #map}, {transform_indices = #map}, {transform_indices = #map}, {transform_indices = #map}, {transform_indices = #map1}]} {
    %mul3A = arith.constant 640 : i32
    %mul3A_0 = arith.muli %arg1, %mul3A : i32
    "tpu.region"() ({
      %run_scoped3A = tpu.sem_alloc : memref<!tpu.dma_semaphore, #tpu.memory_space<semaphore_mem>>
      %dma_start3A_63 = arith.constant 0 : i32
      %dma_start3A_64 = tpu.memref_slice %arg15[%mul3A_0, %dma_start3A_63] : memref<10240x96xf32, #tpu.memory_space<vmem_shared>> -> memref<640x96xf32, #tpu.memory_space<vmem_shared>>
      tpu.enqueue_dma source(%arg6 : memref<640x96xf32, #tpu.memory_space<hbm>>) target(%dma_start3A_64 : memref<640x96xf32, #tpu.memory_space<vmem_shared>>) target_semaphore(%run_scoped3A : memref<!tpu.dma_semaphore, #tpu.memory_space<semaphore_mem>>)
      %dma_wait3A_65 = arith.constant 0 : i32
      %dma_wait3A_66 = tpu.memref_slice %arg15[%mul3A_0, %dma_wait3A_65] : memref<10240x96xf32, #tpu.memory_space<vmem_shared>> -> memref<640x96xf32, #tpu.memory_space<vmem_shared>>
      tpu.wait_dma2 semaphore(%run_scoped3A : memref<!tpu.dma_semaphore, #tpu.memory_space<semaphore_mem>>) src(%arg6 : memref<640x96xf32, #tpu.memory_space<hbm>>) dst(%dma_wait3A_66 : memref<640x96xf32, #tpu.memory_space<vmem_shared>>)
      tpu.yield
    }) : () -> ()
    %mul3A_1 = arith.constant 157 : i32
    %mul3A_2 = arith.muli %arg1, %mul3A_1 : i32
    "tpu.region"() ({
      %run_scoped3A = tpu.sem_alloc : memref<!tpu.dma_semaphore, #tpu.memory_space<semaphore_mem>>
      %dma_start3A_63 = arith.constant 0 : i32
      %dma_start3A_64 = tpu.memref_slice %arg2[%mul3A_2, %dma_start3A_63] : memref<2512x128xi32, #tpu.memory_space<hbm>> -> memref<157x128xi32, #tpu.memory_space<hbm>>
      %dma_start3A_65 = arith.constant 0 : i32
      %dma_start3A_66 = tpu.memref_slice %arg2[%mul3A_2, %dma_start3A_65] : memref<2512x128xi32, #tpu.memory_space<hbm>> -> memref<157x128xi32, #tpu.memory_space<hbm>>
      tpu.enqueue_dma source(%dma_start3A_66 : memref<157x128xi32, #tpu.memory_space<hbm>>) target(%arg8 : memref<157x128xi32, #tpu.memory_space<vmem>>) target_semaphore(%run_scoped3A : memref<!tpu.dma_semaphore, #tpu.memory_space<semaphore_mem>>)
      %dma_wait3A_67 = arith.constant 0 : i32
      %dma_wait3A_68 = tpu.memref_slice %arg2[%mul3A_2, %dma_wait3A_67] : memref<2512x128xi32, #tpu.memory_space<hbm>> -> memref<157x128xi32, #tpu.memory_space<hbm>>
      %dma_wait3A_69 = arith.constant 0 : i32
      %dma_wait3A_70 = tpu.memref_slice %arg2[%mul3A_2, %dma_wait3A_69] : memref<2512x128xi32, #tpu.memory_space<hbm>> -> memref<157x128xi32, #tpu.memory_space<hbm>>
      tpu.wait_dma2 semaphore(%run_scoped3A : memref<!tpu.dma_semaphore, #tpu.memory_space<semaphore_mem>>) src(%dma_wait3A_70 : memref<157x128xi32, #tpu.memory_space<hbm>>) dst(%arg8 : memref<157x128xi32, #tpu.memory_space<vmem>>)
      tpu.yield
    }) : () -> ()
    %barrier3A = arith.constant 0 : index
    tpu.barrier barrier_id(%barrier3A)
    %mul3A_3 = arith.constant 157 : i32
    %mul3A_4 = arith.muli %arg1, %mul3A_3 : i32
    %add3A = arith.constant 0 : i32
    %add3A_5 = arith.addi %mul3A_4, %add3A : i32
    %dma_start3A = arith.constant 0 : i32
    %dma_start3A_6 = tpu.memref_slice %arg3[%add3A_5, %dma_start3A] : memref<2512x128xi32, #tpu.memory_space<hbm>> -> memref<1x128xi32, #tpu.memory_space<hbm>>
    %dma_start3A_7 = tpu.memref_squeeze %dma_start3A_6 : memref<1x128xi32, #tpu.memory_space<hbm>> -> memref<128xi32, #tpu.memory_space<hbm>>
    %dma_start3A_8 = arith.constant 0 : i32
    %dma_start3A_9 = tpu.memref_slice %arg3[%add3A_5, %dma_start3A_8] : memref<2512x128xi32, #tpu.memory_space<hbm>> -> memref<1x128xi32, #tpu.memory_space<hbm>>
    %dma_start3A_10 = tpu.memref_squeeze %dma_start3A_9 : memref<1x128xi32, #tpu.memory_space<hbm>> -> memref<128xi32, #tpu.memory_space<hbm>>
    tpu.enqueue_dma source(%dma_start3A_10 : memref<128xi32, #tpu.memory_space<hbm>>) target(%arg9 : memref<128xi32, #tpu.memory_space<vmem>>) target_semaphore(%arg22 : memref<!tpu.dma_semaphore, #tpu.memory_space<semaphore_mem>>)
    %eq3A = arith.constant 0 : i32
    %eq3A_11 = arith.cmpi eq, %arg0, %eq3A : i32
    %convert_element_type3A = arith.extui %eq3A_11 : i1 to i32
    %cond3A = arith.constant 0 : i32
    %cond3A_12 = arith.cmpi ne, %convert_element_type3A, %cond3A : i32
    scf.if %cond3A_12 {
      %dma_start3A_63 = arith.constant 0 : i32
      %dma_start3A_64 = arith.constant 0 : i32
      %dma_start3A_65 = tpu.memref_slice %arg8[%dma_start3A_63, %dma_start3A_64] : memref<157x128xi32, #tpu.memory_space<vmem>> -> memref<1x128xi32, #tpu.memory_space<vmem>>
      %dma_start3A_66 = tpu.memref_squeeze %dma_start3A_65 : memref<1x128xi32, #tpu.memory_space<vmem>> -> memref<128xi32, #tpu.memory_space<vmem>>
      %dma_start3A_67 = arith.constant 0 : i32
      %dma_start3A_68 = arith.constant 0 : i32
      %dma_start3A_69 = tpu.memref_slice %arg4[%dma_start3A_67, %dma_start3A_68] : memref<10000x96xf32, #tpu.memory_space<hbm>> -> memref<10000x96xf32, #tpu.memory_space<hbm>>
      tpu.enqueue_indirect_dma source(%dma_start3A_69 : memref<10000x96xf32, #tpu.memory_space<hbm>>) target(%arg12 : memref<128x96xf32, #tpu.memory_space<vmem>>) offsets(%dma_start3A_66 : memref<128xi32, #tpu.memory_space<vmem>>) semaphore(%arg16 : memref<!tpu.dma_semaphore, #tpu.memory_space<semaphore_mem>>)
    } else {
    }
    %eq3A_13 = arith.constant 1 : i32
    %eq3A_14 = arith.cmpi eq, %arg0, %eq3A_13 : i32
    %convert_element_type3A_15 = arith.extui %eq3A_14 : i1 to i32
    %cond3A_16 = arith.constant 0 : i32
    %cond3A_17 = arith.cmpi ne, %convert_element_type3A_15, %cond3A_16 : i32
    scf.if %cond3A_17 {
      %dma_start3A_63 = arith.constant 0 : i32
      %dma_start3A_64 = arith.constant 0 : i32
      %dma_start3A_65 = tpu.memref_slice %arg8[%dma_start3A_63, %dma_start3A_64] : memref<157x128xi32, #tpu.memory_space<vmem>> -> memref<1x128xi32, #tpu.memory_space<vmem>>
      %dma_start3A_66 = tpu.memref_squeeze %dma_start3A_65 : memref<1x128xi32, #tpu.memory_space<vmem>> -> memref<128xi32, #tpu.memory_space<vmem>>
      %dma_start3A_67 = arith.constant 0 : i32
      %dma_start3A_68 = arith.constant 0 : i32
      %dma_start3A_69 = tpu.memref_slice %arg5[%dma_start3A_67, %dma_start3A_68] : memref<10000x96xf32, #tpu.memory_space<hbm>> -> memref<10000x96xf32, #tpu.memory_space<hbm>>
      tpu.enqueue_indirect_dma source(%dma_start3A_69 : memref<10000x96xf32, #tpu.memory_space<hbm>>) target(%arg12 : memref<128x96xf32, #tpu.memory_space<vmem>>) offsets(%dma_start3A_66 : memref<128xi32, #tpu.memory_space<vmem>>) semaphore(%arg16 : memref<!tpu.dma_semaphore, #tpu.memory_space<semaphore_mem>>)
    } else {
    }
    %mul3A_18 = arith.constant 157 : i32
    %mul3A_19 = arith.muli %arg1, %mul3A_18 : i32
    %add3A_20 = arith.constant 1 : i32
    %add3A_21 = arith.addi %mul3A_19, %add3A_20 : i32
    %dma_start3A_22 = arith.constant 0 : i32
    %dma_start3A_23 = tpu.memref_slice %arg3[%add3A_21, %dma_start3A_22] : memref<2512x128xi32, #tpu.memory_space<hbm>> -> memref<1x128xi32, #tpu.memory_space<hbm>>
    %dma_start3A_24 = tpu.memref_squeeze %dma_start3A_23 : memref<1x128xi32, #tpu.memory_space<hbm>> -> memref<128xi32, #tpu.memory_space<hbm>>
    %dma_start3A_25 = arith.constant 0 : i32
    %dma_start3A_26 = tpu.memref_slice %arg3[%add3A_21, %dma_start3A_25] : memref<2512x128xi32, #tpu.memory_space<hbm>> -> memref<1x128xi32, #tpu.memory_space<hbm>>
    %dma_start3A_27 = tpu.memref_squeeze %dma_start3A_26 : memref<1x128xi32, #tpu.memory_space<hbm>> -> memref<128xi32, #tpu.memory_space<hbm>>
    tpu.enqueue_dma source(%dma_start3A_27 : memref<128xi32, #tpu.memory_space<hbm>>) target(%arg10 : memref<128xi32, #tpu.memory_space<vmem>>) target_semaphore(%arg23 : memref<!tpu.dma_semaphore, #tpu.memory_space<semaphore_mem>>)
    %eq3A_28 = arith.constant 0 : i32
    %eq3A_29 = arith.cmpi eq, %arg0, %eq3A_28 : i32
    %convert_element_type3A_30 = arith.extui %eq3A_29 : i1 to i32
    %cond3A_31 = arith.constant 0 : i32
    %cond3A_32 = arith.cmpi ne, %convert_element_type3A_30, %cond3A_31 : i32
    scf.if %cond3A_32 {
      %dma_start3A_63 = arith.constant 1 : i32
      %dma_start3A_64 = arith.constant 0 : i32
      %dma_start3A_65 = tpu.memref_slice %arg8[%dma_start3A_63, %dma_start3A_64] : memref<157x128xi32, #tpu.memory_space<vmem>> -> memref<1x128xi32, #tpu.memory_space<vmem>>
      %dma_start3A_66 = tpu.memref_squeeze %dma_start3A_65 : memref<1x128xi32, #tpu.memory_space<vmem>> -> memref<128xi32, #tpu.memory_space<vmem>>
      %dma_start3A_67 = arith.constant 0 : i32
      %dma_start3A_68 = arith.constant 0 : i32
      %dma_start3A_69 = tpu.memref_slice %arg4[%dma_start3A_67, %dma_start3A_68] : memref<10000x96xf32, #tpu.memory_space<hbm>> -> memref<10000x96xf32, #tpu.memory_space<hbm>>
      tpu.enqueue_indirect_dma source(%dma_start3A_69 : memref<10000x96xf32, #tpu.memory_space<hbm>>) target(%arg13 : memref<128x96xf32, #tpu.memory_space<vmem>>) offsets(%dma_start3A_66 : memref<128xi32, #tpu.memory_space<vmem>>) semaphore(%arg17 : memref<!tpu.dma_semaphore, #tpu.memory_space<semaphore_mem>>)
    } else {
    }
    %eq3A_33 = arith.constant 1 : i32
    %eq3A_34 = arith.cmpi eq, %arg0, %eq3A_33 : i32
    %convert_element_type3A_35 = arith.extui %eq3A_34 : i1 to i32
    %cond3A_36 = arith.constant 0 : i32
    %cond3A_37 = arith.cmpi ne, %convert_element_type3A_35, %cond3A_36 : i32
    scf.if %cond3A_37 {
      %dma_start3A_63 = arith.constant 1 : i32
      %dma_start3A_64 = arith.constant 0 : i32
      %dma_start3A_65 = tpu.memref_slice %arg8[%dma_start3A_63, %dma_start3A_64] : memref<157x128xi32, #tpu.memory_space<vmem>> -> memref<1x128xi32, #tpu.memory_space<vmem>>
      %dma_start3A_66 = tpu.memref_squeeze %dma_start3A_65 : memref<1x128xi32, #tpu.memory_space<vmem>> -> memref<128xi32, #tpu.memory_space<vmem>>
      %dma_start3A_67 = arith.constant 0 : i32
      %dma_start3A_68 = arith.constant 0 : i32
      %dma_start3A_69 = tpu.memref_slice %arg5[%dma_start3A_67, %dma_start3A_68] : memref<10000x96xf32, #tpu.memory_space<hbm>> -> memref<10000x96xf32, #tpu.memory_space<hbm>>
      tpu.enqueue_indirect_dma source(%dma_start3A_69 : memref<10000x96xf32, #tpu.memory_space<hbm>>) target(%arg13 : memref<128x96xf32, #tpu.memory_space<vmem>>) offsets(%dma_start3A_66 : memref<128xi32, #tpu.memory_space<vmem>>) semaphore(%arg17 : memref<!tpu.dma_semaphore, #tpu.memory_space<semaphore_mem>>)
    } else {
    }
    %scan3A = arith.constant 0 : i32
    %scan3A_38 = arith.constant 52 : i32
    %scan3A_39 = arith.addi %scan3A, %scan3A_38 : i32
    %scan3A_40 = arith.constant 1 : i32
    scf.for %scan3A_63 = %scan3A to %scan3A_39 step %scan3A_40  : i32 {
      %mul3A_64 = arith.constant 1 : i32
      %mul3A_65 = arith.muli %scan3A_63, %mul3A_64 : i32
      %add3A_66 = arith.constant 0 : i32
      %add3A_67 = arith.addi %add3A_66, %mul3A_65 : i32
      %dma_wait3A_68 = arith.constant 0 : i32
      %dma_wait3A_69 = arith.constant 0 : i32
      %dma_wait3A_70 = tpu.memref_slice %arg3[%dma_wait3A_68, %dma_wait3A_69] : memref<2512x128xi32, #tpu.memory_space<hbm>> -> memref<1x128xi32, #tpu.memory_space<hbm>>
      %dma_wait3A_71 = tpu.memref_squeeze %dma_wait3A_70 : memref<1x128xi32, #tpu.memory_space<hbm>> -> memref<128xi32, #tpu.memory_space<hbm>>
      %dma_wait3A_72 = arith.constant 0 : i32
      %dma_wait3A_73 = tpu.memref_slice %arg3[%dma_wait3A_68, %dma_wait3A_72] : memref<2512x128xi32, #tpu.memory_space<hbm>> -> memref<1x128xi32, #tpu.memory_space<hbm>>
      %dma_wait3A_74 = tpu.memref_squeeze %dma_wait3A_73 : memref<1x128xi32, #tpu.memory_space<hbm>> -> memref<128xi32, #tpu.memory_space<hbm>>
      tpu.wait_dma2 semaphore(%arg22 : memref<!tpu.dma_semaphore, #tpu.memory_space<semaphore_mem>>) src(%dma_wait3A_74 : memref<128xi32, #tpu.memory_space<hbm>>) dst(%arg9 : memref<128xi32, #tpu.memory_space<vmem>>)
      %dma_wait3A_75 = arith.constant 0 : i32
      %dma_wait3A_76 = arith.constant 0 : i32
      %dma_wait3A_77 = tpu.memref_slice %arg8[%dma_wait3A_75, %dma_wait3A_76] : memref<157x128xi32, #tpu.memory_space<vmem>> -> memref<1x128xi32, #tpu.memory_space<vmem>>
      %dma_wait3A_78 = tpu.memref_squeeze %dma_wait3A_77 : memref<1x128xi32, #tpu.memory_space<vmem>> -> memref<128xi32, #tpu.memory_space<vmem>>
      %dma_wait3A_79 = arith.constant 0 : i32
      %dma_wait3A_80 = arith.constant 0 : i32
      %dma_wait3A_81 = tpu.memref_slice %arg4[%dma_wait3A_79, %dma_wait3A_80] : memref<10000x96xf32, #tpu.memory_space<hbm>> -> memref<10000x96xf32, #tpu.memory_space<hbm>>
      tpu.wait_indirect_dma semaphore(%arg16 : memref<!tpu.dma_semaphore, #tpu.memory_space<semaphore_mem>>) src(%dma_wait3A_81 : memref<10000x96xf32, #tpu.memory_space<hbm>>) dst(%arg12 : memref<128x96xf32, #tpu.memory_space<vmem>>)
      %mul3A_82 = arith.constant 3 : i32
      %mul3A_83 = arith.muli %mul3A_82, %add3A_67 : i32
      %add3A_84 = arith.constant 0 : i32
      %add3A_85 = arith.addi %mul3A_83, %add3A_84 : i32
      %dma_start3A_86 = arith.constant 0 : i32
      %dma_start3A_87 = arith.constant 0 : i32
      %dma_start3A_88 = tpu.memref_slice %arg15[%dma_start3A_86, %dma_start3A_87] : memref<10240x96xf32, #tpu.memory_space<vmem_shared>> -> memref<10240x96xf32, #tpu.memory_space<vmem_shared>>
      tpu.enqueue_indirect_dma source(%arg12 : memref<128x96xf32, #tpu.memory_space<vmem>>) target(%dma_start3A_88 : memref<10240x96xf32, #tpu.memory_space<vmem_shared>>) offsets(%arg9 : memref<128xi32, #tpu.memory_space<vmem>>) semaphore(%arg19 : memref<!tpu.dma_semaphore, #tpu.memory_space<semaphore_mem>>) {add = true}
      %gt3A = arith.constant 0 : i32
      %gt3A_89 = arith.cmpi sgt, %add3A_67, %gt3A : i32
      %convert_element_type3A_90 = arith.extui %gt3A_89 : i1 to i32
      %cond3A_91 = arith.constant 0 : i32
      %cond3A_92 = arith.cmpi ne, %convert_element_type3A_90, %cond3A_91 : i32
      scf.if %cond3A_92 {
        %dma_wait3A_171 = arith.constant 0 : i32
        %dma_wait3A_172 = arith.constant 0 : i32
        %dma_wait3A_173 = tpu.memref_slice %arg15[%dma_wait3A_171, %dma_wait3A_172] : memref<10240x96xf32, #tpu.memory_space<vmem_shared>> -> memref<10240x96xf32, #tpu.memory_space<vmem_shared>>
        tpu.wait_indirect_dma semaphore(%arg21 : memref<!tpu.dma_semaphore, #tpu.memory_space<semaphore_mem>>) src(%arg14 : memref<128x96xf32, #tpu.memory_space<vmem>>) dst(%dma_wait3A_173 : memref<10240x96xf32, #tpu.memory_space<vmem_shared>>)
        %add3A_174 = arith.constant 2 : i32
        %add3A_175 = arith.addi %add3A_85, %add3A_174 : i32
        %mul3A_176 = arith.constant 157 : i32
        %mul3A_177 = arith.muli %arg1, %mul3A_176 : i32
        %add3A_178 = arith.addi %mul3A_177, %add3A_175 : i32
        %dma_start3A_179 = arith.constant 0 : i32
        %dma_start3A_180 = tpu.memref_slice %arg3[%add3A_178, %dma_start3A_179] : memref<2512x128xi32, #tpu.memory_space<hbm>> -> memref<1x128xi32, #tpu.memory_space<hbm>>
        %dma_start3A_181 = tpu.memref_squeeze %dma_start3A_180 : memref<1x128xi32, #tpu.memory_space<hbm>> -> memref<128xi32, #tpu.memory_space<hbm>>
        %dma_start3A_182 = arith.constant 0 : i32
        %dma_start3A_183 = tpu.memref_slice %arg3[%add3A_178, %dma_start3A_182] : memref<2512x128xi32, #tpu.memory_space<hbm>> -> memref<1x128xi32, #tpu.memory_space<hbm>>
        %dma_start3A_184 = tpu.memref_squeeze %dma_start3A_183 : memref<1x128xi32, #tpu.memory_space<hbm>> -> memref<128xi32, #tpu.memory_space<hbm>>
        tpu.enqueue_dma source(%dma_start3A_184 : memref<128xi32, #tpu.memory_space<hbm>>) target(%arg11 : memref<128xi32, #tpu.memory_space<vmem>>) target_semaphore(%arg24 : memref<!tpu.dma_semaphore, #tpu.memory_space<semaphore_mem>>)
        %eq3A_185 = arith.constant 0 : i32
        %eq3A_186 = arith.cmpi eq, %arg0, %eq3A_185 : i32
        %convert_element_type3A_187 = arith.extui %eq3A_186 : i1 to i32
        %cond3A_188 = arith.constant 0 : i32
        %cond3A_189 = arith.cmpi ne, %convert_element_type3A_187, %cond3A_188 : i32
        scf.if %cond3A_189 {
          %dma_start3A_195 = arith.constant 0 : i32
          %dma_start3A_196 = tpu.memref_slice %arg8[%add3A_175, %dma_start3A_195] : memref<157x128xi32, #tpu.memory_space<vmem>> -> memref<1x128xi32, #tpu.memory_space<vmem>>
          %dma_start3A_197 = tpu.memref_squeeze %dma_start3A_196 : memref<1x128xi32, #tpu.memory_space<vmem>> -> memref<128xi32, #tpu.memory_space<vmem>>
          %dma_start3A_198 = arith.constant 0 : i32
          %dma_start3A_199 = arith.constant 0 : i32
          %dma_start3A_200 = tpu.memref_slice %arg4[%dma_start3A_198, %dma_start3A_199] : memref<10000x96xf32, #tpu.memory_space<hbm>> -> memref<10000x96xf32, #tpu.memory_space<hbm>>
          tpu.enqueue_indirect_dma source(%dma_start3A_200 : memref<10000x96xf32, #tpu.memory_space<hbm>>) target(%arg14 : memref<128x96xf32, #tpu.memory_space<vmem>>) offsets(%dma_start3A_197 : memref<128xi32, #tpu.memory_space<vmem>>) semaphore(%arg18 : memref<!tpu.dma_semaphore, #tpu.memory_space<semaphore_mem>>)
        } else {
        }
        %eq3A_190 = arith.constant 1 : i32
        %eq3A_191 = arith.cmpi eq, %arg0, %eq3A_190 : i32
        %convert_element_type3A_192 = arith.extui %eq3A_191 : i1 to i32
        %cond3A_193 = arith.constant 0 : i32
        %cond3A_194 = arith.cmpi ne, %convert_element_type3A_192, %cond3A_193 : i32
        scf.if %cond3A_194 {
          %dma_start3A_195 = arith.constant 0 : i32
          %dma_start3A_196 = tpu.memref_slice %arg8[%add3A_175, %dma_start3A_195] : memref<157x128xi32, #tpu.memory_space<vmem>> -> memref<1x128xi32, #tpu.memory_space<vmem>>
          %dma_start3A_197 = tpu.memref_squeeze %dma_start3A_196 : memref<1x128xi32, #tpu.memory_space<vmem>> -> memref<128xi32, #tpu.memory_space<vmem>>
          %dma_start3A_198 = arith.constant 0 : i32
          %dma_start3A_199 = arith.constant 0 : i32
          %dma_start3A_200 = tpu.memref_slice %arg5[%dma_start3A_198, %dma_start3A_199] : memref<10000x96xf32, #tpu.memory_space<hbm>> -> memref<10000x96xf32, #tpu.memory_space<hbm>>
          tpu.enqueue_indirect_dma source(%dma_start3A_200 : memref<10000x96xf32, #tpu.memory_space<hbm>>) target(%arg14 : memref<128x96xf32, #tpu.memory_space<vmem>>) offsets(%dma_start3A_197 : memref<128xi32, #tpu.memory_space<vmem>>) semaphore(%arg18 : memref<!tpu.dma_semaphore, #tpu.memory_space<semaphore_mem>>)
        } else {
        }
      } else {
      }
      %eq3A_93 = arith.constant 0 : i32
      %eq3A_94 = arith.cmpi eq, %add3A_67, %eq3A_93 : i32
      %convert_element_type3A_95 = arith.extui %eq3A_94 : i1 to i32
      %cond3A_96 = arith.constant 0 : i32
      %cond3A_97 = arith.cmpi ne, %convert_element_type3A_95, %cond3A_96 : i32
      scf.if %cond3A_97 {
        %add3A_171 = arith.constant 2 : i32
        %add3A_172 = arith.addi %add3A_85, %add3A_171 : i32
        %mul3A_173 = arith.constant 157 : i32
        %mul3A_174 = arith.muli %arg1, %mul3A_173 : i32
        %add3A_175 = arith.addi %mul3A_174, %add3A_172 : i32
        %dma_start3A_176 = arith.constant 0 : i32
        %dma_start3A_177 = tpu.memref_slice %arg3[%add3A_175, %dma_start3A_176] : memref<2512x128xi32, #tpu.memory_space<hbm>> -> memref<1x128xi32, #tpu.memory_space<hbm>>
        %dma_start3A_178 = tpu.memref_squeeze %dma_start3A_177 : memref<1x128xi32, #tpu.memory_space<hbm>> -> memref<128xi32, #tpu.memory_space<hbm>>
        %dma_start3A_179 = arith.constant 0 : i32
        %dma_start3A_180 = tpu.memref_slice %arg3[%add3A_175, %dma_start3A_179] : memref<2512x128xi32, #tpu.memory_space<hbm>> -> memref<1x128xi32, #tpu.memory_space<hbm>>
        %dma_start3A_181 = tpu.memref_squeeze %dma_start3A_180 : memref<1x128xi32, #tpu.memory_space<hbm>> -> memref<128xi32, #tpu.memory_space<hbm>>
        tpu.enqueue_dma source(%dma_start3A_181 : memref<128xi32, #tpu.memory_space<hbm>>) target(%arg11 : memref<128xi32, #tpu.memory_space<vmem>>) target_semaphore(%arg24 : memref<!tpu.dma_semaphore, #tpu.memory_space<semaphore_mem>>)
        %eq3A_182 = arith.constant 0 : i32
        %eq3A_183 = arith.cmpi eq, %arg0, %eq3A_182 : i32
        %convert_element_type3A_184 = arith.extui %eq3A_183 : i1 to i32
        %cond3A_185 = arith.constant 0 : i32
        %cond3A_186 = arith.cmpi ne, %convert_element_type3A_184, %cond3A_185 : i32
        scf.if %cond3A_186 {
          %dma_start3A_192 = arith.constant 0 : i32
          %dma_start3A_193 = tpu.memref_slice %arg8[%add3A_172, %dma_start3A_192] : memref<157x128xi32, #tpu.memory_space<vmem>> -> memref<1x128xi32, #tpu.memory_space<vmem>>
          %dma_start3A_194 = tpu.memref_squeeze %dma_start3A_193 : memref<1x128xi32, #tpu.memory_space<vmem>> -> memref<128xi32, #tpu.memory_space<vmem>>
          %dma_start3A_195 = arith.constant 0 : i32
          %dma_start3A_196 = arith.constant 0 : i32
          %dma_start3A_197 = tpu.memref_slice %arg4[%dma_start3A_195, %dma_start3A_196] : memref<10000x96xf32, #tpu.memory_space<hbm>> -> memref<10000x96xf32, #tpu.memory_space<hbm>>
          tpu.enqueue_indirect_dma source(%dma_start3A_197 : memref<10000x96xf32, #tpu.memory_space<hbm>>) target(%arg14 : memref<128x96xf32, #tpu.memory_space<vmem>>) offsets(%dma_start3A_194 : memref<128xi32, #tpu.memory_space<vmem>>) semaphore(%arg18 : memref<!tpu.dma_semaphore, #tpu.memory_space<semaphore_mem>>)
        } else {
        }
        %eq3A_187 = arith.constant 1 : i32
        %eq3A_188 = arith.cmpi eq, %arg0, %eq3A_187 : i32
        %convert_element_type3A_189 = arith.extui %eq3A_188 : i1 to i32
        %cond3A_190 = arith.constant 0 : i32
        %cond3A_191 = arith.cmpi ne, %convert_element_type3A_189, %cond3A_190 : i32
        scf.if %cond3A_191 {
          %dma_start3A_192 = arith.constant 0 : i32
          %dma_start3A_193 = tpu.memref_slice %arg8[%add3A_172, %dma_start3A_192] : memref<157x128xi32, #tpu.memory_space<vmem>> -> memref<1x128xi32, #tpu.memory_space<vmem>>
          %dma_start3A_194 = tpu.memref_squeeze %dma_start3A_193 : memref<1x128xi32, #tpu.memory_space<vmem>> -> memref<128xi32, #tpu.memory_space<vmem>>
          %dma_start3A_195 = arith.constant 0 : i32
          %dma_start3A_196 = arith.constant 0 : i32
          %dma_start3A_197 = tpu.memref_slice %arg5[%dma_start3A_195, %dma_start3A_196] : memref<10000x96xf32, #tpu.memory_space<hbm>> -> memref<10000x96xf32, #tpu.memory_space<hbm>>
          tpu.enqueue_indirect_dma source(%dma_start3A_197 : memref<10000x96xf32, #tpu.memory_space<hbm>>) target(%arg14 : memref<128x96xf32, #tpu.memory_space<vmem>>) offsets(%dma_start3A_194 : memref<128xi32, #tpu.memory_space<vmem>>) semaphore(%arg18 : memref<!tpu.dma_semaphore, #tpu.memory_space<semaphore_mem>>)
        } else {
        }
      } else {
      }
      %dma_wait3A_98 = arith.constant 0 : i32
      %dma_wait3A_99 = arith.constant 0 : i32
      %dma_wait3A_100 = tpu.memref_slice %arg3[%dma_wait3A_98, %dma_wait3A_99] : memref<2512x128xi32, #tpu.memory_space<hbm>> -> memref<1x128xi32, #tpu.memory_space<hbm>>
      %dma_wait3A_101 = tpu.memref_squeeze %dma_wait3A_100 : memref<1x128xi32, #tpu.memory_space<hbm>> -> memref<128xi32, #tpu.memory_space<hbm>>
      %dma_wait3A_102 = arith.constant 0 : i32
      %dma_wait3A_103 = tpu.memref_slice %arg3[%dma_wait3A_98, %dma_wait3A_102] : memref<2512x128xi32, #tpu.memory_space<hbm>> -> memref<1x128xi32, #tpu.memory_space<hbm>>
      %dma_wait3A_104 = tpu.memref_squeeze %dma_wait3A_103 : memref<1x128xi32, #tpu.memory_space<hbm>> -> memref<128xi32, #tpu.memory_space<hbm>>
      tpu.wait_dma2 semaphore(%arg23 : memref<!tpu.dma_semaphore, #tpu.memory_space<semaphore_mem>>) src(%dma_wait3A_104 : memref<128xi32, #tpu.memory_space<hbm>>) dst(%arg10 : memref<128xi32, #tpu.memory_space<vmem>>)
      %dma_wait3A_105 = arith.constant 0 : i32
      %dma_wait3A_106 = arith.constant 0 : i32
      %dma_wait3A_107 = tpu.memref_slice %arg8[%dma_wait3A_105, %dma_wait3A_106] : memref<157x128xi32, #tpu.memory_space<vmem>> -> memref<1x128xi32, #tpu.memory_space<vmem>>
      %dma_wait3A_108 = tpu.memref_squeeze %dma_wait3A_107 : memref<1x128xi32, #tpu.memory_space<vmem>> -> memref<128xi32, #tpu.memory_space<vmem>>
      %dma_wait3A_109 = arith.constant 0 : i32
      %dma_wait3A_110 = arith.constant 0 : i32
      %dma_wait3A_111 = tpu.memref_slice %arg4[%dma_wait3A_109, %dma_wait3A_110] : memref<10000x96xf32, #tpu.memory_space<hbm>> -> memref<10000x96xf32, #tpu.memory_space<hbm>>
      tpu.wait_indirect_dma semaphore(%arg17 : memref<!tpu.dma_semaphore, #tpu.memory_space<semaphore_mem>>) src(%dma_wait3A_111 : memref<10000x96xf32, #tpu.memory_space<hbm>>) dst(%arg13 : memref<128x96xf32, #tpu.memory_space<vmem>>)
      %mul3A_112 = arith.constant 3 : i32
      %mul3A_113 = arith.muli %mul3A_112, %add3A_67 : i32
      %add3A_114 = arith.constant 1 : i32
      %add3A_115 = arith.addi %mul3A_113, %add3A_114 : i32
      %dma_start3A_116 = arith.constant 0 : i32
      %dma_start3A_117 = arith.constant 0 : i32
      %dma_start3A_118 = tpu.memref_slice %arg15[%dma_start3A_116, %dma_start3A_117] : memref<10240x96xf32, #tpu.memory_space<vmem_shared>> -> memref<10240x96xf32, #tpu.memory_space<vmem_shared>>
      tpu.enqueue_indirect_dma source(%arg13 : memref<128x96xf32, #tpu.memory_space<vmem>>) target(%dma_start3A_118 : memref<10240x96xf32, #tpu.memory_space<vmem_shared>>) offsets(%arg10 : memref<128xi32, #tpu.memory_space<vmem>>) semaphore(%arg20 : memref<!tpu.dma_semaphore, #tpu.memory_space<semaphore_mem>>) {add = true}
      %dma_wait3A_119 = arith.constant 0 : i32
      %dma_wait3A_120 = arith.constant 0 : i32
      %dma_wait3A_121 = tpu.memref_slice %arg15[%dma_wait3A_119, %dma_wait3A_120] : memref<10240x96xf32, #tpu.memory_space<vmem_shared>> -> memref<10240x96xf32, #tpu.memory_space<vmem_shared>>
      tpu.wait_indirect_dma semaphore(%arg19 : memref<!tpu.dma_semaphore, #tpu.memory_space<semaphore_mem>>) src(%arg12 : memref<128x96xf32, #tpu.memory_space<vmem>>) dst(%dma_wait3A_121 : memref<10240x96xf32, #tpu.memory_space<vmem_shared>>)
      %add3A_122 = arith.constant 2 : i32
      %add3A_123 = arith.addi %add3A_115, %add3A_122 : i32
      %mul3A_124 = arith.constant 157 : i32
      %mul3A_125 = arith.muli %arg1, %mul3A_124 : i32
      %add3A_126 = arith.addi %mul3A_125, %add3A_123 : i32
      %dma_start3A_127 = arith.constant 0 : i32
      %dma_start3A_128 = tpu.memref_slice %arg3[%add3A_126, %dma_start3A_127] : memref<2512x128xi32, #tpu.memory_space<hbm>> -> memref<1x128xi32, #tpu.memory_space<hbm>>
      %dma_start3A_129 = tpu.memref_squeeze %dma_start3A_128 : memref<1x128xi32, #tpu.memory_space<hbm>> -> memref<128xi32, #tpu.memory_space<hbm>>
      %dma_start3A_130 = arith.constant 0 : i32
      %dma_start3A_131 = tpu.memref_slice %arg3[%add3A_126, %dma_start3A_130] : memref<2512x128xi32, #tpu.memory_space<hbm>> -> memref<1x128xi32, #tpu.memory_space<hbm>>
      %dma_start3A_132 = tpu.memref_squeeze %dma_start3A_131 : memref<1x128xi32, #tpu.memory_space<hbm>> -> memref<128xi32, #tpu.memory_space<hbm>>
      tpu.enqueue_dma source(%dma_start3A_132 : memref<128xi32, #tpu.memory_space<hbm>>) target(%arg9 : memref<128xi32, #tpu.memory_space<vmem>>) target_semaphore(%arg22 : memref<!tpu.dma_semaphore, #tpu.memory_space<semaphore_mem>>)
      %eq3A_133 = arith.constant 0 : i32
      %eq3A_134 = arith.cmpi eq, %arg0, %eq3A_133 : i32
      %convert_element_type3A_135 = arith.extui %eq3A_134 : i1 to i32
      %cond3A_136 = arith.constant 0 : i32
      %cond3A_137 = arith.cmpi ne, %convert_element_type3A_135, %cond3A_136 : i32
      scf.if %cond3A_137 {
        %dma_start3A_171 = arith.constant 0 : i32
        %dma_start3A_172 = tpu.memref_slice %arg8[%add3A_123, %dma_start3A_171] : memref<157x128xi32, #tpu.memory_space<vmem>> -> memref<1x128xi32, #tpu.memory_space<vmem>>
        %dma_start3A_173 = tpu.memref_squeeze %dma_start3A_172 : memref<1x128xi32, #tpu.memory_space<vmem>> -> memref<128xi32, #tpu.memory_space<vmem>>
        %dma_start3A_174 = arith.constant 0 : i32
        %dma_start3A_175 = arith.constant 0 : i32
        %dma_start3A_176 = tpu.memref_slice %arg4[%dma_start3A_174, %dma_start3A_175] : memref<10000x96xf32, #tpu.memory_space<hbm>> -> memref<10000x96xf32, #tpu.memory_space<hbm>>
        tpu.enqueue_indirect_dma source(%dma_start3A_176 : memref<10000x96xf32, #tpu.memory_space<hbm>>) target(%arg12 : memref<128x96xf32, #tpu.memory_space<vmem>>) offsets(%dma_start3A_173 : memref<128xi32, #tpu.memory_space<vmem>>) semaphore(%arg16 : memref<!tpu.dma_semaphore, #tpu.memory_space<semaphore_mem>>)
      } else {
      }
      %eq3A_138 = arith.constant 1 : i32
      %eq3A_139 = arith.cmpi eq, %arg0, %eq3A_138 : i32
      %convert_element_type3A_140 = arith.extui %eq3A_139 : i1 to i32
      %cond3A_141 = arith.constant 0 : i32
      %cond3A_142 = arith.cmpi ne, %convert_element_type3A_140, %cond3A_141 : i32
      scf.if %cond3A_142 {
        %dma_start3A_171 = arith.constant 0 : i32
        %dma_start3A_172 = tpu.memref_slice %arg8[%add3A_123, %dma_start3A_171] : memref<157x128xi32, #tpu.memory_space<vmem>> -> memref<1x128xi32, #tpu.memory_space<vmem>>
        %dma_start3A_173 = tpu.memref_squeeze %dma_start3A_172 : memref<1x128xi32, #tpu.memory_space<vmem>> -> memref<128xi32, #tpu.memory_space<vmem>>
        %dma_start3A_174 = arith.constant 0 : i32
        %dma_start3A_175 = arith.constant 0 : i32
        %dma_start3A_176 = tpu.memref_slice %arg5[%dma_start3A_174, %dma_start3A_175] : memref<10000x96xf32, #tpu.memory_space<hbm>> -> memref<10000x96xf32, #tpu.memory_space<hbm>>
        tpu.enqueue_indirect_dma source(%dma_start3A_176 : memref<10000x96xf32, #tpu.memory_space<hbm>>) target(%arg12 : memref<128x96xf32, #tpu.memory_space<vmem>>) offsets(%dma_start3A_173 : memref<128xi32, #tpu.memory_space<vmem>>) semaphore(%arg16 : memref<!tpu.dma_semaphore, #tpu.memory_space<semaphore_mem>>)
      } else {
      }
      %dma_wait3A_143 = arith.constant 0 : i32
      %dma_wait3A_144 = arith.constant 0 : i32
      %dma_wait3A_145 = tpu.memref_slice %arg3[%dma_wait3A_143, %dma_wait3A_144] : memref<2512x128xi32, #tpu.memory_space<hbm>> -> memref<1x128xi32, #tpu.memory_space<hbm>>
      %dma_wait3A_146 = tpu.memref_squeeze %dma_wait3A_145 : memref<1x128xi32, #tpu.memory_space<hbm>> -> memref<128xi32, #tpu.memory_space<hbm>>
      %dma_wait3A_147 = arith.constant 0 : i32
      %dma_wait3A_148 = tpu.memref_slice %arg3[%dma_wait3A_143, %dma_wait3A_147] : memref<2512x128xi32, #tpu.memory_space<hbm>> -> memref<1x128xi32, #tpu.memory_space<hbm>>
      %dma_wait3A_149 = tpu.memref_squeeze %dma_wait3A_148 : memref<1x128xi32, #tpu.memory_space<hbm>> -> memref<128xi32, #tpu.memory_space<hbm>>
      tpu.wait_dma2 semaphore(%arg24 : memref<!tpu.dma_semaphore, #tpu.memory_space<semaphore_mem>>) src(%dma_wait3A_149 : memref<128xi32, #tpu.memory_space<hbm>>) dst(%arg11 : memref<128xi32, #tpu.memory_space<vmem>>)
      %dma_wait3A_150 = arith.constant 0 : i32
      %dma_wait3A_151 = arith.constant 0 : i32
      %dma_wait3A_152 = tpu.memref_slice %arg8[%dma_wait3A_150, %dma_wait3A_151] : memref<157x128xi32, #tpu.memory_space<vmem>> -> memref<1x128xi32, #tpu.memory_space<vmem>>
      %dma_wait3A_153 = tpu.memref_squeeze %dma_wait3A_152 : memref<1x128xi32, #tpu.memory_space<vmem>> -> memref<128xi32, #tpu.memory_space<vmem>>
      %dma_wait3A_154 = arith.constant 0 : i32
      %dma_wait3A_155 = arith.constant 0 : i32
      %dma_wait3A_156 = tpu.memref_slice %arg4[%dma_wait3A_154, %dma_wait3A_155] : memref<10000x96xf32, #tpu.memory_space<hbm>> -> memref<10000x96xf32, #tpu.memory_space<hbm>>
      tpu.wait_indirect_dma semaphore(%arg18 : memref<!tpu.dma_semaphore, #tpu.memory_space<semaphore_mem>>) src(%dma_wait3A_156 : memref<10000x96xf32, #tpu.memory_space<hbm>>) dst(%arg14 : memref<128x96xf32, #tpu.memory_space<vmem>>)
      %mul3A_157 = arith.constant 3 : i32
      %mul3A_158 = arith.muli %mul3A_157, %add3A_67 : i32
      %add3A_159 = arith.constant 2 : i32
      %add3A_160 = arith.addi %mul3A_158, %add3A_159 : i32
      %dma_start3A_161 = arith.constant 0 : i32
      %dma_start3A_162 = arith.constant 0 : i32
      %dma_start3A_163 = tpu.memref_slice %arg15[%dma_start3A_161, %dma_start3A_162] : memref<10240x96xf32, #tpu.memory_space<vmem_shared>> -> memref<10240x96xf32, #tpu.memory_space<vmem_shared>>
      tpu.enqueue_indirect_dma source(%arg14 : memref<128x96xf32, #tpu.memory_space<vmem>>) target(%dma_start3A_163 : memref<10240x96xf32, #tpu.memory_space<vmem_shared>>) offsets(%arg11 : memref<128xi32, #tpu.memory_space<vmem>>) semaphore(%arg21 : memref<!tpu.dma_semaphore, #tpu.memory_space<semaphore_mem>>) {add = true}
      %dma_wait3A_164 = arith.constant 0 : i32
      %dma_wait3A_165 = arith.constant 0 : i32
      %dma_wait3A_166 = tpu.memref_slice %arg15[%dma_wait3A_164, %dma_wait3A_165] : memref<10240x96xf32, #tpu.memory_space<vmem_shared>> -> memref<10240x96xf32, #tpu.memory_space<vmem_shared>>
      tpu.wait_indirect_dma semaphore(%arg20 : memref<!tpu.dma_semaphore, #tpu.memory_space<semaphore_mem>>) src(%arg13 : memref<128x96xf32, #tpu.memory_space<vmem>>) dst(%dma_wait3A_166 : memref<10240x96xf32, #tpu.memory_space<vmem_shared>>)
      %lt3A = arith.constant 51 : i32
      %lt3A_167 = arith.cmpi slt, %add3A_67, %lt3A : i32
      %convert_element_type3A_168 = arith.extui %lt3A_167 : i1 to i32
      %cond3A_169 = arith.constant 0 : i32
      %cond3A_170 = arith.cmpi ne, %convert_element_type3A_168, %cond3A_169 : i32
      scf.if %cond3A_170 {
        %add3A_171 = arith.constant 2 : i32
        %add3A_172 = arith.addi %add3A_160, %add3A_171 : i32
        %mul3A_173 = arith.constant 157 : i32
        %mul3A_174 = arith.muli %arg1, %mul3A_173 : i32
        %add3A_175 = arith.addi %mul3A_174, %add3A_172 : i32
        %dma_start3A_176 = arith.constant 0 : i32
        %dma_start3A_177 = tpu.memref_slice %arg3[%add3A_175, %dma_start3A_176] : memref<2512x128xi32, #tpu.memory_space<hbm>> -> memref<1x128xi32, #tpu.memory_space<hbm>>
        %dma_start3A_178 = tpu.memref_squeeze %dma_start3A_177 : memref<1x128xi32, #tpu.memory_space<hbm>> -> memref<128xi32, #tpu.memory_space<hbm>>
        %dma_start3A_179 = arith.constant 0 : i32
        %dma_start3A_180 = tpu.memref_slice %arg3[%add3A_175, %dma_start3A_179] : memref<2512x128xi32, #tpu.memory_space<hbm>> -> memref<1x128xi32, #tpu.memory_space<hbm>>
        %dma_start3A_181 = tpu.memref_squeeze %dma_start3A_180 : memref<1x128xi32, #tpu.memory_space<hbm>> -> memref<128xi32, #tpu.memory_space<hbm>>
        tpu.enqueue_dma source(%dma_start3A_181 : memref<128xi32, #tpu.memory_space<hbm>>) target(%arg10 : memref<128xi32, #tpu.memory_space<vmem>>) target_semaphore(%arg23 : memref<!tpu.dma_semaphore, #tpu.memory_space<semaphore_mem>>)
        %eq3A_182 = arith.constant 0 : i32
        %eq3A_183 = arith.cmpi eq, %arg0, %eq3A_182 : i32
        %convert_element_type3A_184 = arith.extui %eq3A_183 : i1 to i32
        %cond3A_185 = arith.constant 0 : i32
        %cond3A_186 = arith.cmpi ne, %convert_element_type3A_184, %cond3A_185 : i32
        scf.if %cond3A_186 {
          %dma_start3A_192 = arith.constant 0 : i32
          %dma_start3A_193 = tpu.memref_slice %arg8[%add3A_172, %dma_start3A_192] : memref<157x128xi32, #tpu.memory_space<vmem>> -> memref<1x128xi32, #tpu.memory_space<vmem>>
          %dma_start3A_194 = tpu.memref_squeeze %dma_start3A_193 : memref<1x128xi32, #tpu.memory_space<vmem>> -> memref<128xi32, #tpu.memory_space<vmem>>
          %dma_start3A_195 = arith.constant 0 : i32
          %dma_start3A_196 = arith.constant 0 : i32
          %dma_start3A_197 = tpu.memref_slice %arg4[%dma_start3A_195, %dma_start3A_196] : memref<10000x96xf32, #tpu.memory_space<hbm>> -> memref<10000x96xf32, #tpu.memory_space<hbm>>
          tpu.enqueue_indirect_dma source(%dma_start3A_197 : memref<10000x96xf32, #tpu.memory_space<hbm>>) target(%arg13 : memref<128x96xf32, #tpu.memory_space<vmem>>) offsets(%dma_start3A_194 : memref<128xi32, #tpu.memory_space<vmem>>) semaphore(%arg17 : memref<!tpu.dma_semaphore, #tpu.memory_space<semaphore_mem>>)
        } else {
        }
        %eq3A_187 = arith.constant 1 : i32
        %eq3A_188 = arith.cmpi eq, %arg0, %eq3A_187 : i32
        %convert_element_type3A_189 = arith.extui %eq3A_188 : i1 to i32
        %cond3A_190 = arith.constant 0 : i32
        %cond3A_191 = arith.cmpi ne, %convert_element_type3A_189, %cond3A_190 : i32
        scf.if %cond3A_191 {
          %dma_start3A_192 = arith.constant 0 : i32
          %dma_start3A_193 = tpu.memref_slice %arg8[%add3A_172, %dma_start3A_192] : memref<157x128xi32, #tpu.memory_space<vmem>> -> memref<1x128xi32, #tpu.memory_space<vmem>>
          %dma_start3A_194 = tpu.memref_squeeze %dma_start3A_193 : memref<1x128xi32, #tpu.memory_space<vmem>> -> memref<128xi32, #tpu.memory_space<vmem>>
          %dma_start3A_195 = arith.constant 0 : i32
          %dma_start3A_196 = arith.constant 0 : i32
          %dma_start3A_197 = tpu.memref_slice %arg5[%dma_start3A_195, %dma_start3A_196] : memref<10000x96xf32, #tpu.memory_space<hbm>> -> memref<10000x96xf32, #tpu.memory_space<hbm>>
          tpu.enqueue_indirect_dma source(%dma_start3A_197 : memref<10000x96xf32, #tpu.memory_space<hbm>>) target(%arg13 : memref<128x96xf32, #tpu.memory_space<vmem>>) offsets(%dma_start3A_194 : memref<128xi32, #tpu.memory_space<vmem>>) semaphore(%arg17 : memref<!tpu.dma_semaphore, #tpu.memory_space<semaphore_mem>>)
        } else {
        }
      } else {
      }
    }
    %scan3A_41 = arith.constant 52 : i32
    %dma_wait3A = arith.constant 0 : i32
    %dma_wait3A_42 = arith.constant 0 : i32
    %dma_wait3A_43 = tpu.memref_slice %arg15[%dma_wait3A, %dma_wait3A_42] : memref<10240x96xf32, #tpu.memory_space<vmem_shared>> -> memref<10240x96xf32, #tpu.memory_space<vmem_shared>>
    tpu.wait_indirect_dma semaphore(%arg21 : memref<!tpu.dma_semaphore, #tpu.memory_space<semaphore_mem>>) src(%arg14 : memref<128x96xf32, #tpu.memory_space<vmem>>) dst(%dma_wait3A_43 : memref<10240x96xf32, #tpu.memory_space<vmem_shared>>)
    %dma_wait3A_44 = arith.constant 0 : i32
    %dma_wait3A_45 = arith.constant 0 : i32
    %dma_wait3A_46 = tpu.memref_slice %arg3[%dma_wait3A_44, %dma_wait3A_45] : memref<2512x128xi32, #tpu.memory_space<hbm>> -> memref<1x128xi32, #tpu.memory_space<hbm>>
    %dma_wait3A_47 = tpu.memref_squeeze %dma_wait3A_46 : memref<1x128xi32, #tpu.memory_space<hbm>> -> memref<128xi32, #tpu.memory_space<hbm>>
    %dma_wait3A_48 = arith.constant 0 : i32
    %dma_wait3A_49 = tpu.memref_slice %arg3[%dma_wait3A_44, %dma_wait3A_48] : memref<2512x128xi32, #tpu.memory_space<hbm>> -> memref<1x128xi32, #tpu.memory_space<hbm>>
    %dma_wait3A_50 = tpu.memref_squeeze %dma_wait3A_49 : memref<1x128xi32, #tpu.memory_space<hbm>> -> memref<128xi32, #tpu.memory_space<hbm>>
    tpu.wait_dma2 semaphore(%arg22 : memref<!tpu.dma_semaphore, #tpu.memory_space<semaphore_mem>>) src(%dma_wait3A_50 : memref<128xi32, #tpu.memory_space<hbm>>) dst(%arg9 : memref<128xi32, #tpu.memory_space<vmem>>)
    %dma_wait3A_51 = arith.constant 0 : i32
    %dma_wait3A_52 = arith.constant 0 : i32
    %dma_wait3A_53 = tpu.memref_slice %arg8[%dma_wait3A_51, %dma_wait3A_52] : memref<157x128xi32, #tpu.memory_space<vmem>> -> memref<1x128xi32, #tpu.memory_space<vmem>>
    %dma_wait3A_54 = tpu.memref_squeeze %dma_wait3A_53 : memref<1x128xi32, #tpu.memory_space<vmem>> -> memref<128xi32, #tpu.memory_space<vmem>>
    %dma_wait3A_55 = arith.constant 0 : i32
    %dma_wait3A_56 = arith.constant 0 : i32
    %dma_wait3A_57 = tpu.memref_slice %arg4[%dma_wait3A_55, %dma_wait3A_56] : memref<10000x96xf32, #tpu.memory_space<hbm>> -> memref<10000x96xf32, #tpu.memory_space<hbm>>
    tpu.wait_indirect_dma semaphore(%arg16 : memref<!tpu.dma_semaphore, #tpu.memory_space<semaphore_mem>>) src(%dma_wait3A_57 : memref<10000x96xf32, #tpu.memory_space<hbm>>) dst(%arg12 : memref<128x96xf32, #tpu.memory_space<vmem>>)
    "tpu.region"() ({
      %run_scoped3A = tpu.sem_alloc : memref<!tpu.dma_semaphore, #tpu.memory_space<semaphore_mem>>
      %dma_start3A_63 = arith.constant 0 : i32
      %dma_start3A_64 = arith.constant 0 : i32
      %dma_start3A_65 = tpu.memref_slice %arg15[%dma_start3A_63, %dma_start3A_64] : memref<10240x96xf32, #tpu.memory_space<vmem_shared>> -> memref<10240x96xf32, #tpu.memory_space<vmem_shared>>
      tpu.enqueue_indirect_dma source(%arg12 : memref<128x96xf32, #tpu.memory_space<vmem>>) target(%dma_start3A_65 : memref<10240x96xf32, #tpu.memory_space<vmem_shared>>) offsets(%arg9 : memref<128xi32, #tpu.memory_space<vmem>>) semaphore(%run_scoped3A : memref<!tpu.dma_semaphore, #tpu.memory_space<semaphore_mem>>) {add = true}
      %dma_wait3A_66 = arith.constant 0 : i32
      %dma_wait3A_67 = arith.constant 0 : i32
      %dma_wait3A_68 = tpu.memref_slice %arg15[%dma_wait3A_66, %dma_wait3A_67] : memref<10240x96xf32, #tpu.memory_space<vmem_shared>> -> memref<10240x96xf32, #tpu.memory_space<vmem_shared>>
      tpu.wait_indirect_dma semaphore(%run_scoped3A : memref<!tpu.dma_semaphore, #tpu.memory_space<semaphore_mem>>) src(%arg12 : memref<128x96xf32, #tpu.memory_space<vmem>>) dst(%dma_wait3A_68 : memref<10240x96xf32, #tpu.memory_space<vmem_shared>>)
      tpu.yield
    }) : () -> ()
    %barrier3A_58 = arith.constant 0 : index
    tpu.barrier barrier_id(%barrier3A_58)
    %mul3A_59 = arith.constant 640 : i32
    %mul3A_60 = arith.muli %arg1, %mul3A_59 : i32
    %mul3A_61 = arith.constant 640 : i32
    %mul3A_62 = arith.muli %arg1, %mul3A_61 : i32
    "tpu.region"() ({
      %run_scoped3A = tpu.sem_alloc : memref<!tpu.dma_semaphore, #tpu.memory_space<semaphore_mem>>
      %dma_start3A_63 = arith.constant 0 : i32
      %dma_start3A_64 = tpu.memref_slice %arg7[%arg0, %mul3A_62, %dma_start3A_63] : memref<2x10240x96xf32, #tpu.memory_space<hbm>> -> memref<1x640x96xf32, #tpu.memory_space<hbm>>
      %dma_start3A_65 = tpu.memref_squeeze %dma_start3A_64 : memref<1x640x96xf32, #tpu.memory_space<hbm>> -> memref<640x96xf32, #tpu.memory_space<hbm>>
      %dma_start3A_66 = arith.constant 0 : i32
      %dma_start3A_67 = tpu.memref_slice %arg15[%mul3A_60, %dma_start3A_66] : memref<10240x96xf32, #tpu.memory_space<vmem_shared>> -> memref<640x96xf32, #tpu.memory_space<vmem_shared>>
      tpu.enqueue_dma source(%dma_start3A_67 : memref<640x96xf32, #tpu.memory_space<vmem_shared>>) target(%dma_start3A_65 : memref<640x96xf32, #tpu.memory_space<hbm>>) target_semaphore(%run_scoped3A : memref<!tpu.dma_semaphore, #tpu.memory_space<semaphore_mem>>)
      %dma_wait3A_68 = arith.constant 0 : i32
      %dma_wait3A_69 = tpu.memref_slice %arg7[%arg0, %mul3A_62, %dma_wait3A_68] : memref<2x10240x96xf32, #tpu.memory_space<hbm>> -> memref<1x640x96xf32, #tpu.memory_space<hbm>>
      %dma_wait3A_70 = tpu.memref_squeeze %dma_wait3A_69 : memref<1x640x96xf32, #tpu.memory_space<hbm>> -> memref<640x96xf32, #tpu.memory_space<hbm>>
      %dma_wait3A_71 = arith.constant 0 : i32
      %dma_wait3A_72 = tpu.memref_slice %arg15[%mul3A_60, %dma_wait3A_71] : memref<10240x96xf32, #tpu.memory_space<vmem_shared>> -> memref<640x96xf32, #tpu.memory_space<vmem_shared>>
      tpu.wait_dma2 semaphore(%run_scoped3A : memref<!tpu.dma_semaphore, #tpu.memory_space<semaphore_mem>>) src(%dma_wait3A_72 : memref<640x96xf32, #tpu.memory_space<vmem_shared>>) dst(%dma_wait3A_70 : memref<640x96xf32, #tpu.memory_space<hbm>>)
      tpu.yield
    }) : () -> ()
    return
  }
}

#map = affine_map<(d0, d1) -> (0, 0)>
#map1 = affine_map<(d0, d1) -> (0, 0, 0)>
module attributes {stable_mosaic.version = 14 : i64} {
  func.func @edge_kernel(%arg0: i32, %arg1: i32, %arg2: memref<2512x128xi32, #tpu.memory_space<hbm>>, %arg3: memref<2512x128xi32, #tpu.memory_space<hbm>>, %arg4: memref<10000x96xf32, #tpu.memory_space<hbm>>, %arg5: memref<10000x96xf32, #tpu.memory_space<hbm>>, %arg6: memref<640x96xf32, #tpu.memory_space<hbm>>, %arg7: memref<2x10240x96xf32, #tpu.memory_space<hbm>>, %arg8: memref<157x128xi32, #tpu.memory_space<vmem>>, %arg9: memref<128xi32, #tpu.memory_space<vmem>>, %arg10: memref<128xi32, #tpu.memory_space<vmem>>, %arg11: memref<128xi32, #tpu.memory_space<vmem>>, %arg12: memref<128x96xf32, #tpu.memory_space<vmem>>, %arg13: memref<128x96xf32, #tpu.memory_space<vmem>>, %arg14: memref<128x96xf32, #tpu.memory_space<vmem>>, %arg15: memref<10240x96xf32, #tpu.memory_space<vmem_shared>>, %arg16: memref<!tpu.dma_semaphore, #tpu.memory_space<semaphore_mem>>, %arg17: memref<!tpu.dma_semaphore, #tpu.memory_space<semaphore_mem>>, %arg18: memref<!tpu.dma_semaphore, #tpu.memory_space<semaphore_mem>>, %arg19: memref<!tpu.dma_semaphore, #tpu.memory_space<semaphore_mem>>, %arg20: memref<!tpu.dma_semaphore, #tpu.memory_space<semaphore_mem>>, %arg21: memref<!tpu.dma_semaphore, #tpu.memory_space<semaphore_mem>>, %arg22: memref<!tpu.dma_semaphore, #tpu.memory_space<semaphore_mem>>, %arg23: memref<!tpu.dma_semaphore, #tpu.memory_space<semaphore_mem>>, %arg24: memref<!tpu.dma_semaphore, #tpu.memory_space<semaphore_mem>>) attributes {dimension_semantics = [#tpu.dimension_semantics<core_parallel>, #tpu.dimension_semantics<subcore_parallel>], iteration_bounds = array<i64: 2, 16>, scalar_prefetch = 0 : i64, scratch_operands = 17 : i64, tpu.core_type = #tpu.core_type<sc_vector_subcore>, window_params = [{transform_indices = #map}, {transform_indices = #map}, {transform_indices = #map}, {transform_indices = #map}, {transform_indices = #map}, {transform_indices = #map1}]} {
    %mul3A = arith.constant 640 : i32
    %mul3A_0 = arith.muli %arg1, %mul3A : i32
    "tpu.region"() ({
      %run_scoped3A = tpu.sem_alloc : memref<!tpu.dma_semaphore, #tpu.memory_space<semaphore_mem>>
      %dma_start3A_63 = arith.constant 0 : i32
      %dma_start3A_64 = tpu.memref_slice %arg15[%mul3A_0, %dma_start3A_63] : memref<10240x96xf32, #tpu.memory_space<vmem_shared>> -> memref<640x96xf32, #tpu.memory_space<vmem_shared>>
      tpu.enqueue_dma source(%arg6 : memref<640x96xf32, #tpu.memory_space<hbm>>) target(%dma_start3A_64 : memref<640x96xf32, #tpu.memory_space<vmem_shared>>) target_semaphore(%run_scoped3A : memref<!tpu.dma_semaphore, #tpu.memory_space<semaphore_mem>>)
      %dma_wait3A_65 = arith.constant 0 : i32
      %dma_wait3A_66 = tpu.memref_slice %arg15[%mul3A_0, %dma_wait3A_65] : memref<10240x96xf32, #tpu.memory_space<vmem_shared>> -> memref<640x96xf32, #tpu.memory_space<vmem_shared>>
      tpu.wait_dma2 semaphore(%run_scoped3A : memref<!tpu.dma_semaphore, #tpu.memory_space<semaphore_mem>>) src(%arg6 : memref<640x96xf32, #tpu.memory_space<hbm>>) dst(%dma_wait3A_66 : memref<640x96xf32, #tpu.memory_space<vmem_shared>>)
      tpu.yield
    }) : () -> ()
    %mul3A_1 = arith.constant 157 : i32
    %mul3A_2 = arith.muli %arg1, %mul3A_1 : i32
    "tpu.region"() ({
      %run_scoped3A = tpu.sem_alloc : memref<!tpu.dma_semaphore, #tpu.memory_space<semaphore_mem>>
      %dma_start3A_63 = arith.constant 0 : i32
      %dma_start3A_64 = tpu.memref_slice %arg2[%mul3A_2, %dma_start3A_63] : memref<2512x128xi32, #tpu.memory_space<hbm>> -> memref<157x128xi32, #tpu.memory_space<hbm>>
      %dma_start3A_65 = arith.constant 0 : i32
      %dma_start3A_66 = tpu.memref_slice %arg2[%mul3A_2, %dma_start3A_65] : memref<2512x128xi32, #tpu.memory_space<hbm>> -> memref<157x128xi32, #tpu.memory_space<hbm>>
      tpu.enqueue_dma source(%dma_start3A_66 : memref<157x128xi32, #tpu.memory_space<hbm>>) target(%arg8 : memref<157x128xi32, #tpu.memory_space<vmem>>) target_semaphore(%run_scoped3A : memref<!tpu.dma_semaphore, #tpu.memory_space<semaphore_mem>>)
      %dma_wait3A_67 = arith.constant 0 : i32
      %dma_wait3A_68 = tpu.memref_slice %arg2[%mul3A_2, %dma_wait3A_67] : memref<2512x128xi32, #tpu.memory_space<hbm>> -> memref<157x128xi32, #tpu.memory_space<hbm>>
      %dma_wait3A_69 = arith.constant 0 : i32
      %dma_wait3A_70 = tpu.memref_slice %arg2[%mul3A_2, %dma_wait3A_69] : memref<2512x128xi32, #tpu.memory_space<hbm>> -> memref<157x128xi32, #tpu.memory_space<hbm>>
      tpu.wait_dma2 semaphore(%run_scoped3A : memref<!tpu.dma_semaphore, #tpu.memory_space<semaphore_mem>>) src(%dma_wait3A_70 : memref<157x128xi32, #tpu.memory_space<hbm>>) dst(%arg8 : memref<157x128xi32, #tpu.memory_space<vmem>>)
      tpu.yield
    }) : () -> ()
    %barrier3A = arith.constant 0 : index
    tpu.barrier barrier_id(%barrier3A)
    %mul3A_3 = arith.constant 157 : i32
    %mul3A_4 = arith.muli %arg1, %mul3A_3 : i32
    %add3A = arith.constant 0 : i32
    %add3A_5 = arith.addi %mul3A_4, %add3A : i32
    %dma_start3A = arith.constant 0 : i32
    %dma_start3A_6 = tpu.memref_slice %arg3[%add3A_5, %dma_start3A] : memref<2512x128xi32, #tpu.memory_space<hbm>> -> memref<1x128xi32, #tpu.memory_space<hbm>>
    %dma_start3A_7 = tpu.memref_squeeze %dma_start3A_6 : memref<1x128xi32, #tpu.memory_space<hbm>> -> memref<128xi32, #tpu.memory_space<hbm>>
    %dma_start3A_8 = arith.constant 0 : i32
    %dma_start3A_9 = tpu.memref_slice %arg3[%add3A_5, %dma_start3A_8] : memref<2512x128xi32, #tpu.memory_space<hbm>> -> memref<1x128xi32, #tpu.memory_space<hbm>>
    %dma_start3A_10 = tpu.memref_squeeze %dma_start3A_9 : memref<1x128xi32, #tpu.memory_space<hbm>> -> memref<128xi32, #tpu.memory_space<hbm>>
    tpu.enqueue_dma source(%dma_start3A_10 : memref<128xi32, #tpu.memory_space<hbm>>) target(%arg9 : memref<128xi32, #tpu.memory_space<vmem>>) target_semaphore(%arg22 : memref<!tpu.dma_semaphore, #tpu.memory_space<semaphore_mem>>)
    %eq3A = arith.constant 0 : i32
    %eq3A_11 = arith.cmpi eq, %arg0, %eq3A : i32
    %convert_element_type3A = arith.extui %eq3A_11 : i1 to i32
    %cond3A = arith.constant 0 : i32
    %cond3A_12 = arith.cmpi ne, %convert_element_type3A, %cond3A : i32
    scf.if %cond3A_12 {
      %dma_start3A_63 = arith.constant 0 : i32
      %dma_start3A_64 = arith.constant 0 : i32
      %dma_start3A_65 = tpu.memref_slice %arg8[%dma_start3A_63, %dma_start3A_64] : memref<157x128xi32, #tpu.memory_space<vmem>> -> memref<1x128xi32, #tpu.memory_space<vmem>>
      %dma_start3A_66 = tpu.memref_squeeze %dma_start3A_65 : memref<1x128xi32, #tpu.memory_space<vmem>> -> memref<128xi32, #tpu.memory_space<vmem>>
      %dma_start3A_67 = arith.constant 0 : i32
      %dma_start3A_68 = arith.constant 0 : i32
      %dma_start3A_69 = tpu.memref_slice %arg4[%dma_start3A_67, %dma_start3A_68] : memref<10000x96xf32, #tpu.memory_space<hbm>> -> memref<10000x96xf32, #tpu.memory_space<hbm>>
      tpu.enqueue_indirect_dma source(%dma_start3A_69 : memref<10000x96xf32, #tpu.memory_space<hbm>>) target(%arg12 : memref<128x96xf32, #tpu.memory_space<vmem>>) offsets(%dma_start3A_66 : memref<128xi32, #tpu.memory_space<vmem>>) semaphore(%arg16 : memref<!tpu.dma_semaphore, #tpu.memory_space<semaphore_mem>>)
    } else {
    }
    %eq3A_13 = arith.constant 1 : i32
    %eq3A_14 = arith.cmpi eq, %arg0, %eq3A_13 : i32
    %convert_element_type3A_15 = arith.extui %eq3A_14 : i1 to i32
    %cond3A_16 = arith.constant 0 : i32
    %cond3A_17 = arith.cmpi ne, %convert_element_type3A_15, %cond3A_16 : i32
    scf.if %cond3A_17 {
      %dma_start3A_63 = arith.constant 0 : i32
      %dma_start3A_64 = arith.constant 0 : i32
      %dma_start3A_65 = tpu.memref_slice %arg8[%dma_start3A_63, %dma_start3A_64] : memref<157x128xi32, #tpu.memory_space<vmem>> -> memref<1x128xi32, #tpu.memory_space<vmem>>
      %dma_start3A_66 = tpu.memref_squeeze %dma_start3A_65 : memref<1x128xi32, #tpu.memory_space<vmem>> -> memref<128xi32, #tpu.memory_space<vmem>>
      %dma_start3A_67 = arith.constant 0 : i32
      %dma_start3A_68 = arith.constant 0 : i32
      %dma_start3A_69 = tpu.memref_slice %arg5[%dma_start3A_67, %dma_start3A_68] : memref<10000x96xf32, #tpu.memory_space<hbm>> -> memref<10000x96xf32, #tpu.memory_space<hbm>>
      tpu.enqueue_indirect_dma source(%dma_start3A_69 : memref<10000x96xf32, #tpu.memory_space<hbm>>) target(%arg12 : memref<128x96xf32, #tpu.memory_space<vmem>>) offsets(%dma_start3A_66 : memref<128xi32, #tpu.memory_space<vmem>>) semaphore(%arg16 : memref<!tpu.dma_semaphore, #tpu.memory_space<semaphore_mem>>)
    } else {
    }
    %mul3A_18 = arith.constant 157 : i32
    %mul3A_19 = arith.muli %arg1, %mul3A_18 : i32
    %add3A_20 = arith.constant 1 : i32
    %add3A_21 = arith.addi %mul3A_19, %add3A_20 : i32
    %dma_start3A_22 = arith.constant 0 : i32
    %dma_start3A_23 = tpu.memref_slice %arg3[%add3A_21, %dma_start3A_22] : memref<2512x128xi32, #tpu.memory_space<hbm>> -> memref<1x128xi32, #tpu.memory_space<hbm>>
    %dma_start3A_24 = tpu.memref_squeeze %dma_start3A_23 : memref<1x128xi32, #tpu.memory_space<hbm>> -> memref<128xi32, #tpu.memory_space<hbm>>
    %dma_start3A_25 = arith.constant 0 : i32
    %dma_start3A_26 = tpu.memref_slice %arg3[%add3A_21, %dma_start3A_25] : memref<2512x128xi32, #tpu.memory_space<hbm>> -> memref<1x128xi32, #tpu.memory_space<hbm>>
    %dma_start3A_27 = tpu.memref_squeeze %dma_start3A_26 : memref<1x128xi32, #tpu.memory_space<hbm>> -> memref<128xi32, #tpu.memory_space<hbm>>
    tpu.enqueue_dma source(%dma_start3A_27 : memref<128xi32, #tpu.memory_space<hbm>>) target(%arg10 : memref<128xi32, #tpu.memory_space<vmem>>) target_semaphore(%arg23 : memref<!tpu.dma_semaphore, #tpu.memory_space<semaphore_mem>>)
    %eq3A_28 = arith.constant 0 : i32
    %eq3A_29 = arith.cmpi eq, %arg0, %eq3A_28 : i32
    %convert_element_type3A_30 = arith.extui %eq3A_29 : i1 to i32
    %cond3A_31 = arith.constant 0 : i32
    %cond3A_32 = arith.cmpi ne, %convert_element_type3A_30, %cond3A_31 : i32
    scf.if %cond3A_32 {
      %dma_start3A_63 = arith.constant 1 : i32
      %dma_start3A_64 = arith.constant 0 : i32
      %dma_start3A_65 = tpu.memref_slice %arg8[%dma_start3A_63, %dma_start3A_64] : memref<157x128xi32, #tpu.memory_space<vmem>> -> memref<1x128xi32, #tpu.memory_space<vmem>>
      %dma_start3A_66 = tpu.memref_squeeze %dma_start3A_65 : memref<1x128xi32, #tpu.memory_space<vmem>> -> memref<128xi32, #tpu.memory_space<vmem>>
      %dma_start3A_67 = arith.constant 0 : i32
      %dma_start3A_68 = arith.constant 0 : i32
      %dma_start3A_69 = tpu.memref_slice %arg4[%dma_start3A_67, %dma_start3A_68] : memref<10000x96xf32, #tpu.memory_space<hbm>> -> memref<10000x96xf32, #tpu.memory_space<hbm>>
      tpu.enqueue_indirect_dma source(%dma_start3A_69 : memref<10000x96xf32, #tpu.memory_space<hbm>>) target(%arg13 : memref<128x96xf32, #tpu.memory_space<vmem>>) offsets(%dma_start3A_66 : memref<128xi32, #tpu.memory_space<vmem>>) semaphore(%arg17 : memref<!tpu.dma_semaphore, #tpu.memory_space<semaphore_mem>>)
    } else {
    }
    %eq3A_33 = arith.constant 1 : i32
    %eq3A_34 = arith.cmpi eq, %arg0, %eq3A_33 : i32
    %convert_element_type3A_35 = arith.extui %eq3A_34 : i1 to i32
    %cond3A_36 = arith.constant 0 : i32
    %cond3A_37 = arith.cmpi ne, %convert_element_type3A_35, %cond3A_36 : i32
    scf.if %cond3A_37 {
      %dma_start3A_63 = arith.constant 1 : i32
      %dma_start3A_64 = arith.constant 0 : i32
      %dma_start3A_65 = tpu.memref_slice %arg8[%dma_start3A_63, %dma_start3A_64] : memref<157x128xi32, #tpu.memory_space<vmem>> -> memref<1x128xi32, #tpu.memory_space<vmem>>
      %dma_start3A_66 = tpu.memref_squeeze %dma_start3A_65 : memref<1x128xi32, #tpu.memory_space<vmem>> -> memref<128xi32, #tpu.memory_space<vmem>>
      %dma_start3A_67 = arith.constant 0 : i32
      %dma_start3A_68 = arith.constant 0 : i32
      %dma_start3A_69 = tpu.memref_slice %arg5[%dma_start3A_67, %dma_start3A_68] : memref<10000x96xf32, #tpu.memory_space<hbm>> -> memref<10000x96xf32, #tpu.memory_space<hbm>>
      tpu.enqueue_indirect_dma source(%dma_start3A_69 : memref<10000x96xf32, #tpu.memory_space<hbm>>) target(%arg13 : memref<128x96xf32, #tpu.memory_space<vmem>>) offsets(%dma_start3A_66 : memref<128xi32, #tpu.memory_space<vmem>>) semaphore(%arg17 : memref<!tpu.dma_semaphore, #tpu.memory_space<semaphore_mem>>)
    } else {
    }
    %scan3A = arith.constant 0 : i32
    %scan3A_38 = arith.constant 52 : i32
    %scan3A_39 = arith.addi %scan3A, %scan3A_38 : i32
    %scan3A_40 = arith.constant 1 : i32
    scf.for %scan3A_63 = %scan3A to %scan3A_39 step %scan3A_40  : i32 {
      %mul3A_64 = arith.constant 1 : i32
      %mul3A_65 = arith.muli %scan3A_63, %mul3A_64 : i32
      %add3A_66 = arith.constant 0 : i32
      %add3A_67 = arith.addi %add3A_66, %mul3A_65 : i32
      %dma_wait3A_68 = arith.constant 0 : i32
      %dma_wait3A_69 = arith.constant 0 : i32
      %dma_wait3A_70 = tpu.memref_slice %arg3[%dma_wait3A_68, %dma_wait3A_69] : memref<2512x128xi32, #tpu.memory_space<hbm>> -> memref<1x128xi32, #tpu.memory_space<hbm>>
      %dma_wait3A_71 = tpu.memref_squeeze %dma_wait3A_70 : memref<1x128xi32, #tpu.memory_space<hbm>> -> memref<128xi32, #tpu.memory_space<hbm>>
      %dma_wait3A_72 = arith.constant 0 : i32
      %dma_wait3A_73 = tpu.memref_slice %arg3[%dma_wait3A_68, %dma_wait3A_72] : memref<2512x128xi32, #tpu.memory_space<hbm>> -> memref<1x128xi32, #tpu.memory_space<hbm>>
      %dma_wait3A_74 = tpu.memref_squeeze %dma_wait3A_73 : memref<1x128xi32, #tpu.memory_space<hbm>> -> memref<128xi32, #tpu.memory_space<hbm>>
      tpu.wait_dma2 semaphore(%arg22 : memref<!tpu.dma_semaphore, #tpu.memory_space<semaphore_mem>>) src(%dma_wait3A_74 : memref<128xi32, #tpu.memory_space<hbm>>) dst(%arg9 : memref<128xi32, #tpu.memory_space<vmem>>)
      %dma_wait3A_75 = arith.constant 0 : i32
      %dma_wait3A_76 = arith.constant 0 : i32
      %dma_wait3A_77 = tpu.memref_slice %arg8[%dma_wait3A_75, %dma_wait3A_76] : memref<157x128xi32, #tpu.memory_space<vmem>> -> memref<1x128xi32, #tpu.memory_space<vmem>>
      %dma_wait3A_78 = tpu.memref_squeeze %dma_wait3A_77 : memref<1x128xi32, #tpu.memory_space<vmem>> -> memref<128xi32, #tpu.memory_space<vmem>>
      %dma_wait3A_79 = arith.constant 0 : i32
      %dma_wait3A_80 = arith.constant 0 : i32
      %dma_wait3A_81 = tpu.memref_slice %arg4[%dma_wait3A_79, %dma_wait3A_80] : memref<10000x96xf32, #tpu.memory_space<hbm>> -> memref<10000x96xf32, #tpu.memory_space<hbm>>
      tpu.wait_indirect_dma semaphore(%arg16 : memref<!tpu.dma_semaphore, #tpu.memory_space<semaphore_mem>>) src(%dma_wait3A_81 : memref<10000x96xf32, #tpu.memory_space<hbm>>) dst(%arg12 : memref<128x96xf32, #tpu.memory_space<vmem>>)
      %mul3A_82 = arith.constant 3 : i32
      %mul3A_83 = arith.muli %mul3A_82, %add3A_67 : i32
      %add3A_84 = arith.constant 0 : i32
      %add3A_85 = arith.addi %mul3A_83, %add3A_84 : i32
      %dma_start3A_86 = arith.constant 0 : i32
      %dma_start3A_87 = arith.constant 0 : i32
      %dma_start3A_88 = tpu.memref_slice %arg15[%dma_start3A_86, %dma_start3A_87] : memref<10240x96xf32, #tpu.memory_space<vmem_shared>> -> memref<10240x96xf32, #tpu.memory_space<vmem_shared>>
      tpu.enqueue_indirect_dma source(%arg12 : memref<128x96xf32, #tpu.memory_space<vmem>>) target(%dma_start3A_88 : memref<10240x96xf32, #tpu.memory_space<vmem_shared>>) offsets(%arg9 : memref<128xi32, #tpu.memory_space<vmem>>) semaphore(%arg19 : memref<!tpu.dma_semaphore, #tpu.memory_space<semaphore_mem>>) {add = true}
      %gt3A = arith.constant 0 : i32
      %gt3A_89 = arith.cmpi sgt, %add3A_67, %gt3A : i32
      %convert_element_type3A_90 = arith.extui %gt3A_89 : i1 to i32
      %cond3A_91 = arith.constant 0 : i32
      %cond3A_92 = arith.cmpi ne, %convert_element_type3A_90, %cond3A_91 : i32
      scf.if %cond3A_92 {
        %dma_wait3A_171 = arith.constant 0 : i32
        %dma_wait3A_172 = arith.constant 0 : i32
        %dma_wait3A_173 = tpu.memref_slice %arg15[%dma_wait3A_171, %dma_wait3A_172] : memref<10240x96xf32, #tpu.memory_space<vmem_shared>> -> memref<10240x96xf32, #tpu.memory_space<vmem_shared>>
        tpu.wait_indirect_dma semaphore(%arg21 : memref<!tpu.dma_semaphore, #tpu.memory_space<semaphore_mem>>) src(%arg14 : memref<128x96xf32, #tpu.memory_space<vmem>>) dst(%dma_wait3A_173 : memref<10240x96xf32, #tpu.memory_space<vmem_shared>>)
        %add3A_174 = arith.constant 2 : i32
        %add3A_175 = arith.addi %add3A_85, %add3A_174 : i32
        %mul3A_176 = arith.constant 157 : i32
        %mul3A_177 = arith.muli %arg1, %mul3A_176 : i32
        %add3A_178 = arith.addi %mul3A_177, %add3A_175 : i32
        %dma_start3A_179 = arith.constant 0 : i32
        %dma_start3A_180 = tpu.memref_slice %arg3[%add3A_178, %dma_start3A_179] : memref<2512x128xi32, #tpu.memory_space<hbm>> -> memref<1x128xi32, #tpu.memory_space<hbm>>
        %dma_start3A_181 = tpu.memref_squeeze %dma_start3A_180 : memref<1x128xi32, #tpu.memory_space<hbm>> -> memref<128xi32, #tpu.memory_space<hbm>>
        %dma_start3A_182 = arith.constant 0 : i32
        %dma_start3A_183 = tpu.memref_slice %arg3[%add3A_178, %dma_start3A_182] : memref<2512x128xi32, #tpu.memory_space<hbm>> -> memref<1x128xi32, #tpu.memory_space<hbm>>
        %dma_start3A_184 = tpu.memref_squeeze %dma_start3A_183 : memref<1x128xi32, #tpu.memory_space<hbm>> -> memref<128xi32, #tpu.memory_space<hbm>>
        tpu.enqueue_dma source(%dma_start3A_184 : memref<128xi32, #tpu.memory_space<hbm>>) target(%arg11 : memref<128xi32, #tpu.memory_space<vmem>>) target_semaphore(%arg24 : memref<!tpu.dma_semaphore, #tpu.memory_space<semaphore_mem>>)
        %eq3A_185 = arith.constant 0 : i32
        %eq3A_186 = arith.cmpi eq, %arg0, %eq3A_185 : i32
        %convert_element_type3A_187 = arith.extui %eq3A_186 : i1 to i32
        %cond3A_188 = arith.constant 0 : i32
        %cond3A_189 = arith.cmpi ne, %convert_element_type3A_187, %cond3A_188 : i32
        scf.if %cond3A_189 {
          %dma_start3A_195 = arith.constant 0 : i32
          %dma_start3A_196 = tpu.memref_slice %arg8[%add3A_175, %dma_start3A_195] : memref<157x128xi32, #tpu.memory_space<vmem>> -> memref<1x128xi32, #tpu.memory_space<vmem>>
          %dma_start3A_197 = tpu.memref_squeeze %dma_start3A_196 : memref<1x128xi32, #tpu.memory_space<vmem>> -> memref<128xi32, #tpu.memory_space<vmem>>
          %dma_start3A_198 = arith.constant 0 : i32
          %dma_start3A_199 = arith.constant 0 : i32
          %dma_start3A_200 = tpu.memref_slice %arg4[%dma_start3A_198, %dma_start3A_199] : memref<10000x96xf32, #tpu.memory_space<hbm>> -> memref<10000x96xf32, #tpu.memory_space<hbm>>
          tpu.enqueue_indirect_dma source(%dma_start3A_200 : memref<10000x96xf32, #tpu.memory_space<hbm>>) target(%arg14 : memref<128x96xf32, #tpu.memory_space<vmem>>) offsets(%dma_start3A_197 : memref<128xi32, #tpu.memory_space<vmem>>) semaphore(%arg18 : memref<!tpu.dma_semaphore, #tpu.memory_space<semaphore_mem>>)
        } else {
        }
        %eq3A_190 = arith.constant 1 : i32
        %eq3A_191 = arith.cmpi eq, %arg0, %eq3A_190 : i32
        %convert_element_type3A_192 = arith.extui %eq3A_191 : i1 to i32
        %cond3A_193 = arith.constant 0 : i32
        %cond3A_194 = arith.cmpi ne, %convert_element_type3A_192, %cond3A_193 : i32
        scf.if %cond3A_194 {
          %dma_start3A_195 = arith.constant 0 : i32
          %dma_start3A_196 = tpu.memref_slice %arg8[%add3A_175, %dma_start3A_195] : memref<157x128xi32, #tpu.memory_space<vmem>> -> memref<1x128xi32, #tpu.memory_space<vmem>>
          %dma_start3A_197 = tpu.memref_squeeze %dma_start3A_196 : memref<1x128xi32, #tpu.memory_space<vmem>> -> memref<128xi32, #tpu.memory_space<vmem>>
          %dma_start3A_198 = arith.constant 0 : i32
          %dma_start3A_199 = arith.constant 0 : i32
          %dma_start3A_200 = tpu.memref_slice %arg5[%dma_start3A_198, %dma_start3A_199] : memref<10000x96xf32, #tpu.memory_space<hbm>> -> memref<10000x96xf32, #tpu.memory_space<hbm>>
          tpu.enqueue_indirect_dma source(%dma_start3A_200 : memref<10000x96xf32, #tpu.memory_space<hbm>>) target(%arg14 : memref<128x96xf32, #tpu.memory_space<vmem>>) offsets(%dma_start3A_197 : memref<128xi32, #tpu.memory_space<vmem>>) semaphore(%arg18 : memref<!tpu.dma_semaphore, #tpu.memory_space<semaphore_mem>>)
        } else {
        }
      } else {
      }
      %eq3A_93 = arith.constant 0 : i32
      %eq3A_94 = arith.cmpi eq, %add3A_67, %eq3A_93 : i32
      %convert_element_type3A_95 = arith.extui %eq3A_94 : i1 to i32
      %cond3A_96 = arith.constant 0 : i32
      %cond3A_97 = arith.cmpi ne, %convert_element_type3A_95, %cond3A_96 : i32
      scf.if %cond3A_97 {
        %add3A_171 = arith.constant 2 : i32
        %add3A_172 = arith.addi %add3A_85, %add3A_171 : i32
        %mul3A_173 = arith.constant 157 : i32
        %mul3A_174 = arith.muli %arg1, %mul3A_173 : i32
        %add3A_175 = arith.addi %mul3A_174, %add3A_172 : i32
        %dma_start3A_176 = arith.constant 0 : i32
        %dma_start3A_177 = tpu.memref_slice %arg3[%add3A_175, %dma_start3A_176] : memref<2512x128xi32, #tpu.memory_space<hbm>> -> memref<1x128xi32, #tpu.memory_space<hbm>>
        %dma_start3A_178 = tpu.memref_squeeze %dma_start3A_177 : memref<1x128xi32, #tpu.memory_space<hbm>> -> memref<128xi32, #tpu.memory_space<hbm>>
        %dma_start3A_179 = arith.constant 0 : i32
        %dma_start3A_180 = tpu.memref_slice %arg3[%add3A_175, %dma_start3A_179] : memref<2512x128xi32, #tpu.memory_space<hbm>> -> memref<1x128xi32, #tpu.memory_space<hbm>>
        %dma_start3A_181 = tpu.memref_squeeze %dma_start3A_180 : memref<1x128xi32, #tpu.memory_space<hbm>> -> memref<128xi32, #tpu.memory_space<hbm>>
        tpu.enqueue_dma source(%dma_start3A_181 : memref<128xi32, #tpu.memory_space<hbm>>) target(%arg11 : memref<128xi32, #tpu.memory_space<vmem>>) target_semaphore(%arg24 : memref<!tpu.dma_semaphore, #tpu.memory_space<semaphore_mem>>)
        %eq3A_182 = arith.constant 0 : i32
        %eq3A_183 = arith.cmpi eq, %arg0, %eq3A_182 : i32
        %convert_element_type3A_184 = arith.extui %eq3A_183 : i1 to i32
        %cond3A_185 = arith.constant 0 : i32
        %cond3A_186 = arith.cmpi ne, %convert_element_type3A_184, %cond3A_185 : i32
        scf.if %cond3A_186 {
          %dma_start3A_192 = arith.constant 0 : i32
          %dma_start3A_193 = tpu.memref_slice %arg8[%add3A_172, %dma_start3A_192] : memref<157x128xi32, #tpu.memory_space<vmem>> -> memref<1x128xi32, #tpu.memory_space<vmem>>
          %dma_start3A_194 = tpu.memref_squeeze %dma_start3A_193 : memref<1x128xi32, #tpu.memory_space<vmem>> -> memref<128xi32, #tpu.memory_space<vmem>>
          %dma_start3A_195 = arith.constant 0 : i32
          %dma_start3A_196 = arith.constant 0 : i32
          %dma_start3A_197 = tpu.memref_slice %arg4[%dma_start3A_195, %dma_start3A_196] : memref<10000x96xf32, #tpu.memory_space<hbm>> -> memref<10000x96xf32, #tpu.memory_space<hbm>>
          tpu.enqueue_indirect_dma source(%dma_start3A_197 : memref<10000x96xf32, #tpu.memory_space<hbm>>) target(%arg14 : memref<128x96xf32, #tpu.memory_space<vmem>>) offsets(%dma_start3A_194 : memref<128xi32, #tpu.memory_space<vmem>>) semaphore(%arg18 : memref<!tpu.dma_semaphore, #tpu.memory_space<semaphore_mem>>)
        } else {
        }
        %eq3A_187 = arith.constant 1 : i32
        %eq3A_188 = arith.cmpi eq, %arg0, %eq3A_187 : i32
        %convert_element_type3A_189 = arith.extui %eq3A_188 : i1 to i32
        %cond3A_190 = arith.constant 0 : i32
        %cond3A_191 = arith.cmpi ne, %convert_element_type3A_189, %cond3A_190 : i32
        scf.if %cond3A_191 {
          %dma_start3A_192 = arith.constant 0 : i32
          %dma_start3A_193 = tpu.memref_slice %arg8[%add3A_172, %dma_start3A_192] : memref<157x128xi32, #tpu.memory_space<vmem>> -> memref<1x128xi32, #tpu.memory_space<vmem>>
          %dma_start3A_194 = tpu.memref_squeeze %dma_start3A_193 : memref<1x128xi32, #tpu.memory_space<vmem>> -> memref<128xi32, #tpu.memory_space<vmem>>
          %dma_start3A_195 = arith.constant 0 : i32
          %dma_start3A_196 = arith.constant 0 : i32
          %dma_start3A_197 = tpu.memref_slice %arg5[%dma_start3A_195, %dma_start3A_196] : memref<10000x96xf32, #tpu.memory_space<hbm>> -> memref<10000x96xf32, #tpu.memory_space<hbm>>
          tpu.enqueue_indirect_dma source(%dma_start3A_197 : memref<10000x96xf32, #tpu.memory_space<hbm>>) target(%arg14 : memref<128x96xf32, #tpu.memory_space<vmem>>) offsets(%dma_start3A_194 : memref<128xi32, #tpu.memory_space<vmem>>) semaphore(%arg18 : memref<!tpu.dma_semaphore, #tpu.memory_space<semaphore_mem>>)
        } else {
        }
      } else {
      }
      %dma_wait3A_98 = arith.constant 0 : i32
      %dma_wait3A_99 = arith.constant 0 : i32
      %dma_wait3A_100 = tpu.memref_slice %arg3[%dma_wait3A_98, %dma_wait3A_99] : memref<2512x128xi32, #tpu.memory_space<hbm>> -> memref<1x128xi32, #tpu.memory_space<hbm>>
      %dma_wait3A_101 = tpu.memref_squeeze %dma_wait3A_100 : memref<1x128xi32, #tpu.memory_space<hbm>> -> memref<128xi32, #tpu.memory_space<hbm>>
      %dma_wait3A_102 = arith.constant 0 : i32
      %dma_wait3A_103 = tpu.memref_slice %arg3[%dma_wait3A_98, %dma_wait3A_102] : memref<2512x128xi32, #tpu.memory_space<hbm>> -> memref<1x128xi32, #tpu.memory_space<hbm>>
      %dma_wait3A_104 = tpu.memref_squeeze %dma_wait3A_103 : memref<1x128xi32, #tpu.memory_space<hbm>> -> memref<128xi32, #tpu.memory_space<hbm>>
      tpu.wait_dma2 semaphore(%arg23 : memref<!tpu.dma_semaphore, #tpu.memory_space<semaphore_mem>>) src(%dma_wait3A_104 : memref<128xi32, #tpu.memory_space<hbm>>) dst(%arg10 : memref<128xi32, #tpu.memory_space<vmem>>)
      %dma_wait3A_105 = arith.constant 0 : i32
      %dma_wait3A_106 = arith.constant 0 : i32
      %dma_wait3A_107 = tpu.memref_slice %arg8[%dma_wait3A_105, %dma_wait3A_106] : memref<157x128xi32, #tpu.memory_space<vmem>> -> memref<1x128xi32, #tpu.memory_space<vmem>>
      %dma_wait3A_108 = tpu.memref_squeeze %dma_wait3A_107 : memref<1x128xi32, #tpu.memory_space<vmem>> -> memref<128xi32, #tpu.memory_space<vmem>>
      %dma_wait3A_109 = arith.constant 0 : i32
      %dma_wait3A_110 = arith.constant 0 : i32
      %dma_wait3A_111 = tpu.memref_slice %arg4[%dma_wait3A_109, %dma_wait3A_110] : memref<10000x96xf32, #tpu.memory_space<hbm>> -> memref<10000x96xf32, #tpu.memory_space<hbm>>
      tpu.wait_indirect_dma semaphore(%arg17 : memref<!tpu.dma_semaphore, #tpu.memory_space<semaphore_mem>>) src(%dma_wait3A_111 : memref<10000x96xf32, #tpu.memory_space<hbm>>) dst(%arg13 : memref<128x96xf32, #tpu.memory_space<vmem>>)
      %mul3A_112 = arith.constant 3 : i32
      %mul3A_113 = arith.muli %mul3A_112, %add3A_67 : i32
      %add3A_114 = arith.constant 1 : i32
      %add3A_115 = arith.addi %mul3A_113, %add3A_114 : i32
      %dma_start3A_116 = arith.constant 0 : i32
      %dma_start3A_117 = arith.constant 0 : i32
      %dma_start3A_118 = tpu.memref_slice %arg15[%dma_start3A_116, %dma_start3A_117] : memref<10240x96xf32, #tpu.memory_space<vmem_shared>> -> memref<10240x96xf32, #tpu.memory_space<vmem_shared>>
      tpu.enqueue_indirect_dma source(%arg13 : memref<128x96xf32, #tpu.memory_space<vmem>>) target(%dma_start3A_118 : memref<10240x96xf32, #tpu.memory_space<vmem_shared>>) offsets(%arg10 : memref<128xi32, #tpu.memory_space<vmem>>) semaphore(%arg20 : memref<!tpu.dma_semaphore, #tpu.memory_space<semaphore_mem>>) {add = true}
      %dma_wait3A_119 = arith.constant 0 : i32
      %dma_wait3A_120 = arith.constant 0 : i32
      %dma_wait3A_121 = tpu.memref_slice %arg15[%dma_wait3A_119, %dma_wait3A_120] : memref<10240x96xf32, #tpu.memory_space<vmem_shared>> -> memref<10240x96xf32, #tpu.memory_space<vmem_shared>>
      tpu.wait_indirect_dma semaphore(%arg19 : memref<!tpu.dma_semaphore, #tpu.memory_space<semaphore_mem>>) src(%arg12 : memref<128x96xf32, #tpu.memory_space<vmem>>) dst(%dma_wait3A_121 : memref<10240x96xf32, #tpu.memory_space<vmem_shared>>)
      %add3A_122 = arith.constant 2 : i32
      %add3A_123 = arith.addi %add3A_115, %add3A_122 : i32
      %mul3A_124 = arith.constant 157 : i32
      %mul3A_125 = arith.muli %arg1, %mul3A_124 : i32
      %add3A_126 = arith.addi %mul3A_125, %add3A_123 : i32
      %dma_start3A_127 = arith.constant 0 : i32
      %dma_start3A_128 = tpu.memref_slice %arg3[%add3A_126, %dma_start3A_127] : memref<2512x128xi32, #tpu.memory_space<hbm>> -> memref<1x128xi32, #tpu.memory_space<hbm>>
      %dma_start3A_129 = tpu.memref_squeeze %dma_start3A_128 : memref<1x128xi32, #tpu.memory_space<hbm>> -> memref<128xi32, #tpu.memory_space<hbm>>
      %dma_start3A_130 = arith.constant 0 : i32
      %dma_start3A_131 = tpu.memref_slice %arg3[%add3A_126, %dma_start3A_130] : memref<2512x128xi32, #tpu.memory_space<hbm>> -> memref<1x128xi32, #tpu.memory_space<hbm>>
      %dma_start3A_132 = tpu.memref_squeeze %dma_start3A_131 : memref<1x128xi32, #tpu.memory_space<hbm>> -> memref<128xi32, #tpu.memory_space<hbm>>
      tpu.enqueue_dma source(%dma_start3A_132 : memref<128xi32, #tpu.memory_space<hbm>>) target(%arg9 : memref<128xi32, #tpu.memory_space<vmem>>) target_semaphore(%arg22 : memref<!tpu.dma_semaphore, #tpu.memory_space<semaphore_mem>>)
      %eq3A_133 = arith.constant 0 : i32
      %eq3A_134 = arith.cmpi eq, %arg0, %eq3A_133 : i32
      %convert_element_type3A_135 = arith.extui %eq3A_134 : i1 to i32
      %cond3A_136 = arith.constant 0 : i32
      %cond3A_137 = arith.cmpi ne, %convert_element_type3A_135, %cond3A_136 : i32
      scf.if %cond3A_137 {
        %dma_start3A_171 = arith.constant 0 : i32
        %dma_start3A_172 = tpu.memref_slice %arg8[%add3A_123, %dma_start3A_171] : memref<157x128xi32, #tpu.memory_space<vmem>> -> memref<1x128xi32, #tpu.memory_space<vmem>>
        %dma_start3A_173 = tpu.memref_squeeze %dma_start3A_172 : memref<1x128xi32, #tpu.memory_space<vmem>> -> memref<128xi32, #tpu.memory_space<vmem>>
        %dma_start3A_174 = arith.constant 0 : i32
        %dma_start3A_175 = arith.constant 0 : i32
        %dma_start3A_176 = tpu.memref_slice %arg4[%dma_start3A_174, %dma_start3A_175] : memref<10000x96xf32, #tpu.memory_space<hbm>> -> memref<10000x96xf32, #tpu.memory_space<hbm>>
        tpu.enqueue_indirect_dma source(%dma_start3A_176 : memref<10000x96xf32, #tpu.memory_space<hbm>>) target(%arg12 : memref<128x96xf32, #tpu.memory_space<vmem>>) offsets(%dma_start3A_173 : memref<128xi32, #tpu.memory_space<vmem>>) semaphore(%arg16 : memref<!tpu.dma_semaphore, #tpu.memory_space<semaphore_mem>>)
      } else {
      }
      %eq3A_138 = arith.constant 1 : i32
      %eq3A_139 = arith.cmpi eq, %arg0, %eq3A_138 : i32
      %convert_element_type3A_140 = arith.extui %eq3A_139 : i1 to i32
      %cond3A_141 = arith.constant 0 : i32
      %cond3A_142 = arith.cmpi ne, %convert_element_type3A_140, %cond3A_141 : i32
      scf.if %cond3A_142 {
        %dma_start3A_171 = arith.constant 0 : i32
        %dma_start3A_172 = tpu.memref_slice %arg8[%add3A_123, %dma_start3A_171] : memref<157x128xi32, #tpu.memory_space<vmem>> -> memref<1x128xi32, #tpu.memory_space<vmem>>
        %dma_start3A_173 = tpu.memref_squeeze %dma_start3A_172 : memref<1x128xi32, #tpu.memory_space<vmem>> -> memref<128xi32, #tpu.memory_space<vmem>>
        %dma_start3A_174 = arith.constant 0 : i32
        %dma_start3A_175 = arith.constant 0 : i32
        %dma_start3A_176 = tpu.memref_slice %arg5[%dma_start3A_174, %dma_start3A_175] : memref<10000x96xf32, #tpu.memory_space<hbm>> -> memref<10000x96xf32, #tpu.memory_space<hbm>>
        tpu.enqueue_indirect_dma source(%dma_start3A_176 : memref<10000x96xf32, #tpu.memory_space<hbm>>) target(%arg12 : memref<128x96xf32, #tpu.memory_space<vmem>>) offsets(%dma_start3A_173 : memref<128xi32, #tpu.memory_space<vmem>>) semaphore(%arg16 : memref<!tpu.dma_semaphore, #tpu.memory_space<semaphore_mem>>)
      } else {
      }
      %dma_wait3A_143 = arith.constant 0 : i32
      %dma_wait3A_144 = arith.constant 0 : i32
      %dma_wait3A_145 = tpu.memref_slice %arg3[%dma_wait3A_143, %dma_wait3A_144] : memref<2512x128xi32, #tpu.memory_space<hbm>> -> memref<1x128xi32, #tpu.memory_space<hbm>>
      %dma_wait3A_146 = tpu.memref_squeeze %dma_wait3A_145 : memref<1x128xi32, #tpu.memory_space<hbm>> -> memref<128xi32, #tpu.memory_space<hbm>>
      %dma_wait3A_147 = arith.constant 0 : i32
      %dma_wait3A_148 = tpu.memref_slice %arg3[%dma_wait3A_143, %dma_wait3A_147] : memref<2512x128xi32, #tpu.memory_space<hbm>> -> memref<1x128xi32, #tpu.memory_space<hbm>>
      %dma_wait3A_149 = tpu.memref_squeeze %dma_wait3A_148 : memref<1x128xi32, #tpu.memory_space<hbm>> -> memref<128xi32, #tpu.memory_space<hbm>>
      tpu.wait_dma2 semaphore(%arg24 : memref<!tpu.dma_semaphore, #tpu.memory_space<semaphore_mem>>) src(%dma_wait3A_149 : memref<128xi32, #tpu.memory_space<hbm>>) dst(%arg11 : memref<128xi32, #tpu.memory_space<vmem>>)
      %dma_wait3A_150 = arith.constant 0 : i32
      %dma_wait3A_151 = arith.constant 0 : i32
      %dma_wait3A_152 = tpu.memref_slice %arg8[%dma_wait3A_150, %dma_wait3A_151] : memref<157x128xi32, #tpu.memory_space<vmem>> -> memref<1x128xi32, #tpu.memory_space<vmem>>
      %dma_wait3A_153 = tpu.memref_squeeze %dma_wait3A_152 : memref<1x128xi32, #tpu.memory_space<vmem>> -> memref<128xi32, #tpu.memory_space<vmem>>
      %dma_wait3A_154 = arith.constant 0 : i32
      %dma_wait3A_155 = arith.constant 0 : i32
      %dma_wait3A_156 = tpu.memref_slice %arg4[%dma_wait3A_154, %dma_wait3A_155] : memref<10000x96xf32, #tpu.memory_space<hbm>> -> memref<10000x96xf32, #tpu.memory_space<hbm>>
      tpu.wait_indirect_dma semaphore(%arg18 : memref<!tpu.dma_semaphore, #tpu.memory_space<semaphore_mem>>) src(%dma_wait3A_156 : memref<10000x96xf32, #tpu.memory_space<hbm>>) dst(%arg14 : memref<128x96xf32, #tpu.memory_space<vmem>>)
      %mul3A_157 = arith.constant 3 : i32
      %mul3A_158 = arith.muli %mul3A_157, %add3A_67 : i32
      %add3A_159 = arith.constant 2 : i32
      %add3A_160 = arith.addi %mul3A_158, %add3A_159 : i32
      %dma_start3A_161 = arith.constant 0 : i32
      %dma_start3A_162 = arith.constant 0 : i32
      %dma_start3A_163 = tpu.memref_slice %arg15[%dma_start3A_161, %dma_start3A_162] : memref<10240x96xf32, #tpu.memory_space<vmem_shared>> -> memref<10240x96xf32, #tpu.memory_space<vmem_shared>>
      tpu.enqueue_indirect_dma source(%arg14 : memref<128x96xf32, #tpu.memory_space<vmem>>) target(%dma_start3A_163 : memref<10240x96xf32, #tpu.memory_space<vmem_shared>>) offsets(%arg11 : memref<128xi32, #tpu.memory_space<vmem>>) semaphore(%arg21 : memref<!tpu.dma_semaphore, #tpu.memory_space<semaphore_mem>>) {add = true}
      %dma_wait3A_164 = arith.constant 0 : i32
      %dma_wait3A_165 = arith.constant 0 : i32
      %dma_wait3A_166 = tpu.memref_slice %arg15[%dma_wait3A_164, %dma_wait3A_165] : memref<10240x96xf32, #tpu.memory_space<vmem_shared>> -> memref<10240x96xf32, #tpu.memory_space<vmem_shared>>
      tpu.wait_indirect_dma semaphore(%arg20 : memref<!tpu.dma_semaphore, #tpu.memory_space<semaphore_mem>>) src(%arg13 : memref<128x96xf32, #tpu.memory_space<vmem>>) dst(%dma_wait3A_166 : memref<10240x96xf32, #tpu.memory_space<vmem_shared>>)
      %lt3A = arith.constant 51 : i32
      %lt3A_167 = arith.cmpi slt, %add3A_67, %lt3A : i32
      %convert_element_type3A_168 = arith.extui %lt3A_167 : i1 to i32
      %cond3A_169 = arith.constant 0 : i32
      %cond3A_170 = arith.cmpi ne, %convert_element_type3A_168, %cond3A_169 : i32
      scf.if %cond3A_170 {
        %add3A_171 = arith.constant 2 : i32
        %add3A_172 = arith.addi %add3A_160, %add3A_171 : i32
        %mul3A_173 = arith.constant 157 : i32
        %mul3A_174 = arith.muli %arg1, %mul3A_173 : i32
        %add3A_175 = arith.addi %mul3A_174, %add3A_172 : i32
        %dma_start3A_176 = arith.constant 0 : i32
        %dma_start3A_177 = tpu.memref_slice %arg3[%add3A_175, %dma_start3A_176] : memref<2512x128xi32, #tpu.memory_space<hbm>> -> memref<1x128xi32, #tpu.memory_space<hbm>>
        %dma_start3A_178 = tpu.memref_squeeze %dma_start3A_177 : memref<1x128xi32, #tpu.memory_space<hbm>> -> memref<128xi32, #tpu.memory_space<hbm>>
        %dma_start3A_179 = arith.constant 0 : i32
        %dma_start3A_180 = tpu.memref_slice %arg3[%add3A_175, %dma_start3A_179] : memref<2512x128xi32, #tpu.memory_space<hbm>> -> memref<1x128xi32, #tpu.memory_space<hbm>>
        %dma_start3A_181 = tpu.memref_squeeze %dma_start3A_180 : memref<1x128xi32, #tpu.memory_space<hbm>> -> memref<128xi32, #tpu.memory_space<hbm>>
        tpu.enqueue_dma source(%dma_start3A_181 : memref<128xi32, #tpu.memory_space<hbm>>) target(%arg10 : memref<128xi32, #tpu.memory_space<vmem>>) target_semaphore(%arg23 : memref<!tpu.dma_semaphore, #tpu.memory_space<semaphore_mem>>)
        %eq3A_182 = arith.constant 0 : i32
        %eq3A_183 = arith.cmpi eq, %arg0, %eq3A_182 : i32
        %convert_element_type3A_184 = arith.extui %eq3A_183 : i1 to i32
        %cond3A_185 = arith.constant 0 : i32
        %cond3A_186 = arith.cmpi ne, %convert_element_type3A_184, %cond3A_185 : i32
        scf.if %cond3A_186 {
          %dma_start3A_192 = arith.constant 0 : i32
          %dma_start3A_193 = tpu.memref_slice %arg8[%add3A_172, %dma_start3A_192] : memref<157x128xi32, #tpu.memory_space<vmem>> -> memref<1x128xi32, #tpu.memory_space<vmem>>
          %dma_start3A_194 = tpu.memref_squeeze %dma_start3A_193 : memref<1x128xi32, #tpu.memory_space<vmem>> -> memref<128xi32, #tpu.memory_space<vmem>>
          %dma_start3A_195 = arith.constant 0 : i32
          %dma_start3A_196 = arith.constant 0 : i32
          %dma_start3A_197 = tpu.memref_slice %arg4[%dma_start3A_195, %dma_start3A_196] : memref<10000x96xf32, #tpu.memory_space<hbm>> -> memref<10000x96xf32, #tpu.memory_space<hbm>>
          tpu.enqueue_indirect_dma source(%dma_start3A_197 : memref<10000x96xf32, #tpu.memory_space<hbm>>) target(%arg13 : memref<128x96xf32, #tpu.memory_space<vmem>>) offsets(%dma_start3A_194 : memref<128xi32, #tpu.memory_space<vmem>>) semaphore(%arg17 : memref<!tpu.dma_semaphore, #tpu.memory_space<semaphore_mem>>)
        } else {
        }
        %eq3A_187 = arith.constant 1 : i32
        %eq3A_188 = arith.cmpi eq, %arg0, %eq3A_187 : i32
        %convert_element_type3A_189 = arith.extui %eq3A_188 : i1 to i32
        %cond3A_190 = arith.constant 0 : i32
        %cond3A_191 = arith.cmpi ne, %convert_element_type3A_189, %cond3A_190 : i32
        scf.if %cond3A_191 {
          %dma_start3A_192 = arith.constant 0 : i32
          %dma_start3A_193 = tpu.memref_slice %arg8[%add3A_172, %dma_start3A_192] : memref<157x128xi32, #tpu.memory_space<vmem>> -> memref<1x128xi32, #tpu.memory_space<vmem>>
          %dma_start3A_194 = tpu.memref_squeeze %dma_start3A_193 : memref<1x128xi32, #tpu.memory_space<vmem>> -> memref<128xi32, #tpu.memory_space<vmem>>
          %dma_start3A_195 = arith.constant 0 : i32
          %dma_start3A_196 = arith.constant 0 : i32
          %dma_start3A_197 = tpu.memref_slice %arg5[%dma_start3A_195, %dma_start3A_196] : memref<10000x96xf32, #tpu.memory_space<hbm>> -> memref<10000x96xf32, #tpu.memory_space<hbm>>
          tpu.enqueue_indirect_dma source(%dma_start3A_197 : memref<10000x96xf32, #tpu.memory_space<hbm>>) target(%arg13 : memref<128x96xf32, #tpu.memory_space<vmem>>) offsets(%dma_start3A_194 : memref<128xi32, #tpu.memory_space<vmem>>) semaphore(%arg17 : memref<!tpu.dma_semaphore, #tpu.memory_space<semaphore_mem>>)
        } else {
        }
      } else {
      }
    }
    %scan3A_41 = arith.constant 52 : i32
    %dma_wait3A = arith.constant 0 : i32
    %dma_wait3A_42 = arith.constant 0 : i32
    %dma_wait3A_43 = tpu.memref_slice %arg15[%dma_wait3A, %dma_wait3A_42] : memref<10240x96xf32, #tpu.memory_space<vmem_shared>> -> memref<10240x96xf32, #tpu.memory_space<vmem_shared>>
    tpu.wait_indirect_dma semaphore(%arg21 : memref<!tpu.dma_semaphore, #tpu.memory_space<semaphore_mem>>) src(%arg14 : memref<128x96xf32, #tpu.memory_space<vmem>>) dst(%dma_wait3A_43 : memref<10240x96xf32, #tpu.memory_space<vmem_shared>>)
    %dma_wait3A_44 = arith.constant 0 : i32
    %dma_wait3A_45 = arith.constant 0 : i32
    %dma_wait3A_46 = tpu.memref_slice %arg3[%dma_wait3A_44, %dma_wait3A_45] : memref<2512x128xi32, #tpu.memory_space<hbm>> -> memref<1x128xi32, #tpu.memory_space<hbm>>
    %dma_wait3A_47 = tpu.memref_squeeze %dma_wait3A_46 : memref<1x128xi32, #tpu.memory_space<hbm>> -> memref<128xi32, #tpu.memory_space<hbm>>
    %dma_wait3A_48 = arith.constant 0 : i32
    %dma_wait3A_49 = tpu.memref_slice %arg3[%dma_wait3A_44, %dma_wait3A_48] : memref<2512x128xi32, #tpu.memory_space<hbm>> -> memref<1x128xi32, #tpu.memory_space<hbm>>
    %dma_wait3A_50 = tpu.memref_squeeze %dma_wait3A_49 : memref<1x128xi32, #tpu.memory_space<hbm>> -> memref<128xi32, #tpu.memory_space<hbm>>
    tpu.wait_dma2 semaphore(%arg22 : memref<!tpu.dma_semaphore, #tpu.memory_space<semaphore_mem>>) src(%dma_wait3A_50 : memref<128xi32, #tpu.memory_space<hbm>>) dst(%arg9 : memref<128xi32, #tpu.memory_space<vmem>>)
    %dma_wait3A_51 = arith.constant 0 : i32
    %dma_wait3A_52 = arith.constant 0 : i32
    %dma_wait3A_53 = tpu.memref_slice %arg8[%dma_wait3A_51, %dma_wait3A_52] : memref<157x128xi32, #tpu.memory_space<vmem>> -> memref<1x128xi32, #tpu.memory_space<vmem>>
    %dma_wait3A_54 = tpu.memref_squeeze %dma_wait3A_53 : memref<1x128xi32, #tpu.memory_space<vmem>> -> memref<128xi32, #tpu.memory_space<vmem>>
    %dma_wait3A_55 = arith.constant 0 : i32
    %dma_wait3A_56 = arith.constant 0 : i32
    %dma_wait3A_57 = tpu.memref_slice %arg4[%dma_wait3A_55, %dma_wait3A_56] : memref<10000x96xf32, #tpu.memory_space<hbm>> -> memref<10000x96xf32, #tpu.memory_space<hbm>>
    tpu.wait_indirect_dma semaphore(%arg16 : memref<!tpu.dma_semaphore, #tpu.memory_space<semaphore_mem>>) src(%dma_wait3A_57 : memref<10000x96xf32, #tpu.memory_space<hbm>>) dst(%arg12 : memref<128x96xf32, #tpu.memory_space<vmem>>)
    "tpu.region"() ({
      %run_scoped3A = tpu.sem_alloc : memref<!tpu.dma_semaphore, #tpu.memory_space<semaphore_mem>>
      %dma_start3A_63 = arith.constant 0 : i32
      %dma_start3A_64 = arith.constant 0 : i32
      %dma_start3A_65 = tpu.memref_slice %arg15[%dma_start3A_63, %dma_start3A_64] : memref<10240x96xf32, #tpu.memory_space<vmem_shared>> -> memref<10240x96xf32, #tpu.memory_space<vmem_shared>>
      tpu.enqueue_indirect_dma source(%arg12 : memref<128x96xf32, #tpu.memory_space<vmem>>) target(%dma_start3A_65 : memref<10240x96xf32, #tpu.memory_space<vmem_shared>>) offsets(%arg9 : memref<128xi32, #tpu.memory_space<vmem>>) semaphore(%run_scoped3A : memref<!tpu.dma_semaphore, #tpu.memory_space<semaphore_mem>>) {add = true}
      %dma_wait3A_66 = arith.constant 0 : i32
      %dma_wait3A_67 = arith.constant 0 : i32
      %dma_wait3A_68 = tpu.memref_slice %arg15[%dma_wait3A_66, %dma_wait3A_67] : memref<10240x96xf32, #tpu.memory_space<vmem_shared>> -> memref<10240x96xf32, #tpu.memory_space<vmem_shared>>
      tpu.wait_indirect_dma semaphore(%run_scoped3A : memref<!tpu.dma_semaphore, #tpu.memory_space<semaphore_mem>>) src(%arg12 : memref<128x96xf32, #tpu.memory_space<vmem>>) dst(%dma_wait3A_68 : memref<10240x96xf32, #tpu.memory_space<vmem_shared>>)
      tpu.yield
    }) : () -> ()
    %barrier3A_58 = arith.constant 0 : index
    tpu.barrier barrier_id(%barrier3A_58)
    %mul3A_59 = arith.constant 640 : i32
    %mul3A_60 = arith.muli %arg1, %mul3A_59 : i32
    %mul3A_61 = arith.constant 640 : i32
    %mul3A_62 = arith.muli %arg1, %mul3A_61 : i32
    "tpu.region"() ({
      %run_scoped3A = tpu.sem_alloc : memref<!tpu.dma_semaphore, #tpu.memory_space<semaphore_mem>>
      %dma_start3A_63 = arith.constant 0 : i32
      %dma_start3A_64 = tpu.memref_slice %arg7[%arg0, %mul3A_62, %dma_start3A_63] : memref<2x10240x96xf32, #tpu.memory_space<hbm>> -> memref<1x640x96xf32, #tpu.memory_space<hbm>>
      %dma_start3A_65 = tpu.memref_squeeze %dma_start3A_64 : memref<1x640x96xf32, #tpu.memory_space<hbm>> -> memref<640x96xf32, #tpu.memory_space<hbm>>
      %dma_start3A_66 = arith.constant 0 : i32
      %dma_start3A_67 = tpu.memref_slice %arg15[%mul3A_60, %dma_start3A_66] : memref<10240x96xf32, #tpu.memory_space<vmem_shared>> -> memref<640x96xf32, #tpu.memory_space<vmem_shared>>
      tpu.enqueue_dma source(%dma_start3A_67 : memref<640x96xf32, #tpu.memory_space<vmem_shared>>) target(%dma_start3A_65 : memref<640x96xf32, #tpu.memory_space<hbm>>) target_semaphore(%run_scoped3A : memref<!tpu.dma_semaphore, #tpu.memory_space<semaphore_mem>>)
      %dma_wait3A_68 = arith.constant 0 : i32
      %dma_wait3A_69 = tpu.memref_slice %arg7[%arg0, %mul3A_62, %dma_wait3A_68] : memref<2x10240x96xf32, #tpu.memory_space<hbm>> -> memref<1x640x96xf32, #tpu.memory_space<hbm>>
      %dma_wait3A_70 = tpu.memref_squeeze %dma_wait3A_69 : memref<1x640x96xf32, #tpu.memory_space<hbm>> -> memref<640x96xf32, #tpu.memory_space<hbm>>
      %dma_wait3A_71 = arith.constant 0 : i32
      %dma_wait3A_72 = tpu.memref_slice %arg15[%mul3A_60, %dma_wait3A_71] : memref<10240x96xf32, #tpu.memory_space<vmem_shared>> -> memref<640x96xf32, #tpu.memory_space<vmem_shared>>
      tpu.wait_dma2 semaphore(%run_scoped3A : memref<!tpu.dma_semaphore, #tpu.memory_space<semaphore_mem>>) src(%dma_wait3A_72 : memref<640x96xf32, #tpu.memory_space<vmem_shared>>) dst(%dma_wait3A_70 : memref<640x96xf32, #tpu.memory_space<hbm>>)
      tpu.yield
    }) : () -> ()
    return
  }
}

module attributes {stable_mosaic.version = 14 : i64} {
  func.func @body(%arg0: i32, %arg1: memref<2x1000x64xf32, #tpu.memory_space<vmem>>, %arg2: memref<1000x64xf32, #tpu.memory_space<vmem>>, %arg3: memref<1000x64xf32, #tpu.memory_space<vmem>>, %arg4: memref<2x64x192xf32, #tpu.memory_space<vmem>>, %arg5: memref<1x192xf32, #tpu.memory_space<vmem>>, %arg6: memref<2x64x192xf32, #tpu.memory_space<vmem>>, %arg7: memref<1000x192xf32, #tpu.memory_space<vmem>>, %arg8: memref<2x192xf32, #tpu.memory_space<vmem>>) attributes {dimension_semantics = [#tpu.dimension_semantics<arbitrary>], iteration_bounds = array<i64: 10>, scalar_prefetch = 0 : i64, scratch_operands = 0 : i64, tpu.core_type = #tpu.core_type<tc>, window_params = [{transform_indices = @transform_0, window_bounds = array<i64: 2, 1000, 64>}, {transform_indices = @transform_1, window_bounds = array<i64: 1000, 64>}, {transform_indices = @transform_2, window_bounds = array<i64: 1000, 64>}, {pipeline_mode = #tpu.pipeline_mode<synchronous>, transform_indices = @transform_3, window_bounds = array<i64: 2, 64, 192>}, {pipeline_mode = #tpu.pipeline_mode<synchronous>, transform_indices = @transform_4, window_bounds = array<i64: 1, 192>}, {pipeline_mode = #tpu.pipeline_mode<synchronous>, transform_indices = @transform_5, window_bounds = array<i64: 2, 64, 192>}, {transform_indices = @transform_6, window_bounds = array<i64: 1000, 192>}, {pipeline_mode = #tpu.pipeline_mode<synchronous>, transform_indices = @transform_7, window_bounds = array<i64: 2, 192>}]} {
    %get3A = arith.constant 0 : index
    %get3A_0 = arith.constant 0 : index
    %get3A_1 = arith.constant 0 : index
    %get3A_2 = vector.load %arg1[%get3A, %get3A_0, %get3A_1] : memref<2x1000x64xf32, #tpu.memory_space<vmem>>, vector<1x1000x64xf32>
    %get3A_3 = vector.shape_cast %get3A_2 : vector<1x1000x64xf32> to vector<1000x64xf32>
    %get3A_4 = arith.constant 0 : index
    %get3A_5 = arith.constant 0 : index
    %get3A_6 = arith.constant 0 : index
    %get3A_7 = vector.load %arg4[%get3A_4, %get3A_5, %get3A_6] : memref<2x64x192xf32, #tpu.memory_space<vmem>>, vector<1x64x192xf32>
    %get3A_8 = vector.shape_cast %get3A_7 : vector<1x64x192xf32> to vector<64x192xf32>
    %dot_general3A = arith.constant dense<0.000000e+00> : vector<1000x192xf32>
    %dot_general3A_9 = tpu.matmul %get3A_3, %get3A_8, %dot_general3A {dimension_numbers = #tpu.dot_dimension_numbers<[1], [0], [0], [1], [0, 0, 1, 1], [], []>, transpose_lhs_hint = false} : vector<1000x64xf32>, vector<64x192xf32>, vector<1000x192xf32> -> vector<1000x192xf32>
    %get3A_10 = arith.constant 1 : index
    %get3A_11 = arith.constant 0 : index
    %get3A_12 = arith.constant 0 : index
    %get3A_13 = vector.load %arg1[%get3A_10, %get3A_11, %get3A_12] : memref<2x1000x64xf32, #tpu.memory_space<vmem>>, vector<1x1000x64xf32>
    %get3A_14 = vector.shape_cast %get3A_13 : vector<1x1000x64xf32> to vector<1000x64xf32>
    %get3A_15 = arith.constant 1 : index
    %get3A_16 = arith.constant 0 : index
    %get3A_17 = arith.constant 0 : index
    %get3A_18 = vector.load %arg4[%get3A_15, %get3A_16, %get3A_17] : memref<2x64x192xf32, #tpu.memory_space<vmem>>, vector<1x64x192xf32>
    %get3A_19 = vector.shape_cast %get3A_18 : vector<1x64x192xf32> to vector<64x192xf32>
    %dot_general3A_20 = arith.constant dense<0.000000e+00> : vector<1000x192xf32>
    %dot_general3A_21 = tpu.matmul %get3A_14, %get3A_19, %dot_general3A_20 {dimension_numbers = #tpu.dot_dimension_numbers<[1], [0], [0], [1], [0, 0, 1, 1], [], []>, transpose_lhs_hint = false} : vector<1000x64xf32>, vector<64x192xf32>, vector<1000x192xf32> -> vector<1000x192xf32>
    %add3A = arith.addf %dot_general3A_9, %dot_general3A_21 : vector<1000x192xf32>
    %get3A_22 = arith.constant 0 : index
    %get3A_23 = arith.constant 0 : index
    %get3A_24 = vector.load %arg2[%get3A_22, %get3A_23] : memref<1000x64xf32, #tpu.memory_space<vmem>>, vector<1000x64xf32>
    %get3A_25 = arith.constant 0 : index
    %get3A_26 = arith.constant 0 : index
    %get3A_27 = arith.constant 0 : index
    %get3A_28 = vector.load %arg6[%get3A_25, %get3A_26, %get3A_27] : memref<2x64x192xf32, #tpu.memory_space<vmem>>, vector<1x64x192xf32>
    %get3A_29 = vector.shape_cast %get3A_28 : vector<1x64x192xf32> to vector<64x192xf32>
    %dot_general3A_30 = arith.constant dense<0.000000e+00> : vector<1000x192xf32>
    %dot_general3A_31 = tpu.matmul %get3A_24, %get3A_29, %dot_general3A_30 {dimension_numbers = #tpu.dot_dimension_numbers<[1], [0], [0], [1], [0, 0, 1, 1], [], []>, transpose_lhs_hint = false} : vector<1000x64xf32>, vector<64x192xf32>, vector<1000x192xf32> -> vector<1000x192xf32>
    %add3A_32 = arith.addf %add3A, %dot_general3A_31 : vector<1000x192xf32>
    %get3A_33 = arith.constant 0 : index
    %get3A_34 = arith.constant 0 : index
    %get3A_35 = vector.load %arg3[%get3A_33, %get3A_34] : memref<1000x64xf32, #tpu.memory_space<vmem>>, vector<1000x64xf32>
    %get3A_36 = arith.constant 1 : index
    %get3A_37 = arith.constant 0 : index
    %get3A_38 = arith.constant 0 : index
    %get3A_39 = vector.load %arg6[%get3A_36, %get3A_37, %get3A_38] : memref<2x64x192xf32, #tpu.memory_space<vmem>>, vector<1x64x192xf32>
    %get3A_40 = vector.shape_cast %get3A_39 : vector<1x64x192xf32> to vector<64x192xf32>
    %dot_general3A_41 = arith.constant dense<0.000000e+00> : vector<1000x192xf32>
    %dot_general3A_42 = tpu.matmul %get3A_35, %get3A_40, %dot_general3A_41 {dimension_numbers = #tpu.dot_dimension_numbers<[1], [0], [0], [1], [0, 0, 1, 1], [], []>, transpose_lhs_hint = false} : vector<1000x64xf32>, vector<64x192xf32>, vector<1000x192xf32> -> vector<1000x192xf32>
    %add3A_43 = arith.addf %add3A_32, %dot_general3A_42 : vector<1000x192xf32>
    %get3A_44 = arith.constant 0 : index
    %get3A_45 = arith.constant 0 : index
    %get3A_46 = vector.load %arg5[%get3A_44, %get3A_45] : memref<1x192xf32, #tpu.memory_space<vmem>>, vector<1x192xf32>
    %add3A_47 = vector.broadcast %get3A_46 : vector<1x192xf32> to vector<1000x192xf32>
    %add3A_48 = arith.addf %add3A_43, %add3A_47 : vector<1000x192xf32>
    %swap3A = arith.constant 0 : index
    %swap3A_49 = arith.constant 0 : index
    %swap3A_50 = vector.load %arg7[%swap3A, %swap3A_49] : memref<1000x192xf32, #tpu.memory_space<vmem>>, vector<1000x192xf32>
    tpu.vector_store %arg7[%swap3A, %swap3A_49], %add3A_48 {strides = array<i32>} : memref<1000x192xf32, #tpu.memory_space<vmem>>, vector<1000x192xf32>,
    %eq3A = arith.constant 0 : i32
    %eq3A_51 = arith.cmpi eq, %arg0, %eq3A : i32
    %convert_element_type3A = arith.extui %eq3A_51 : i1 to i32
    %cond3A = arith.constant 0 : i32
    %cond3A_52 = arith.cmpi ne, %convert_element_type3A, %cond3A : i32
    scf.if %cond3A_52 {
      %broadcast_in_dim3A_71 = arith.constant 0.000000e+00 : f32
      %broadcast_in_dim3A_72 = vector.broadcast %broadcast_in_dim3A_71 : f32 to vector<2x192xf32>
      %swap3A_73 = arith.constant 0 : index
      %swap3A_74 = arith.constant 0 : index
      %swap3A_75 = vector.load %arg8[%swap3A_73, %swap3A_74] : memref<2x192xf32, #tpu.memory_space<vmem>>, vector<2x192xf32>
      tpu.vector_store %arg8[%swap3A_73, %swap3A_74], %broadcast_in_dim3A_72 {strides = array<i32>} : memref<2x192xf32, #tpu.memory_space<vmem>>, vector<2x192xf32>,
    } else {
    }
    %get3A_53 = arith.constant 0 : index
    %get3A_54 = arith.constant 0 : index
    %get3A_55 = vector.load %arg8[%get3A_53, %get3A_54] : memref<2x192xf32, #tpu.memory_space<vmem>>, vector<1x192xf32>
    %reduce_sum3A = arith.constant dense<0.000000e+00> : vector<192xf32>
    %reduce_sum3A_56 = vector.multi_reduction <add>, %add3A_48, %reduce_sum3A [0] : vector<1000x192xf32> to vector<192xf32>
    %broadcast_in_dim3A = vector.shape_cast %reduce_sum3A_56 : vector<192xf32> to vector<1x192xf32>
    %add3A_57 = arith.addf %get3A_55, %broadcast_in_dim3A : vector<1x192xf32>
    %swap3A_58 = arith.constant 0 : index
    %swap3A_59 = arith.constant 0 : index
    %swap3A_60 = vector.load %arg8[%swap3A_58, %swap3A_59] : memref<2x192xf32, #tpu.memory_space<vmem>>, vector<1x192xf32>
    tpu.vector_store %arg8[%swap3A_58, %swap3A_59], %add3A_57 {strides = array<i32>} : memref<2x192xf32, #tpu.memory_space<vmem>>, vector<1x192xf32>,
    %get3A_61 = arith.constant 1 : index
    %get3A_62 = arith.constant 0 : index
    %get3A_63 = vector.load %arg8[%get3A_61, %get3A_62] : memref<2x192xf32, #tpu.memory_space<vmem>>, vector<1x192xf32>
    %mul3A = arith.mulf %add3A_48, %add3A_48 : vector<1000x192xf32>
    %reduce_sum3A_64 = arith.constant dense<0.000000e+00> : vector<192xf32>
    %reduce_sum3A_65 = vector.multi_reduction <add>, %mul3A, %reduce_sum3A_64 [0] : vector<1000x192xf32> to vector<192xf32>
    %broadcast_in_dim3A_66 = vector.shape_cast %reduce_sum3A_65 : vector<192xf32> to vector<1x192xf32>
    %add3A_67 = arith.addf %get3A_63, %broadcast_in_dim3A_66 : vector<1x192xf32>
    %swap3A_68 = arith.constant 1 : index
    %swap3A_69 = arith.constant 0 : index
    %swap3A_70 = vector.load %arg8[%swap3A_68, %swap3A_69] : memref<2x192xf32, #tpu.memory_space<vmem>>, vector<1x192xf32>
    tpu.vector_store %arg8[%swap3A_68, %swap3A_69], %add3A_67 {strides = array<i32>} : memref<2x192xf32, #tpu.memory_space<vmem>>, vector<1x192xf32>,
    return
  }
  func.func @transform_0(%arg0: i32) -> (i32, i32, i32) {
    %c0_i32 = arith.constant 0 : i32
    %c0_i32_0 = arith.constant 0 : i32
    %c0_i32_1 = arith.constant 0 : i32
    return %c0_i32, %arg0, %c0_i32_0 : i32, i32, i32
  }
  func.func @transform_1(%arg0: i32) -> (i32, i32) {
    %c0_i32 = arith.constant 0 : i32
    %c0_i32_0 = arith.constant 0 : i32
    return %arg0, %c0_i32 : i32, i32
  }
  func.func @transform_2(%arg0: i32) -> (i32, i32) {
    %c0_i32 = arith.constant 0 : i32
    %c0_i32_0 = arith.constant 0 : i32
    return %arg0, %c0_i32 : i32, i32
  }
  func.func @transform_3(%arg0: i32) -> (i32, i32, i32) {
    %c0_i32 = arith.constant 0 : i32
    %c0_i32_0 = arith.constant 0 : i32
    %c0_i32_1 = arith.constant 0 : i32
    %c0_i32_2 = arith.constant 0 : i32
    return %c0_i32, %c0_i32_0, %c0_i32_1 : i32, i32, i32
  }
  func.func @transform_4(%arg0: i32) -> (i32, i32) {
    %c0_i32 = arith.constant 0 : i32
    %c0_i32_0 = arith.constant 0 : i32
    %c0_i32_1 = arith.constant 0 : i32
    return %c0_i32, %c0_i32_0 : i32, i32
  }
  func.func @transform_5(%arg0: i32) -> (i32, i32, i32) {
    %c0_i32 = arith.constant 0 : i32
    %c0_i32_0 = arith.constant 0 : i32
    %c0_i32_1 = arith.constant 0 : i32
    %c0_i32_2 = arith.constant 0 : i32
    return %c0_i32, %c0_i32_0, %c0_i32_1 : i32, i32, i32
  }
  func.func @transform_6(%arg0: i32) -> (i32, i32) {
    %c0_i32 = arith.constant 0 : i32
    %c0_i32_0 = arith.constant 0 : i32
    return %arg0, %c0_i32 : i32, i32
  }
  func.func @transform_7(%arg0: i32) -> (i32, i32) {
    %c0_i32 = arith.constant 0 : i32
    %c0_i32_0 = arith.constant 0 : i32
    %c0_i32_1 = arith.constant 0 : i32
    return %c0_i32, %c0_i32_0 : i32, i32
  }
}

module attributes {stable_mosaic.version = 14 : i64} {
  func.func @body(%arg0: i32, %arg1: i32, %arg2: memref<2000x192xf32, #tpu.memory_space<vmem>>, %arg3: memref<2x192xf32, #tpu.memory_space<vmem>>, %arg4: memref<2x192xf32, #tpu.memory_space<vmem>>, %arg5: memref<2000x96xf32, #tpu.memory_space<vmem>>, %arg6: memref<2000x96xf32, #tpu.memory_space<vmem>>, %arg7: memref<1x192xf32, #tpu.memory_space<vmem>>) attributes {dimension_semantics = [#tpu.dimension_semantics<arbitrary>, #tpu.dimension_semantics<arbitrary>], iteration_bounds = array<i64: 2, 5>, scalar_prefetch = 0 : i64, scratch_operands = 1 : i64, tpu.core_type = #tpu.core_type<tc>, window_params = [{transform_indices = @transform_0, window_bounds = array<i64: 2000, 192>}, {pipeline_mode = #tpu.pipeline_mode<synchronous>, transform_indices = @transform_1, window_bounds = array<i64: 2, 192>}, {pipeline_mode = #tpu.pipeline_mode<synchronous>, transform_indices = @transform_2, window_bounds = array<i64: 2, 192>}, {transform_indices = @transform_3, window_bounds = array<i64: 2000, 96>}, {transform_indices = @transform_4, window_bounds = array<i64: 2000, 96>}]} {
    %get3A = arith.constant 0 : index
    %get3A_0 = arith.constant 0 : index
    %get3A_1 = vector.load %arg3[%get3A, %get3A_0] : memref<2x192xf32, #tpu.memory_space<vmem>>, vector<1x192xf32>
    %mul3A = arith.constant 9.99999974E-5 : f32
    %mul3A_2 = vector.broadcast %mul3A : f32 to vector<1x192xf32>
    %mul3A_3 = arith.mulf %get3A_1, %mul3A_2 : vector<1x192xf32>
    %eq3A = arith.constant 0 : i32
    %eq3A_4 = arith.cmpi eq, %arg0, %eq3A : i32
    %convert_element_type3A = arith.extui %eq3A_4 : i1 to i32
    %cond3A = arith.constant 0 : i32
    %cond3A_5 = arith.cmpi ne, %convert_element_type3A, %cond3A : i32
    scf.if %cond3A_5 {
      %eq3A_11 = arith.constant 0 : i32
      %eq3A_12 = arith.cmpi eq, %arg1, %eq3A_11 : i32
      %convert_element_type3A_13 = arith.extui %eq3A_12 : i1 to i32
      %cond3A_14 = arith.constant 0 : i32
      %cond3A_15 = arith.cmpi ne, %convert_element_type3A_13, %cond3A_14 : i32
      scf.if %cond3A_15 {
        %broadcast_in_dim3A_27 = arith.constant 0.000000e+00 : f32
        %broadcast_in_dim3A_28 = vector.broadcast %broadcast_in_dim3A_27 : f32 to vector<1x192xf32>
        %swap3A_29 = arith.constant 0 : index
        %swap3A_30 = arith.constant 0 : index
        %swap3A_31 = vector.load %arg7[%swap3A_29, %swap3A_30] : memref<1x192xf32, #tpu.memory_space<vmem>>, vector<1x192xf32>
        tpu.vector_store %arg7[%swap3A_29, %swap3A_30], %broadcast_in_dim3A_28 {strides = array<i32>} : memref<1x192xf32, #tpu.memory_space<vmem>>, vector<1x192xf32>,
      } else {
      }
      %get3A_16 = arith.constant 0 : index
      %get3A_17 = arith.constant 0 : index
      %get3A_18 = vector.load %arg2[%get3A_16, %get3A_17] : memref<2000x192xf32, #tpu.memory_space<vmem>>, vector<2000x192xf32>
      %sub3A = vector.broadcast %mul3A_3 : vector<1x192xf32> to vector<2000x192xf32>
      %sub3A_19 = arith.subf %get3A_18, %sub3A : vector<2000x192xf32>
      %get3A_20 = arith.constant 0 : index
      %get3A_21 = arith.constant 0 : index
      %get3A_22 = vector.load %arg7[%get3A_20, %get3A_21] : memref<1x192xf32, #tpu.memory_space<vmem>>, vector<1x192xf32>
      %mul3A_23 = arith.mulf %sub3A_19, %sub3A_19 : vector<2000x192xf32>
      %reduce_sum3A = arith.constant dense<0.000000e+00> : vector<192xf32>
      %reduce_sum3A_24 = vector.multi_reduction <add>, %mul3A_23, %reduce_sum3A [0] : vector<2000x192xf32> to vector<192xf32>
      %broadcast_in_dim3A = vector.shape_cast %reduce_sum3A_24 : vector<192xf32> to vector<1x192xf32>
      %add3A = arith.addf %get3A_22, %broadcast_in_dim3A : vector<1x192xf32>
      %swap3A = arith.constant 0 : index
      %swap3A_25 = arith.constant 0 : index
      %swap3A_26 = vector.load %arg7[%swap3A, %swap3A_25] : memref<1x192xf32, #tpu.memory_space<vmem>>, vector<1x192xf32>
      tpu.vector_store %arg7[%swap3A, %swap3A_25], %add3A {strides = array<i32>} : memref<1x192xf32, #tpu.memory_space<vmem>>, vector<1x192xf32>,
    } else {
    }
    %eq3A_6 = arith.constant 1 : i32
    %eq3A_7 = arith.cmpi eq, %arg0, %eq3A_6 : i32
    %convert_element_type3A_8 = arith.extui %eq3A_7 : i1 to i32
    %cond3A_9 = arith.constant 0 : i32
    %cond3A_10 = arith.cmpi ne, %convert_element_type3A_8, %cond3A_9 : i32
    scf.if %cond3A_10 {
      %get3A_11 = arith.constant 0 : index
      %get3A_12 = arith.constant 0 : index
      %get3A_13 = vector.load %arg7[%get3A_11, %get3A_12] : memref<1x192xf32, #tpu.memory_space<vmem>>, vector<1x192xf32>
      %mul3A_14 = arith.constant 9.99999974E-5 : f32
      %mul3A_15 = vector.broadcast %mul3A_14 : f32 to vector<1x192xf32>
      %mul3A_16 = arith.mulf %get3A_13, %mul3A_15 : vector<1x192xf32>
      %get3A_17 = arith.constant 0 : index
      %get3A_18 = arith.constant 0 : index
      %get3A_19 = vector.load %arg4[%get3A_17, %get3A_18] : memref<2x192xf32, #tpu.memory_space<vmem>>, vector<1x192xf32>
      %add3A = arith.constant 9.99999974E-6 : f32
      %add3A_20 = vector.broadcast %add3A : f32 to vector<1x192xf32>
      %add3A_21 = arith.addf %mul3A_16, %add3A_20 : vector<1x192xf32>
      %sqrt3A = math.sqrt %add3A_21 : vector<1x192xf32>
      %div3A = arith.divf %get3A_19, %sqrt3A : vector<1x192xf32>
      %get3A_22 = arith.constant 1 : index
      %get3A_23 = arith.constant 0 : index
      %get3A_24 = vector.load %arg4[%get3A_22, %get3A_23] : memref<2x192xf32, #tpu.memory_space<vmem>>, vector<1x192xf32>
      %mul3A_25 = arith.mulf %mul3A_3, %div3A : vector<1x192xf32>
      %sub3A = arith.subf %get3A_24, %mul3A_25 : vector<1x192xf32>
      %get3A_26 = arith.constant 0 : index
      %get3A_27 = arith.constant 0 : index
      %get3A_28 = vector.load %arg2[%get3A_26, %get3A_27] : memref<2000x192xf32, #tpu.memory_space<vmem>>, vector<2000x192xf32>
      %mul3A_29 = vector.broadcast %div3A : vector<1x192xf32> to vector<2000x192xf32>
      %mul3A_30 = arith.mulf %get3A_28, %mul3A_29 : vector<2000x192xf32>
      %add3A_31 = vector.broadcast %sub3A : vector<1x192xf32> to vector<2000x192xf32>
      %add3A_32 = arith.addf %mul3A_30, %add3A_31 : vector<2000x192xf32>
      %max3A = arith.constant 0.000000e+00 : f32
      %max3A_33 = vector.broadcast %max3A : f32 to vector<2000x192xf32>
      %max3A_34 = arith.maximumf %add3A_32, %max3A_33 : vector<2000x192xf32>
      %slice3A = vector.extract_strided_slice %max3A_34 {offsets = [0, 0], sizes = [2000, 96], strides = [1, 1]} : vector<2000x192xf32> to vector<2000x96xf32>
      %swap3A = arith.constant 0 : index
      %swap3A_35 = arith.constant 0 : index
      %swap3A_36 = vector.load %arg5[%swap3A, %swap3A_35] : memref<2000x96xf32, #tpu.memory_space<vmem>>, vector<2000x96xf32>
      tpu.vector_store %arg5[%swap3A, %swap3A_35], %slice3A {strides = array<i32>} : memref<2000x96xf32, #tpu.memory_space<vmem>>, vector<2000x96xf32>,
      %slice3A_37 = vector.extract_strided_slice %max3A_34 {offsets = [0, 96], sizes = [2000, 96], strides = [1, 1]} : vector<2000x192xf32> to vector<2000x96xf32>
      %swap3A_38 = arith.constant 0 : index
      %swap3A_39 = arith.constant 0 : index
      %swap3A_40 = vector.load %arg6[%swap3A_38, %swap3A_39] : memref<2000x96xf32, #tpu.memory_space<vmem>>, vector<2000x96xf32>
      tpu.vector_store %arg6[%swap3A_38, %swap3A_39], %slice3A_37 {strides = array<i32>} : memref<2000x96xf32, #tpu.memory_space<vmem>>, vector<2000x96xf32>,
    } else {
    }
    return
  }
  func.func @transform_0(%arg0: i32, %arg1: i32) -> (i32, i32) {
    %c0_i32 = arith.constant 0 : i32
    %c0_i32_0 = arith.constant 0 : i32
    return %arg1, %c0_i32 : i32, i32
  }
  func.func @transform_1(%arg0: i32, %arg1: i32) -> (i32, i32) {
    %c0_i32 = arith.constant 0 : i32
    %c0_i32_0 = arith.constant 0 : i32
    %c0_i32_1 = arith.constant 0 : i32
    return %c0_i32, %c0_i32_0 : i32, i32
  }
  func.func @transform_2(%arg0: i32, %arg1: i32) -> (i32, i32) {
    %c0_i32 = arith.constant 0 : i32
    %c0_i32_0 = arith.constant 0 : i32
    %c0_i32_1 = arith.constant 0 : i32
    return %c0_i32, %c0_i32_0 : i32, i32
  }
  func.func @transform_3(%arg0: i32, %arg1: i32) -> (i32, i32) {
    %mul3A = arith.muli %arg1, %arg0 : i32
    %c0_i32 = arith.constant 0 : i32
    %c0_i32_0 = arith.constant 0 : i32
    return %mul3A, %c0_i32 : i32, i32
  }
  func.func @transform_4(%arg0: i32, %arg1: i32) -> (i32, i32) {
    %mul3A = arith.muli %arg1, %arg0 : i32
    %c0_i32 = arith.constant 0 : i32
    %c0_i32_0 = arith.constant 0 : i32
    return %mul3A, %c0_i32 : i32, i32
  }
}

module attributes {stable_mosaic.version = 14 : i64} {
  func.func @body(%arg0: i32, %arg1: memref<2x1000x96xf32, #tpu.memory_space<vmem>>, %arg2: memref<1000x96xf32, #tpu.memory_space<vmem>>, %arg3: memref<1000x96xf32, #tpu.memory_space<vmem>>, %arg4: memref<2x96x192xf32, #tpu.memory_space<vmem>>, %arg5: memref<1x192xf32, #tpu.memory_space<vmem>>, %arg6: memref<2x96x192xf32, #tpu.memory_space<vmem>>, %arg7: memref<1000x192xf32, #tpu.memory_space<vmem>>, %arg8: memref<2x192xf32, #tpu.memory_space<vmem>>) attributes {dimension_semantics = [#tpu.dimension_semantics<arbitrary>], iteration_bounds = array<i64: 10>, scalar_prefetch = 0 : i64, scratch_operands = 0 : i64, tpu.core_type = #tpu.core_type<tc>, window_params = [{transform_indices = @transform_0, window_bounds = array<i64: 2, 1000, 96>}, {transform_indices = @transform_1, window_bounds = array<i64: 1000, 96>}, {transform_indices = @transform_2, window_bounds = array<i64: 1000, 96>}, {pipeline_mode = #tpu.pipeline_mode<synchronous>, transform_indices = @transform_3, window_bounds = array<i64: 2, 96, 192>}, {pipeline_mode = #tpu.pipeline_mode<synchronous>, transform_indices = @transform_4, window_bounds = array<i64: 1, 192>}, {pipeline_mode = #tpu.pipeline_mode<synchronous>, transform_indices = @transform_5, window_bounds = array<i64: 2, 96, 192>}, {transform_indices = @transform_6, window_bounds = array<i64: 1000, 192>}, {pipeline_mode = #tpu.pipeline_mode<synchronous>, transform_indices = @transform_7, window_bounds = array<i64: 2, 192>}]} {
    %get3A = arith.constant 0 : index
    %get3A_0 = arith.constant 0 : index
    %get3A_1 = arith.constant 0 : index
    %get3A_2 = vector.load %arg1[%get3A, %get3A_0, %get3A_1] : memref<2x1000x96xf32, #tpu.memory_space<vmem>>, vector<1x1000x96xf32>
    %get3A_3 = vector.shape_cast %get3A_2 : vector<1x1000x96xf32> to vector<1000x96xf32>
    %get3A_4 = arith.constant 0 : index
    %get3A_5 = arith.constant 0 : index
    %get3A_6 = arith.constant 0 : index
    %get3A_7 = vector.load %arg4[%get3A_4, %get3A_5, %get3A_6] : memref<2x96x192xf32, #tpu.memory_space<vmem>>, vector<1x96x192xf32>
    %get3A_8 = vector.shape_cast %get3A_7 : vector<1x96x192xf32> to vector<96x192xf32>
    %dot_general3A = arith.constant dense<0.000000e+00> : vector<1000x192xf32>
    %dot_general3A_9 = tpu.matmul %get3A_3, %get3A_8, %dot_general3A {dimension_numbers = #tpu.dot_dimension_numbers<[1], [0], [0], [1], [0, 0, 1, 1], [], []>, transpose_lhs_hint = false} : vector<1000x96xf32>, vector<96x192xf32>, vector<1000x192xf32> -> vector<1000x192xf32>
    %get3A_10 = arith.constant 1 : index
    %get3A_11 = arith.constant 0 : index
    %get3A_12 = arith.constant 0 : index
    %get3A_13 = vector.load %arg1[%get3A_10, %get3A_11, %get3A_12] : memref<2x1000x96xf32, #tpu.memory_space<vmem>>, vector<1x1000x96xf32>
    %get3A_14 = vector.shape_cast %get3A_13 : vector<1x1000x96xf32> to vector<1000x96xf32>
    %get3A_15 = arith.constant 1 : index
    %get3A_16 = arith.constant 0 : index
    %get3A_17 = arith.constant 0 : index
    %get3A_18 = vector.load %arg4[%get3A_15, %get3A_16, %get3A_17] : memref<2x96x192xf32, #tpu.memory_space<vmem>>, vector<1x96x192xf32>
    %get3A_19 = vector.shape_cast %get3A_18 : vector<1x96x192xf32> to vector<96x192xf32>
    %dot_general3A_20 = arith.constant dense<0.000000e+00> : vector<1000x192xf32>
    %dot_general3A_21 = tpu.matmul %get3A_14, %get3A_19, %dot_general3A_20 {dimension_numbers = #tpu.dot_dimension_numbers<[1], [0], [0], [1], [0, 0, 1, 1], [], []>, transpose_lhs_hint = false} : vector<1000x96xf32>, vector<96x192xf32>, vector<1000x192xf32> -> vector<1000x192xf32>
    %add3A = arith.addf %dot_general3A_9, %dot_general3A_21 : vector<1000x192xf32>
    %get3A_22 = arith.constant 0 : index
    %get3A_23 = arith.constant 0 : index
    %get3A_24 = vector.load %arg2[%get3A_22, %get3A_23] : memref<1000x96xf32, #tpu.memory_space<vmem>>, vector<1000x96xf32>
    %get3A_25 = arith.constant 0 : index
    %get3A_26 = arith.constant 0 : index
    %get3A_27 = arith.constant 0 : index
    %get3A_28 = vector.load %arg6[%get3A_25, %get3A_26, %get3A_27] : memref<2x96x192xf32, #tpu.memory_space<vmem>>, vector<1x96x192xf32>
    %get3A_29 = vector.shape_cast %get3A_28 : vector<1x96x192xf32> to vector<96x192xf32>
    %dot_general3A_30 = arith.constant dense<0.000000e+00> : vector<1000x192xf32>
    %dot_general3A_31 = tpu.matmul %get3A_24, %get3A_29, %dot_general3A_30 {dimension_numbers = #tpu.dot_dimension_numbers<[1], [0], [0], [1], [0, 0, 1, 1], [], []>, transpose_lhs_hint = false} : vector<1000x96xf32>, vector<96x192xf32>, vector<1000x192xf32> -> vector<1000x192xf32>
    %add3A_32 = arith.addf %add3A, %dot_general3A_31 : vector<1000x192xf32>
    %get3A_33 = arith.constant 0 : index
    %get3A_34 = arith.constant 0 : index
    %get3A_35 = vector.load %arg3[%get3A_33, %get3A_34] : memref<1000x96xf32, #tpu.memory_space<vmem>>, vector<1000x96xf32>
    %get3A_36 = arith.constant 1 : index
    %get3A_37 = arith.constant 0 : index
    %get3A_38 = arith.constant 0 : index
    %get3A_39 = vector.load %arg6[%get3A_36, %get3A_37, %get3A_38] : memref<2x96x192xf32, #tpu.memory_space<vmem>>, vector<1x96x192xf32>
    %get3A_40 = vector.shape_cast %get3A_39 : vector<1x96x192xf32> to vector<96x192xf32>
    %dot_general3A_41 = arith.constant dense<0.000000e+00> : vector<1000x192xf32>
    %dot_general3A_42 = tpu.matmul %get3A_35, %get3A_40, %dot_general3A_41 {dimension_numbers = #tpu.dot_dimension_numbers<[1], [0], [0], [1], [0, 0, 1, 1], [], []>, transpose_lhs_hint = false} : vector<1000x96xf32>, vector<96x192xf32>, vector<1000x192xf32> -> vector<1000x192xf32>
    %add3A_43 = arith.addf %add3A_32, %dot_general3A_42 : vector<1000x192xf32>
    %get3A_44 = arith.constant 0 : index
    %get3A_45 = arith.constant 0 : index
    %get3A_46 = vector.load %arg5[%get3A_44, %get3A_45] : memref<1x192xf32, #tpu.memory_space<vmem>>, vector<1x192xf32>
    %add3A_47 = vector.broadcast %get3A_46 : vector<1x192xf32> to vector<1000x192xf32>
    %add3A_48 = arith.addf %add3A_43, %add3A_47 : vector<1000x192xf32>
    %swap3A = arith.constant 0 : index
    %swap3A_49 = arith.constant 0 : index
    %swap3A_50 = vector.load %arg7[%swap3A, %swap3A_49] : memref<1000x192xf32, #tpu.memory_space<vmem>>, vector<1000x192xf32>
    tpu.vector_store %arg7[%swap3A, %swap3A_49], %add3A_48 {strides = array<i32>} : memref<1000x192xf32, #tpu.memory_space<vmem>>, vector<1000x192xf32>,
    %eq3A = arith.constant 0 : i32
    %eq3A_51 = arith.cmpi eq, %arg0, %eq3A : i32
    %convert_element_type3A = arith.extui %eq3A_51 : i1 to i32
    %cond3A = arith.constant 0 : i32
    %cond3A_52 = arith.cmpi ne, %convert_element_type3A, %cond3A : i32
    scf.if %cond3A_52 {
      %broadcast_in_dim3A_71 = arith.constant 0.000000e+00 : f32
      %broadcast_in_dim3A_72 = vector.broadcast %broadcast_in_dim3A_71 : f32 to vector<2x192xf32>
      %swap3A_73 = arith.constant 0 : index
      %swap3A_74 = arith.constant 0 : index
      %swap3A_75 = vector.load %arg8[%swap3A_73, %swap3A_74] : memref<2x192xf32, #tpu.memory_space<vmem>>, vector<2x192xf32>
      tpu.vector_store %arg8[%swap3A_73, %swap3A_74], %broadcast_in_dim3A_72 {strides = array<i32>} : memref<2x192xf32, #tpu.memory_space<vmem>>, vector<2x192xf32>,
    } else {
    }
    %get3A_53 = arith.constant 0 : index
    %get3A_54 = arith.constant 0 : index
    %get3A_55 = vector.load %arg8[%get3A_53, %get3A_54] : memref<2x192xf32, #tpu.memory_space<vmem>>, vector<1x192xf32>
    %reduce_sum3A = arith.constant dense<0.000000e+00> : vector<192xf32>
    %reduce_sum3A_56 = vector.multi_reduction <add>, %add3A_48, %reduce_sum3A [0] : vector<1000x192xf32> to vector<192xf32>
    %broadcast_in_dim3A = vector.shape_cast %reduce_sum3A_56 : vector<192xf32> to vector<1x192xf32>
    %add3A_57 = arith.addf %get3A_55, %broadcast_in_dim3A : vector<1x192xf32>
    %swap3A_58 = arith.constant 0 : index
    %swap3A_59 = arith.constant 0 : index
    %swap3A_60 = vector.load %arg8[%swap3A_58, %swap3A_59] : memref<2x192xf32, #tpu.memory_space<vmem>>, vector<1x192xf32>
    tpu.vector_store %arg8[%swap3A_58, %swap3A_59], %add3A_57 {strides = array<i32>} : memref<2x192xf32, #tpu.memory_space<vmem>>, vector<1x192xf32>,
    %get3A_61 = arith.constant 1 : index
    %get3A_62 = arith.constant 0 : index
    %get3A_63 = vector.load %arg8[%get3A_61, %get3A_62] : memref<2x192xf32, #tpu.memory_space<vmem>>, vector<1x192xf32>
    %mul3A = arith.mulf %add3A_48, %add3A_48 : vector<1000x192xf32>
    %reduce_sum3A_64 = arith.constant dense<0.000000e+00> : vector<192xf32>
    %reduce_sum3A_65 = vector.multi_reduction <add>, %mul3A, %reduce_sum3A_64 [0] : vector<1000x192xf32> to vector<192xf32>
    %broadcast_in_dim3A_66 = vector.shape_cast %reduce_sum3A_65 : vector<192xf32> to vector<1x192xf32>
    %add3A_67 = arith.addf %get3A_63, %broadcast_in_dim3A_66 : vector<1x192xf32>
    %swap3A_68 = arith.constant 1 : index
    %swap3A_69 = arith.constant 0 : index
    %swap3A_70 = vector.load %arg8[%swap3A_68, %swap3A_69] : memref<2x192xf32, #tpu.memory_space<vmem>>, vector<1x192xf32>
    tpu.vector_store %arg8[%swap3A_68, %swap3A_69], %add3A_67 {strides = array<i32>} : memref<2x192xf32, #tpu.memory_space<vmem>>, vector<1x192xf32>,
    return
  }
  func.func @transform_0(%arg0: i32) -> (i32, i32, i32) {
    %c0_i32 = arith.constant 0 : i32
    %c0_i32_0 = arith.constant 0 : i32
    %c0_i32_1 = arith.constant 0 : i32
    return %c0_i32, %arg0, %c0_i32_0 : i32, i32, i32
  }
  func.func @transform_1(%arg0: i32) -> (i32, i32) {
    %c0_i32 = arith.constant 0 : i32
    %c0_i32_0 = arith.constant 0 : i32
    return %arg0, %c0_i32 : i32, i32
  }
  func.func @transform_2(%arg0: i32) -> (i32, i32) {
    %c0_i32 = arith.constant 0 : i32
    %c0_i32_0 = arith.constant 0 : i32
    return %arg0, %c0_i32 : i32, i32
  }
  func.func @transform_3(%arg0: i32) -> (i32, i32, i32) {
    %c0_i32 = arith.constant 0 : i32
    %c0_i32_0 = arith.constant 0 : i32
    %c0_i32_1 = arith.constant 0 : i32
    %c0_i32_2 = arith.constant 0 : i32
    return %c0_i32, %c0_i32_0, %c0_i32_1 : i32, i32, i32
  }
  func.func @transform_4(%arg0: i32) -> (i32, i32) {
    %c0_i32 = arith.constant 0 : i32
    %c0_i32_0 = arith.constant 0 : i32
    %c0_i32_1 = arith.constant 0 : i32
    return %c0_i32, %c0_i32_0 : i32, i32
  }
  func.func @transform_5(%arg0: i32) -> (i32, i32, i32) {
    %c0_i32 = arith.constant 0 : i32
    %c0_i32_0 = arith.constant 0 : i32
    %c0_i32_1 = arith.constant 0 : i32
    %c0_i32_2 = arith.constant 0 : i32
    return %c0_i32, %c0_i32_0, %c0_i32_1 : i32, i32, i32
  }
  func.func @transform_6(%arg0: i32) -> (i32, i32) {
    %c0_i32 = arith.constant 0 : i32
    %c0_i32_0 = arith.constant 0 : i32
    return %arg0, %c0_i32 : i32, i32
  }
  func.func @transform_7(%arg0: i32) -> (i32, i32) {
    %c0_i32 = arith.constant 0 : i32
    %c0_i32_0 = arith.constant 0 : i32
    %c0_i32_1 = arith.constant 0 : i32
    return %c0_i32, %c0_i32_0 : i32, i32
  }
}

module attributes {stable_mosaic.version = 14 : i64} {
  func.func @body(%arg0: memref<10000x96xf32, #tpu.memory_space<vmem>>, %arg1: memref<10000x96xf32, #tpu.memory_space<vmem>>, %arg2: memref<10000x1xf32, #tpu.memory_space<vmem>>, %arg3: memref<256x192xf32, #tpu.memory_space<vmem>>, %arg4: memref<1x192xf32, #tpu.memory_space<vmem>>, %arg5: memref<256x192xf32, #tpu.memory_space<vmem>>, %arg6: memref<1x192xf32, #tpu.memory_space<vmem>>, %arg7: memref<256x1xf32, #tpu.memory_space<vmem>>, %arg8: memref<1x1xf32, #tpu.memory_space<vmem>>, %arg9: memref<64x1xf32, #tpu.memory_space<vmem>>) attributes {dimension_semantics = [], scalar_prefetch = 0 : i64, scratch_operands = 0 : i64, tpu.core_type = #tpu.core_type<tc>} {
    %iota3A = tpu.iota {dimensions = array<i32: 1>} : vector<10000x64xi32>
    %convert_element_type3A = arith.sitofp %iota3A : vector<10000x64xi32> to vector<10000x64xf32>
    %get3A = arith.constant 0 : index
    %get3A_0 = arith.constant 0 : index
    %get3A_1 = vector.load %arg2[%get3A, %get3A_0] : memref<10000x1xf32, #tpu.memory_space<vmem>>, vector<10000x1xf32>
    %eq3A = vector.broadcast %get3A_1 : vector<10000x1xf32> to vector<10000x64xf32>
    %eq3A_2 = arith.cmpf oeq, %eq3A, %convert_element_type3A : vector<10000x64xf32>
    %convert_element_type3A_3 = arith.extui %eq3A_2 : vector<10000x64xi1> to vector<10000x64xi32>
    %convert_element_type3A_4 = arith.sitofp %convert_element_type3A_3 : vector<10000x64xi32> to vector<10000x64xf32>
    %broadcast_in_dim3A = arith.constant 0.000000e+00 : f32
    %broadcast_in_dim3A_5 = vector.broadcast %broadcast_in_dim3A : f32 to vector<10000x1xf32>
    %add3A = arith.constant 1.000000e+00 : f32
    %add3A_6 = vector.broadcast %add3A : f32 to vector<10000x1xf32>
    %add3A_7 = arith.addf %broadcast_in_dim3A_5, %add3A_6 : vector<10000x1xf32>
    %dot_general3A = arith.constant dense<0.000000e+00> : vector<64x1xf32>
    %dot_general3A_8 = tpu.matmul %convert_element_type3A_4, %add3A_7, %dot_general3A {dimension_numbers = #tpu.dot_dimension_numbers<[0], [0], [1], [1], [0, 1, 1, 1], [], []>, transpose_lhs_hint = false} : vector<10000x64xf32>, vector<10000x1xf32>, vector<64x1xf32> -> vector<64x1xf32>
    %max3A = arith.constant 1.000000e+00 : f32
    %max3A_9 = vector.broadcast %max3A : f32 to vector<64x1xf32>
    %max3A_10 = arith.maximumf %dot_general3A_8, %max3A_9 : vector<64x1xf32>
    %div3A = arith.constant 1.000000e+00 : f32
    %div3A_11 = vector.broadcast %div3A : f32 to vector<64x1xf32>
    %div3A_12 = arith.divf %div3A_11, %max3A_10 : vector<64x1xf32>
    %get3A_13 = arith.constant 0 : index
    %get3A_14 = arith.constant 0 : index
    %get3A_15 = vector.load %arg0[%get3A_13, %get3A_14] : memref<10000x96xf32, #tpu.memory_space<vmem>>, vector<10000x96xf32>
    %dot_general3A_16 = arith.constant dense<0.000000e+00> : vector<64x96xf32>
    %dot_general3A_17 = tpu.matmul %convert_element_type3A_4, %get3A_15, %dot_general3A_16 {dimension_numbers = #tpu.dot_dimension_numbers<[0], [0], [1], [1], [0, 1, 1, 1], [], []>, transpose_lhs_hint = false} : vector<10000x64xf32>, vector<10000x96xf32>, vector<64x96xf32> -> vector<64x96xf32>
    %mul3A = vector.broadcast %div3A_12 : vector<64x1xf32> to vector<64x96xf32>
    %mul3A_18 = arith.mulf %dot_general3A_17, %mul3A : vector<64x96xf32>
    %get3A_19 = arith.constant 0 : index
    %get3A_20 = arith.constant 0 : index
    %get3A_21 = vector.load %arg1[%get3A_19, %get3A_20] : memref<10000x96xf32, #tpu.memory_space<vmem>>, vector<10000x96xf32>
    %dot_general3A_22 = arith.constant dense<0.000000e+00> : vector<64x96xf32>
    %dot_general3A_23 = tpu.matmul %convert_element_type3A_4, %get3A_21, %dot_general3A_22 {dimension_numbers = #tpu.dot_dimension_numbers<[0], [0], [1], [1], [0, 1, 1, 1], [], []>, transpose_lhs_hint = false} : vector<10000x64xf32>, vector<10000x96xf32>, vector<64x96xf32> -> vector<64x96xf32>
    %mul3A_24 = vector.broadcast %div3A_12 : vector<64x1xf32> to vector<64x96xf32>
    %mul3A_25 = arith.mulf %dot_general3A_23, %mul3A_24 : vector<64x96xf32>
    %broadcast_in_dim3A_26 = arith.constant 0.000000e+00 : f32
    %broadcast_in_dim3A_27 = vector.broadcast %broadcast_in_dim3A_26 : f32 to vector<64x32xf32>
    %broadcast_in_dim3A_28 = arith.constant 0.000000e+00 : f32
    %broadcast_in_dim3A_29 = vector.broadcast %broadcast_in_dim3A_28 : f32 to vector<64x32xf32>
    %concatenate3A = tpu.concatenate %mul3A_18, %broadcast_in_dim3A_27, %mul3A_25, %broadcast_in_dim3A_29 in 1 : vector<64x96xf32>, vector<64x32xf32>, vector<64x96xf32>, vector<64x32xf32> -> vector<64x256xf32>
    %get3A_30 = arith.constant 0 : index
    %get3A_31 = arith.constant 0 : index
    %get3A_32 = vector.load %arg3[%get3A_30, %get3A_31] : memref<256x192xf32, #tpu.memory_space<vmem>>, vector<256x192xf32>
    %dot_general3A_33 = arith.constant dense<0.000000e+00> : vector<64x192xf32>
    %dot_general3A_34 = tpu.matmul %concatenate3A, %get3A_32, %dot_general3A_33 {dimension_numbers = #tpu.dot_dimension_numbers<[1], [0], [0], [1], [0, 0, 1, 1], [], []>, transpose_lhs_hint = false} : vector<64x256xf32>, vector<256x192xf32>, vector<64x192xf32> -> vector<64x192xf32>
    %get3A_35 = arith.constant 0 : index
    %get3A_36 = arith.constant 0 : index
    %get3A_37 = vector.load %arg4[%get3A_35, %get3A_36] : memref<1x192xf32, #tpu.memory_space<vmem>>, vector<1x192xf32>
    %add3A_38 = vector.broadcast %get3A_37 : vector<1x192xf32> to vector<64x192xf32>
    %add3A_39 = arith.addf %dot_general3A_34, %add3A_38 : vector<64x192xf32>
    %max3A_40 = arith.constant 0.000000e+00 : f32
    %max3A_41 = vector.broadcast %max3A_40 : f32 to vector<64x192xf32>
    %max3A_42 = arith.maximumf %add3A_39, %max3A_41 : vector<64x192xf32>
    %broadcast_in_dim3A_43 = arith.constant 0.000000e+00 : f32
    %broadcast_in_dim3A_44 = vector.broadcast %broadcast_in_dim3A_43 : f32 to vector<64x64xf32>
    %concatenate3A_45 = tpu.concatenate %max3A_42, %broadcast_in_dim3A_44 in 1 : vector<64x192xf32>, vector<64x64xf32> -> vector<64x256xf32>
    %get3A_46 = arith.constant 0 : index
    %get3A_47 = arith.constant 0 : index
    %get3A_48 = vector.load %arg5[%get3A_46, %get3A_47] : memref<256x192xf32, #tpu.memory_space<vmem>>, vector<256x192xf32>
    %dot_general3A_49 = arith.constant dense<0.000000e+00> : vector<64x192xf32>
    %dot_general3A_50 = tpu.matmul %concatenate3A_45, %get3A_48, %dot_general3A_49 {dimension_numbers = #tpu.dot_dimension_numbers<[1], [0], [0], [1], [0, 0, 1, 1], [], []>, transpose_lhs_hint = false} : vector<64x256xf32>, vector<256x192xf32>, vector<64x192xf32> -> vector<64x192xf32>
    %get3A_51 = arith.constant 0 : index
    %get3A_52 = arith.constant 0 : index
    %get3A_53 = vector.load %arg6[%get3A_51, %get3A_52] : memref<1x192xf32, #tpu.memory_space<vmem>>, vector<1x192xf32>
    %add3A_54 = vector.broadcast %get3A_53 : vector<1x192xf32> to vector<64x192xf32>
    %add3A_55 = arith.addf %dot_general3A_50, %add3A_54 : vector<64x192xf32>
    %broadcast_in_dim3A_56 = arith.constant 0.000000e+00 : f32
    %broadcast_in_dim3A_57 = vector.broadcast %broadcast_in_dim3A_56 : f32 to vector<64x64xf32>
    %concatenate3A_58 = tpu.concatenate %add3A_55, %broadcast_in_dim3A_57 in 1 : vector<64x192xf32>, vector<64x64xf32> -> vector<64x256xf32>
    %get3A_59 = arith.constant 0 : index
    %get3A_60 = arith.constant 0 : index
    %get3A_61 = vector.load %arg7[%get3A_59, %get3A_60] : memref<256x1xf32, #tpu.memory_space<vmem>>, vector<256x1xf32>
    %dot_general3A_62 = arith.constant dense<0.000000e+00> : vector<64x1xf32>
    %dot_general3A_63 = tpu.matmul %concatenate3A_58, %get3A_61, %dot_general3A_62 {dimension_numbers = #tpu.dot_dimension_numbers<[1], [0], [0], [1], [0, 0, 1, 1], [], []>, transpose_lhs_hint = false} : vector<64x256xf32>, vector<256x1xf32>, vector<64x1xf32> -> vector<64x1xf32>
    %get3A_64 = arith.constant 0 : index
    %get3A_65 = arith.constant 0 : index
    %get3A_66 = vector.load %arg8[%get3A_64, %get3A_65] : memref<1x1xf32, #tpu.memory_space<vmem>>, vector<1x1xf32>
    %add3A_67 = vector.broadcast %get3A_66 : vector<1x1xf32> to vector<64x1xf32>
    %add3A_68 = arith.addf %dot_general3A_63, %add3A_67 : vector<64x1xf32>
    %swap3A = arith.constant 0 : index
    %swap3A_69 = arith.constant 0 : index
    %swap3A_70 = vector.load %arg9[%swap3A, %swap3A_69] : memref<64x1xf32, #tpu.memory_space<vmem>>, vector<64x1xf32>
    tpu.vector_store %arg9[%swap3A, %swap3A_69], %add3A_68 {strides = array<i32>} : memref<64x1xf32, #tpu.memory_space<vmem>>, vector<64x1xf32>,
    return
  }
}

</mosaic_0001>

<sc_bundles>
// kernel: kernel.15.cloned.1.call-start
scs
__scs_entry_jumppad:
0x0: {  	(pc) =	sbr.rel $0x88, $3  }
0x1: {  	(tag) =	ssettag $0x0;
	lr =	simm.s32 $0x1  }
0x2: {  	[smem:$0x3F84] =	sst lr;
	_ =	strace $0xD0000000  }
0x3: {  	_ = 	snop  }
0x4: {  	_ = 	snop  }
0x5: {  	_ = 	snop  }
0x6: {  	_ = 	snop  }
0x7: {  	_ = 	snop  }
__scs_overlays_trampoline_lowered:
0x8: {  	[smem:$0x3F93] =	sst s0  }
0x9: {  	[smem:$0x3F94] =	sst s1  }
0xa: {  	[smem:$0x3F95] =	sst s2  }
0xb: {  	[smem:$0x3F96] =	sst s3  }
0xc: {  	[smem:$0x3F97] =	sst s4  }
0xd: {  	[smem:$0x3F98] =	sst s5  }
0xe: {  	[smem:$0x3F99] =	sst s6  }
0xf: {  	[smem:$0x3F9A] =	sst s7  }
0x10: {  	[smem:$0x3F9B] =	sst s8  }
0x11: {  	[smem:$0x3F9C] =	sst s9;
	s0 =	simm.s32 @!p0 $0x0  }
0x12: {  	s1 =	sld [smem:$0x3F82];
	s0 =	simm.s32 @p0 $0x1  }
0x13: {  	[smem:$0x3F9D] =	sst s0;
	s0 =	simm.s32 @!p1 $0x0  }
0x14: {  	s2 =	sld [smem:$0x3F81];
	s0 =	simm.s32 @p1 $0x1  }
0x15: {  	[smem:$0x3F9E] =	sst s0;
	s0 =	simm.s32 @!p2 $0x0  }
0x16: {  	s3 =	sld [smem:$0x3FDB];
	s0 =	simm.s32 @p2 $0x1  }
0x17: {  	s4 =	simm.s32 $0x1BF5;
	[smem:$0x3FA0] =	sst s0  }
0x18: {  	s0 =	sld [smem:$0x3F83];
	_ =	swait.ge [sflag:s4], $0x0  }
0x19: {  	s7 =	sld [smem:$0x3F84]  }
0x1a: {  	s8 =	sadd.s32 $0xFFFFE003, lr  }
0x1b: {  	s9 =	sadd.s32 $0xFFFFFEF7, lr;
	s5 =	simm.s32 $0xFFFFFFFF;
	p2 =	slt.u32 s8, $0xFFFFF086  }
0x1c: {  	p1 =	slt.u32 s9, $0xF7A;
	s5 =	simm.s32 @!p2 $0x0  }
0x1d: {  	s5 =	simm.s32 @p1 $0x1;
	p0 =	seq.s32 s7, s2  }
0x1e: {  	s7 =	smul.u32 @!p0 $0xF7A, s2;
	p2 =	seq.s32 @!p0 s5, $0x0  }
0x1f: {  	s9 =	smul.u32 $0xF7A, s1;
	s8 =	simm.s32 @!p0 $0x1BF5;
	p2 =	por !p2, p0  }
0x20: {  	[sflag:s8] =	ssyncset.s32 @!p0 $0xFFFFF086;
	s6 =	sadd.s32 @!p0 s3, s7;
	s7 =	simm.s32 @!p0 $0x108  }
0x21: {  	s3 =	sadd.s32 s3, s9;
	s6 =	sadd.s32 @!p0 $0x88, s6;
	s7 =	simm.s32 @p2 $0x1082  }
0x22: {  	[simem:s7], [sflag:s8] =	dma.local @!p0 [hbm:s6], $0xF7A  }
0x23: {  	s9 =	sor.u32 $0xD0000000, s2;
	s6 =	simm.s32 $0x108;
	_ =	swait.ge @!p0 [sflag:s8], $0x0  }
0x24: {  	s3 =	sadd.s32 $0x88, s3;
	s6 =	simm.s32 @!p1 $0x1082;
	[sflag:s4] =	ssyncset.s32 $0xFFFFF086  }
0x25: {  	[simem:s6], [sflag:s4] =	dma.local [hbm:s3], $0xF7A  }
0x26: {  	[smem:$0x3F84] =	sst s1;
	(tag) =	ssettag s2;
	_ =	strace s9  }
0x27: {  	s1 =	sld [smem:$0x3F94]  }
0x28: {  	s2 =	sld [smem:$0x3F95]  }
0x29: {  	s4 =	sld [smem:$0x3F97]  }
0x2a: {  	p0 =	seq.s32 s5, $0x0;
	s5 =	sld [smem:$0x3F98]  }
0x2b: {  	s6 =	sld [smem:$0x3F99]  }
0x2c: {  	s7 =	sld [smem:$0x3F9A]  }
0x2d: {  	s3 =	simm.s32 $0x108;
	s8 =	sld [smem:$0x3F9B]  }
0x2e: {  	s3 =	simm.s32 @!p0 $0x1082;
	s9 =	sld [smem:$0x3F9C]  }
0x2f: {  	lr =	sadd.s32 s0, s3;
	s0 =	sld [smem:$0x3F93]  }
0x30: {  	s3 =	sld [smem:$0x3F96]  }
0x31: {  	[smem:$0x3F9F] =	sst s10  }
0x32: {  	s10 =	sld [smem:$0x3F9D];
	_ =	sdelay $0x3  }
0x33: {  	p0 =	seq.s32 s10, $0x1;
	s10 =	sld [smem:$0x3F9F];
	_ =	sdelay $0x3  }
0x34: {  	[smem:$0x3F9F] =	sst s10  }
0x35: {  	s10 =	sld [smem:$0x3F9E];
	_ =	sdelay $0x3  }
0x36: {  	p1 =	seq.s32 s10, $0x1;
	s10 =	sld [smem:$0x3F9F];
	_ =	sdelay $0x3  }
0x37: {  	[smem:$0x3F9F] =	sst s10  }
0x38: {  	s10 =	sld [smem:$0x3FA0]  }
0x39: {  	_ = 	snop;
	(pc) =	sbr.ind lr, $3  }
0x3a: {  	_ = 	snop  }
0x3b: {  	_ = 	snop  }
0x3c: {  	p2 =	seq.s32 s10, $0x1;
	s10 =	sld [smem:$0x3F9F]  }
0x3d: {  	_ =	shalt  }
0x3e: {  	_ =	shalt  }
0x3f: {  	_ =	shalt  }
0x40: {  	_ =	shalt  }
0x41: {  	_ =	shalt  }
0x42: {  	_ =	shalt  }
0x43: {  	_ =	shalt  }
0x44: {  	_ =	shalt  }
0x45: {  	_ =	shalt  }
0x46: {  	_ =	shalt  }
0x47: {  	_ =	shalt  }
0x48: {  	_ =	shalt  }
0x49: {  	_ =	shalt  }
0x4a: {  	_ =	shalt  }
0x4b: {  	_ =	shalt  }
0x4c: {  	_ =	shalt  }
0x4d: {  	_ =	shalt  }
0x4e: {  	_ =	shalt  }
0x4f: {  	_ =	shalt  }
0x50: {  	_ =	shalt  }
0x51: {  	_ =	shalt  }
0x52: {  	_ =	shalt  }
0x53: {  	_ =	shalt  }
0x54: {  	_ =	shalt  }
0x55: {  	_ =	shalt  }
0x56: {  	_ =	shalt  }
0x57: {  	_ =	shalt  }
0x58: {  	_ =	shalt  }
0x59: {  	_ =	shalt  }
0x5a: {  	_ =	shalt  }
0x5b: {  	_ =	shalt  }
0x5c: {  	_ =	shalt  }
0x5d: {  	_ =	shalt  }
0x5e: {  	_ =	shalt  }
0x5f: {  	_ =	shalt  }
0x60: {  	_ =	shalt  }
0x61: {  	_ =	shalt  }
0x62: {  	_ =	shalt  }
0x63: {  	_ =	shalt  }
0x64: {  	_ =	shalt  }
0x65: {  	_ =	shalt  }
0x66: {  	_ =	shalt  }
0x67: {  	_ =	shalt  }
0x68: {  	_ =	shalt  }
0x69: {  	_ =	shalt  }
0x6a: {  	_ =	shalt  }
0x6b: {  	_ =	shalt  }
0x6c: {  	_ =	shalt  }
0x6d: {  	_ =	shalt  }
0x6e: {  	_ =	shalt  }
0x6f: {  	_ =	shalt  }
0x70: {  	_ =	shalt  }
0x71: {  	_ =	shalt  }
0x72: {  	_ =	shalt  }
0x73: {  	_ =	shalt  }
0x74: {  	_ =	shalt  }
0x75: {  	_ =	shalt  }
0x76: {  	_ =	shalt  }
0x77: {  	_ =	shalt  }
0x78: {  	_ =	shalt  }
0x79: {  	_ =	shalt  }
0x7a: {  	_ =	shalt  }
0x7b: {  	_ =	shalt  }
0x7c: {  	_ =	shalt  }
0x7d: {  	_ =	shalt  }
0x7e: {  	_ =	shalt  }
0x7f: {  	_ =	shalt  }
0x80: {  	_ =	shalt  }
0x81: {  	_ =	shalt  }
0x82: {  	_ =	shalt  }
0x83: {  	_ =	shalt  }
0x84: {  	_ =	shalt  }
0x85: {  	_ =	shalt  }
0x86: {  	_ =	shalt  }
0x87: {  	_ =	shalt  }
.Lfunc_end0:
.L_simem_size_0:
called_computation_lowered:
.L_overlay_start_0:
0x88: {  	s2 =	sld [smem:$0x3FD9]  }
0x89: {  	s3 =	sld [smem:$0x3FFE];
	_ =	sdelay $0x1  }
0x8a: {  	s1 =	srdreg.scid  }
0x8b: {  	s0 =	sand.u32 $0x1, s1  }
0x8c: {  	s16 =	sshll.u32 s0, $0xA;
	s2 =	sadd.s32 s3, s2  }
0x8d: {  	s2 =	sadd.s32 s2, s16  }
0x8e: {  	[smem:$0x3FAB] =	sst s2  }
0x8f: {  	_ = 	snop  }
0x90: {  	(tm) =	ssettm $0x1  }
0x91: {  	s17 =	sld [smem:$0x3FFB];
	_ =	sdelay $0x3  }
0x92: {  	_ =	strace s17  }
0x93: {  	s2 =	sld [smem:$0x3FFC];
	_ =	sdelay $0x3  }
0x94: {  	_ =	strace s2  }
0x95: {  	s2 =	sld [smem:$0x3FFD];
	_ =	sdelay $0x3  }
0x96: {  	_ =	strace s2  }
0x97: {  	_ =	strace $0x8FFFFFFF  }
0x98: {  	s18 =	sld [smem:$0x3FDB];
	_ =	sdelay $0x1  }
0x99: {  	s19 =	simm.s32 $_scs_section_size  }
0x9a: {  	s4 =	simm.s32 $_size__tile_overlayer_lowered;
	s5 =	simm.s32 $_tile_overlayer_lowered  }
0x9b: {  	s22 =	simm.s32 $0x1BFF;
	s21 =	sshll.u32 s5, $0x1;
	s2 =	sadd.s32 s19, s18  }
0x9c: {  	s6 =	simm.s32 $0x0;
	s20 =	sshll.u32 s4, $0x1;
	s4 =	sadd.s32 s21, s2  }
0x9d: {  	[timem:s6], [sflag:s22] =	dma.local [hbm:s4], s20  }
0x9e: {  	_ =	swait.ge [sflag:s22], s20  }
0x9f: {  	s3 =	ssub.s32 $0x0, s20;
	[sflag:s22] =	ssyncset.done $0x0  }
0xa0: {  	[sflag:s22] =	ssyncadd.s32 s3;
	_ =	sdelay $0x1  }
0xa1: {  	s23 =	simm.s32 $0x1B8B  }
0xa2: {  	_ =	swait.ge [sflag:s23], $0x1  }
0xa3: {  	[sflag:s23] =	ssyncset.done $0x0  }
0xa4: {  	s25 =	simm.s32 $0x1B8E;
	s24 =	sld [smem:$0x3FFE];
	[sflag:s23] =	ssyncadd.s32 $0xFFFFFFFF  }
0xa5: {  	s26 =	simm.s32 $execute0_lowered;
	[smem:$0x3FD2] =	sst s25  }
0xa6: {  	s4 =	sshll.u32 s26, $0x1;
	_ =	strace $0x80000046;
	[dreg:$0x1] =	wrdreg $0xFFFFFFFF  }
0xa7: {  	s28 =	simm.s32 $_size_execute0_lowered;
	s2 =	sadd.s32 s2, s4;
	[dreg:$0x0] =	wrdreg $0x0  }
0xa8: {  	s4 =	sshll.u32 s28, $0x1;
	[dreg:$0x2] =	wrdreg s2  }
0xa9: {  	[dreg:$0x3] =	wrdreg s4  }
0xaa: {  	[dreg:$0x4] =	wrdreg $0xC0  }
0xab: {  	_ =	task [dreg:s6], $0x5FFFF  }
0xac: {  	[dreg:$0x1] =	wrdreg $0xFFFFFFFF  }
0xad: {  	[dreg:$0x0] =	wrdreg $0x60  }
0xae: {  	[dreg:$0x2] =	wrdreg s24  }
0xaf: {  	[dreg:$0x3] =	wrdreg $0xB0000  }
0xb0: {  	[dreg:$0x4] =	wrdreg $0x9  }
0xb1: {  	_ =	task.clear_ibuf [dreg:s6], $0x5FFFF;
	_ =	strace $0x90000046  }
0xb2: {  	s29 =	simm.s32 $0x9;
	_ =	strace $0x80000048  }
0xb3: {  	_ =	swait.ge [sflag:s29], $0x1  }
0xb4: {  	[sflag:s29] =	ssyncadd.s32 $0xFFFFFFFF  }
0xb5: {  	_ =	strace $0x90000048  }
0xb6: {  	_ =	sfence  }
0xb7: {  	s30 =	sld [smem:$0x0];
	_ =	sdelay $0x2  }
0xb8: {  	s31 =	sshll.u32 s1, $0xD;
	s1 =	sshrl.u32 s1, $0x2  }
0xb9: {  	s3 =	sand.u32 $0x4000, s31;
	s1 =	sadd.s32 s1, s30  }
0xba: {  	s0 =	sor.u32 s3, s0;
	s1 =	sshll.u32 s1, $0x11  }
0xbb: {  	s0 =	sor.u32 s1, s0  }
0xbc: {  	s0 =	sadd.s32 $0x8F2B, s0  }
0xbd: {  	[sflag:s0] =	ssyncadd.remote.s32 $0x1  }
0xbe: {  	_ =	sfence.sel $0xFFFF  }
0xbf: {  	[dreg:$0x0] =	wrdreg $0xFFFFFFFF;
	(pc) =	sbr.abs _section_cstart, $3  }
0xc0: {  	[dreg:$0x1] =	wrdreg $0xFFFFFFFF  }
0xc1: {  	_ =	task.clear_ibuf [dreg:s6], $0x2FFFF;
	_ =	strace $0x9FFFFFFF  }
0xc2: {  	(tm) =	ssettm $0x7FFFFFFF  }
0xc3: {  	_ =	shalt  }
tec
execute0_lowered:
.L_overlay_start_1:
0x0: {  	(tag) =	ssettag $0x1  }
0x1: {  	s0 =	rddreg [dreg:$0x0]  }
0x2: {  	s2 =	rddreg [dreg:$0x1];
	s14 =	stileid.u32;
	s3 =	simm.s32 $0x0  }
0x3: {  	s4 =	srdreg.scid;
	s18 =	simm.s32 $0xA;
	s19 =	simm.s32 $0x4E80  }
0x4: {  	s20 =	simm.s32 $0x80;
	s28 =	simm.s32 $0x2;
	s29 =	simm.s32 $0x4  }
0x5: {  	s30 =	simm.s32 $0x9;
	s31 =	simm.s32 $0x3;
	s1 =	smul.u32 $0x9D0, s14  }
0x6: {  	[smem:$0x7FF] =	sst s3;
	s4 =	sand.u32 $0x1, s4;
	s7 =	smul.u32 $0xA000, s14  }
0x7: {  	s10 =	sadd.s32 $0x2DA00, s0;
	s5 =	sadd.s32 $0x1A000, s0;
	s6 =	sadd.s32 $0x6600, s0  }
0x8: {  	s13 =	smul.u32 $0x4E80, s14;
	s15 =	sadd.s32 $0x41600, s0;
	s21 =	sshll.u32 s14, $0x6  }
0x9: {  	_ =	strace $0x80000047;
	s8 =	smul.u32 $0xA0000, s4;
	s11 =	ssub.s32 $0x2, s4  }
0xa: {  	[dreg:$0x3] =	wrdreg s15;
	p0 =	seq.s32 s4, $0x0;
	s15 =	smov.u32 s6  }
0xb: {  	s9 =	sadd.s32 s1, s0;
	s12 =	sshrl.u32 s11, $0x1;
	s22 =	sshrl.u32 s13, $0x3  }
0xc: {  	s1 =	sadd.s32 s10, s1;
	s15 =	smov.u32 @p0 s5;
	s8 =	sadd.s32 s7, s8  }
0xd: {  	s11 =	ssub.s32 s11, s12;
	s7 =	sadd.s32 s7, s2;
	s9 =	sadd.s32 $0x37800, s9  }
0xe: {  	s23 =	sadd.s32 s10, s22;
	[dreg:$0x5] =	wrdreg s1;
	s26 =	sadd.s32 $0x40, s1  }
0xf: {  	s22 =	simm.s32 $0x4F00;
	s1 =	simm.s32 $0x9000;
	s8 =	sshrl.u32 s8, $0x3  }
0x10: {  	[dreg:$0x4] =	wrdreg s9;
	s24 =	sadd.s32 $0x10, s23;
	s12 =	sadd.s32 $0x20, s23  }
0x11: {  	s25 =	smax.u32 s11, $0x1;
	[dreg:$0x9] =	wrdreg s26;
	s17 =	sshrl.u32 s7, $0x3  }
.Ltmp0:
0x12: {  	s23 =	simm.s32 $0x7000;
	s26 =	simm.s32 $0x8;
	(pc) =	sbr.rel .LBB2_1-.Ltmp0, $4  }
0x13: {  	s7 =	simm.s32 $0x5;
	s11 =	simm.s32 $0x0;
	[dreg:$0x6] =	wrdreg s24  }
0x14: {  	s0 =	sadd.s32 s8, s0;
	s8 =	sor.u32 $0x1C0A, s21;
	[dreg:$0x8] =	wrdreg s25  }
0x15: {  	s21 =	simm.s32 $0x5000;
	s24 =	simm.s32 $0x7;
	s0 =	sadd.s32 $0x42A00, s0  }
0x16: {  	s25 =	simm.s32 $0x1;
	[dreg:$0x7] =	wrdreg s0;
	s0 =	simm.s32 $0x4F80  }
.LBB2_4:
0x17: {  	s9 =	simm.s32 $0x6  }
0x18: {  	_ =	swait.ge [sflag:s9], $0x2000  }
0x19: {  	[sflag:s9] =	ssyncset.done $0x0  }
0x1a: {  	[sflag:s9] =	ssyncadd.s32 $0xFFFFE000  }
0x1b: {  	_ =	swait.ge [sflag:s24], $0x80  }
0x1c: {  	[sflag:s24] =	ssyncset.done $0x0  }
0x1d: {  	[sflag:s24] =	ssyncadd.s32 $0xFFFFFF80  }
0x1e: {  	_ =	swait.ge [sflag:s25], $0x2000  }
0x1f: {  	[sflag:s25] =	ssyncset.done $0x0  }
0x20: {  	[sflag:s25] =	ssyncadd.s32 $0xFFFFE000  }
0x21: {  	[spmem:s2] =	stream.indirect.scatter.add.f32 [tilespmem:s21], [sflag:$0xA], $0x40, s19, s20, $0xb8;
	[tilespmem:$0x15000] =	vst v63  }
0x22: {  	_ =	swait.ge [sflag:s18], $0x2000  }
0x23: {  	[sflag:s18] =	ssyncset.done $0x0  }
0x24: {  	[sflag:s18] =	ssyncadd.s32 $0xFFFFE000  }
0x25: {  	[bflag:$0x0] =	sbarrier.arrive $0xFFFF  }
0x26: {  	s14 =	rddreg [dreg:$0x7]  }
0x27: {  	[hbm:s14], [sflag:s8] =	dma.local [spmem:s17], $0x1400  }
0x28: {  	_ =	swait.ge [sflag:s18], $0x1400  }
0x29: {  	s11 =	sadd.s32 $0x1, s11;
	s16 =	rddreg [dreg:$0x8]  }
0x2a: {  	p0 =	sne.s32 s11, s16  }
.Ltmp1:
0x2b: {  	_ = 	snop;
	(pc) =	sbr.rel @!p0 .LBB2_5-.Ltmp1, $3  }
0x2c: {  	_ =	sdelay $0x1  }
0x2d: {  	[sflag:s18] =	ssyncset.done $0x0  }
0x2e: {  	[sflag:s18] =	ssyncadd.s32 $0xFFFFEC00  }
.LBB2_1:
0x2f: {  	s9 =	rddreg [dreg:$0x3]  }
0x30: {  	[spmem:s17], [sflag:s8] =	dma.local [hbm:s9], $0x1400  }
0x31: {  	_ =	swait.ge [sflag:s18], $0x1400  }
0x32: {  	[sflag:s18] =	ssyncset.done $0x0  }
0x33: {  	s13 =	rddreg [dreg:$0x4];
	[sflag:s18] =	ssyncadd.s32 $0xFFFFEC00  }
0x34: {  	[tilespmem:s3], [sflag:$0xA] =	stream.linear.gather [hbm4b:s13+s3], $0x4E80, $0x38;
	[tilespmem:$0x15000] =	vst v63  }
0x35: {  	_ =	swait.ge [sflag:s18], $0x4E80  }
0x36: {  	[sflag:s18] =	ssyncset.done $0x0  }
0x37: {  	[sflag:s18] =	ssyncadd.s32 $0xFFFFB180  }
0x38: {  	[bflag:$0x0] =	sbarrier.arrive $0xFFFF  }
0x39: {  	s14 =	rddreg [dreg:$0x5]  }
0x3a: {  	[tilespmem:s19], [sflag:$0x7] =	stream.linear.gather [hbm4b:s14+s3], $0x80, $0x38;
	[tilespmem:$0x15000] =	vst v63  }
0x3b: {  	_ = 	snop  }
0x3c: {  	[tilespmem:s21], [sflag:$0x1] =	stream.indirect.gather [hbm4b:s15+s20], $0x40, s3, s20, $0xb8;
	[tilespmem:$0x15000] =	vst v63  }
0x3d: {  	s16 =	rddreg [dreg:$0x6]  }
0x3e: {  	[tilespmem:s22], [sflag:$0x8] =	stream.linear.gather [hbm4b:s16+s3], $0x80, $0x38;
	[tilespmem:$0x15000] =	vst v63  }
0x3f: {  	s10 =	simm.s32 $0x0;
	s16 =	rddreg [dreg:$0x9]  }
0x40: {  	[tilespmem:s23], [sflag:$0x2] =	stream.indirect.gather [hbm4b:s15+s20], $0x40, s20, s20, $0xb8;
	[tilespmem:$0x15000] =	vst v63  }
.LBB2_2:
0x41: {  	_ =	swait.ge [sflag:s24], $0x80  }
0x42: {  	[sflag:s24] =	ssyncset.done $0x0  }
0x43: {  	[sflag:s24] =	ssyncadd.s32 $0xFFFFFF80  }
0x44: {  	_ =	swait.ge [sflag:s25], $0x2000  }
0x45: {  	p0 =	seq.s32 s10, $0x0;
	[sflag:s25] =	ssyncset.done $0x0  }
0x46: {  	p1 =	sne.s32 @p0 s4, $0x0;
	s14 =	simm.s32 @p0 $0x0;
	[sflag:s25] =	ssyncadd.s32 $0xFFFFE000  }
0x47: {  	[spmem:s2] =	stream.indirect.scatter.add.f32 [tilespmem:s21], [sflag:$0x4], $0x40, s19, s20, $0xb8;
	[tilespmem:$0x15000] =	vst v63  }
0x48: {  	s13 =	simm.s32 @p0 $0x4F80;
	p2 =	por !p1, !p0;
	p1 =	por p1, !p0  }
0x49: {  	[tilespmem:s13], [sflag:$0x9] =	stream.linear.gather @p0 [hbm4b:s12+s14], $0x80, $0x38;
	[tilespmem:$0x15000] =	vst v63  }
0x4a: {  	s9 =	simm.s32 @!p2 $0x9000;
	s13 =	simm.s32 @!p2 $0x80;
	s14 =	simm.s32 @!p2 $0x100  }
0x4b: {  	[tilespmem:s9], [sflag:$0x3] =	stream.indirect.gather @!p2 [hbm4b:s6+s13], $0x40, s14, s13, $0xb8;
	[tilespmem:$0x15000] =	vst v63  }
0x4c: {  	s9 =	simm.s32 @!p1 $0x80;
	s13 =	simm.s32 @!p1 $0x100;
	s14 =	simm.s32 @!p1 $0x9000  }
0x4d: {  	[tilespmem:s14], [sflag:$0x3] =	stream.indirect.gather @!p1 [hbm4b:s5+s9], $0x40, s13, s9, $0xb8;
	[tilespmem:$0x15000] =	vst v63  }
0x4e: {  	s9 =	simm.s32 @!p0 $0x6  }
0x4f: {  	p1 =	sne.s32 @!p0 s4, $0x0;
	_ =	swait.ge @!p0 [sflag:s9], $0x2000  }
0x50: {  	s13 =	simm.s32 @!p0 $0x0;
	s14 =	simm.s32 @!p0 $0x4F80;
	[sflag:s9] =	ssyncset.done @!p0 $0x0  }
0x51: {  	p2 =	por !p1, p0;
	[sflag:s9] =	ssyncadd.s32 @!p0 $0xFFFFE000;
	s9 =	sadd.s32 @!p0 $0xFFFFFFE0, s16  }
0x52: {  	[tilespmem:s14], [sflag:$0x9] =	stream.linear.gather @!p0 [hbm4b:s9+s13], $0x80, $0x38;
	[tilespmem:$0x15000] =	vst v63  }
0x53: {  	s9 =	sshra.s32 @!p0 s10, $0x2;
	s13 =	simm.s32 @!p2 $0x80  }
0x54: {  	s14 =	simm.s32 @!p2 $0x9000;
	s9 =	sadd.s32 @!p0 $0x100, s9;
	p0 =	por p1, p0  }
0x55: {  	[tilespmem:s14], [sflag:$0x3] =	stream.indirect.gather @!p2 [hbm4b:s6+s13], $0x40, s9, s13, $0xb8;
	[tilespmem:$0x15000] =	vst v63  }
0x56: {  	s13 =	simm.s32 @!p0 $0x80;
	s14 =	simm.s32 @!p0 $0x9000  }
0x57: {  	[tilespmem:s14], [sflag:$0x3] =	stream.indirect.gather @!p0 [hbm4b:s5+s13], $0x40, s9, s13, $0xb8;
	[tilespmem:$0x15000] =	vst v63  }
0x58: {  	_ =	swait.ge [sflag:s26], $0x80  }
0x59: {  	[sflag:s26] =	ssyncset.done $0x0  }
0x5a: {  	[sflag:s26] =	ssyncadd.s32 $0xFFFFFF80  }
0x5b: {  	_ =	swait.ge [sflag:s28], $0x2000  }
0x5c: {  	[sflag:s28] =	ssyncset.done $0x0  }
0x5d: {  	[sflag:s28] =	ssyncadd.s32 $0xFFFFE000  }
0x5e: {  	[spmem:s2] =	stream.indirect.scatter.add.f32 [tilespmem:s23], [sflag:$0x5], $0x40, s22, s20, $0xb8;
	[tilespmem:$0x15000] =	vst v63  }
0x5f: {  	_ =	swait.ge [sflag:s29], $0x2000  }
0x60: {  	[sflag:s29] =	ssyncset.done $0x0  }
0x61: {  	s14 =	sadd.s32 $0xFFFFFFF0, s16;
	[sflag:s29] =	ssyncadd.s32 $0xFFFFE000  }
0x62: {  	[tilespmem:s19], [sflag:$0x7] =	stream.linear.gather [hbm4b:s14+s3], $0x80, $0x38;
	[tilespmem:$0x15000] =	vst v63  }
0x63: {  	s14 =	sshra.s32 s10, $0x2  }
0x64: {  	s13 =	sadd.s32 $0x180, s14  }
0x65: {  	[tilespmem:s21], [sflag:$0x1] =	stream.indirect.gather [hbm4b:s15+s20], $0x40, s13, s20, $0xb8;
	[tilespmem:$0x15000] =	vst v63  }
0x66: {  	_ =	swait.ge [sflag:s30], $0x80  }
0x67: {  	[sflag:s30] =	ssyncset.done $0x0  }
0x68: {  	[sflag:s30] =	ssyncadd.s32 $0xFFFFFF80  }
0x69: {  	_ =	swait.ge [sflag:s31], $0x2000  }
0x6a: {  	p0 =	seq.s32 s10, $0x13200;
	[sflag:s31] =	ssyncset.done $0x0  }
.Ltmp2:
0x6b: {  	[sflag:s31] =	ssyncadd.s32 $0xFFFFE000;
	(pc) =	sbr.rel @p0 .LBB2_4-.Ltmp2, $4  }
0x6c: {  	[spmem:s2] =	stream.indirect.scatter.add.f32 [tilespmem:s1], [sflag:$0x6], $0x40, s0, s20, $0xb8;
	[tilespmem:$0x15000] =	vst v63  }
0x6d: {  	_ =	swait.ge [sflag:s7], $0x2000  }
0x6e: {  	[sflag:s7] =	ssyncset.done $0x0  }
0x6f: {  	[sflag:s7] =	ssyncadd.s32 $0xFFFFE000  }
.Ltmp3:
0x70: {  	(pc) =	sbr.rel .LBB2_2-.Ltmp3, $4  }
0x71: {  	_ = 	snop  }
0x72: {  	[tilespmem:s22], [sflag:$0x8] =	stream.linear.gather [hbm4b:s16+s3], $0x80, $0x38;
	[tilespmem:$0x15000] =	vst v63  }
0x73: {  	s9 =	sadd.s32 $0x200, s14;
	s10 =	sadd.s32 $0x600, s10;
	s16 =	sadd.s32 $0x30, s16  }
0x74: {  	[tilespmem:s23], [sflag:$0x2] =	stream.indirect.gather [hbm4b:s15+s20], $0x40, s9, s20, $0xb8;
	[tilespmem:$0x15000] =	vst v63  }
.LBB2_5:
0x75: {  	_ =	sfence.sel $0x180000  }
0x76: {  	[bflag:$0x0] =	sbarrier.arrive $0xFFFF  }
0x77: {  	_ =	strace $0x90000047  }
0x78: {  	s0 =	stileid.u32;
	[bflag:$0x2] =	sbarrier.arrive $0xFFFF  }
0x79: {  	p0 =	sne.s32 s0, $0x0;
	s0 =	rddreg [dreg:$0x2]  }
0x7a: {  	s0 =	sadd.s32 @!p0 $0x100000, s0  }
0x7b: {  	[sflag:s0] =	ssyncadd.tile.s32 @!p0 $0x1;
	_ =	shalt  }
.Lfunc_end2:
_tile_overlayer_lowered:
.L_overlay_start_2:
0x7c: {  	(tag) =	ssettag $0x2  }
0x7d: {  	s0 =	rddreg [dreg:$0x0];
	s2 =	stileid.u32  }
0x7e: {  	s1 =	rddreg [dreg:$0x1];
	p0 =	sne.s32 s2, $0x0  }
0x7f: {  	s3 =	rddreg [dreg:$0x2];
	[bflag:$0x3] =	sbarrier.arrive $0xFFFF;
	s2 =	simm.s32 @!p0 $0x1C0A  }
0x80: {  	[timem:s3], [sflag:s2] =	dma.local @!p0 [hbm:s0], s1  }
0x81: {  	s0 =	simm.s32 @!p0 $0xA  }
0x82: {  	_ =	swait.ge @!p0 [sflag:s0], s1  }
0x83: {  	s1 =	ssub.s32 @!p0 $0x0, s1;
	[sflag:s0] =	ssyncset.done @!p0 $0x0  }
0x84: {  	[sflag:s0] =	ssyncadd.s32 @!p0 s1  }
0x85: {  	[bflag:$0x3] =	sbarrier.arrive $0xFFFF  }
0x86: {  	_ =	shalt  }

// kernel: kernel.18.cloned.1.call-start
scs
__scs_entry_jumppad:
0x0: {  	(pc) =	sbr.rel $0x88, $3  }
0x1: {  	(tag) =	ssettag $0x0;
	lr =	simm.s32 $0x1  }
0x2: {  	[smem:$0x3F84] =	sst lr;
	_ =	strace $0xD0000000  }
0x3: {  	_ = 	snop  }
0x4: {  	_ = 	snop  }
0x5: {  	_ = 	snop  }
0x6: {  	_ = 	snop  }
0x7: {  	_ = 	snop  }
__scs_overlays_trampoline_lowered:
0x8: {  	[smem:$0x3F93] =	sst s0  }
0x9: {  	[smem:$0x3F94] =	sst s1  }
0xa: {  	[smem:$0x3F95] =	sst s2  }
0xb: {  	[smem:$0x3F96] =	sst s3  }
0xc: {  	[smem:$0x3F97] =	sst s4  }
0xd: {  	[smem:$0x3F98] =	sst s5  }
0xe: {  	[smem:$0x3F99] =	sst s6  }
0xf: {  	[smem:$0x3F9A] =	sst s7  }
0x10: {  	[smem:$0x3F9B] =	sst s8  }
0x11: {  	[smem:$0x3F9C] =	sst s9;
	s0 =	simm.s32 @!p0 $0x0  }
0x12: {  	s1 =	sld [smem:$0x3F82];
	s0 =	simm.s32 @p0 $0x1  }
0x13: {  	[smem:$0x3F9D] =	sst s0;
	s0 =	simm.s32 @!p1 $0x0  }
0x14: {  	s2 =	sld [smem:$0x3F81];
	s0 =	simm.s32 @p1 $0x1  }
0x15: {  	[smem:$0x3F9E] =	sst s0;
	s0 =	simm.s32 @!p2 $0x0  }
0x16: {  	s3 =	sld [smem:$0x3FDB];
	s0 =	simm.s32 @p2 $0x1  }
0x17: {  	s4 =	simm.s32 $0x1BF5;
	[smem:$0x3FA0] =	sst s0  }
0x18: {  	s0 =	sld [smem:$0x3F83];
	_ =	swait.ge [sflag:s4], $0x0  }
0x19: {  	s7 =	sld [smem:$0x3F84]  }
0x1a: {  	s8 =	sadd.s32 $0xFFFFE003, lr  }
0x1b: {  	s9 =	sadd.s32 $0xFFFFFEF7, lr;
	s5 =	simm.s32 $0xFFFFFFFF;
	p2 =	slt.u32 s8, $0xFFFFF086  }
0x1c: {  	p1 =	slt.u32 s9, $0xF7A;
	s5 =	simm.s32 @!p2 $0x0  }
0x1d: {  	s5 =	simm.s32 @p1 $0x1;
	p0 =	seq.s32 s7, s2  }
0x1e: {  	s7 =	smul.u32 @!p0 $0xF7A, s2;
	p2 =	seq.s32 @!p0 s5, $0x0  }
0x1f: {  	s9 =	smul.u32 $0xF7A, s1;
	s8 =	simm.s32 @!p0 $0x1BF5;
	p2 =	por !p2, p0  }
0x20: {  	[sflag:s8] =	ssyncset.s32 @!p0 $0xFFFFF086;
	s6 =	sadd.s32 @!p0 s3, s7;
	s7 =	simm.s32 @!p0 $0x108  }
0x21: {  	s3 =	sadd.s32 s3, s9;
	s6 =	sadd.s32 @!p0 $0x88, s6;
	s7 =	simm.s32 @p2 $0x1082  }
0x22: {  	[simem:s7], [sflag:s8] =	dma.local @!p0 [hbm:s6], $0xF7A  }
0x23: {  	s9 =	sor.u32 $0xD0000000, s2;
	s6 =	simm.s32 $0x108;
	_ =	swait.ge @!p0 [sflag:s8], $0x0  }
0x24: {  	s3 =	sadd.s32 $0x88, s3;
	s6 =	simm.s32 @!p1 $0x1082;
	[sflag:s4] =	ssyncset.s32 $0xFFFFF086  }
0x25: {  	[simem:s6], [sflag:s4] =	dma.local [hbm:s3], $0xF7A  }
0x26: {  	[smem:$0x3F84] =	sst s1;
	(tag) =	ssettag s2;
	_ =	strace s9  }
0x27: {  	s1 =	sld [smem:$0x3F94]  }
0x28: {  	s2 =	sld [smem:$0x3F95]  }
0x29: {  	s4 =	sld [smem:$0x3F97]  }
0x2a: {  	p0 =	seq.s32 s5, $0x0;
	s5 =	sld [smem:$0x3F98]  }
0x2b: {  	s6 =	sld [smem:$0x3F99]  }
0x2c: {  	s7 =	sld [smem:$0x3F9A]  }
0x2d: {  	s3 =	simm.s32 $0x108;
	s8 =	sld [smem:$0x3F9B]  }
0x2e: {  	s3 =	simm.s32 @!p0 $0x1082;
	s9 =	sld [smem:$0x3F9C]  }
0x2f: {  	lr =	sadd.s32 s0, s3;
	s0 =	sld [smem:$0x3F93]  }
0x30: {  	s3 =	sld [smem:$0x3F96]  }
0x31: {  	[smem:$0x3F9F] =	sst s10  }
0x32: {  	s10 =	sld [smem:$0x3F9D];
	_ =	sdelay $0x3  }
0x33: {  	p0 =	seq.s32 s10, $0x1;
	s10 =	sld [smem:$0x3F9F];
	_ =	sdelay $0x3  }
0x34: {  	[smem:$0x3F9F] =	sst s10  }
0x35: {  	s10 =	sld [smem:$0x3F9E];
	_ =	sdelay $0x3  }
0x36: {  	p1 =	seq.s32 s10, $0x1;
	s10 =	sld [smem:$0x3F9F];
	_ =	sdelay $0x3  }
0x37: {  	[smem:$0x3F9F] =	sst s10  }
0x38: {  	s10 =	sld [smem:$0x3FA0]  }
0x39: {  	_ = 	snop;
	(pc) =	sbr.ind lr, $3  }
0x3a: {  	_ = 	snop  }
0x3b: {  	_ = 	snop  }
0x3c: {  	p2 =	seq.s32 s10, $0x1;
	s10 =	sld [smem:$0x3F9F]  }
0x3d: {  	_ =	shalt  }
0x3e: {  	_ =	shalt  }
0x3f: {  	_ =	shalt  }
0x40: {  	_ =	shalt  }
0x41: {  	_ =	shalt  }
0x42: {  	_ =	shalt  }
0x43: {  	_ =	shalt  }
0x44: {  	_ =	shalt  }
0x45: {  	_ =	shalt  }
0x46: {  	_ =	shalt  }
0x47: {  	_ =	shalt  }
0x48: {  	_ =	shalt  }
0x49: {  	_ =	shalt  }
0x4a: {  	_ =	shalt  }
0x4b: {  	_ =	shalt  }
0x4c: {  	_ =	shalt  }
0x4d: {  	_ =	shalt  }
0x4e: {  	_ =	shalt  }
0x4f: {  	_ =	shalt  }
0x50: {  	_ =	shalt  }
0x51: {  	_ =	shalt  }
0x52: {  	_ =	shalt  }
0x53: {  	_ =	shalt  }
0x54: {  	_ =	shalt  }
0x55: {  	_ =	shalt  }
0x56: {  	_ =	shalt  }
0x57: {  	_ =	shalt  }
0x58: {  	_ =	shalt  }
0x59: {  	_ =	shalt  }
0x5a: {  	_ =	shalt  }
0x5b: {  	_ =	shalt  }
0x5c: {  	_ =	shalt  }
0x5d: {  	_ =	shalt  }
0x5e: {  	_ =	shalt  }
0x5f: {  	_ =	shalt  }
0x60: {  	_ =	shalt  }
0x61: {  	_ =	shalt  }
0x62: {  	_ =	shalt  }
0x63: {  	_ =	shalt  }
0x64: {  	_ =	shalt  }
0x65: {  	_ =	shalt  }
0x66: {  	_ =	shalt  }
0x67: {  	_ =	shalt  }
0x68: {  	_ =	shalt  }
0x69: {  	_ =	shalt  }
0x6a: {  	_ =	shalt  }
0x6b: {  	_ =	shalt  }
0x6c: {  	_ =	shalt  }
0x6d: {  	_ =	shalt  }
0x6e: {  	_ =	shalt  }
0x6f: {  	_ =	shalt  }
0x70: {  	_ =	shalt  }
0x71: {  	_ =	shalt  }
0x72: {  	_ =	shalt  }
0x73: {  	_ =	shalt  }
0x74: {  	_ =	shalt  }
0x75: {  	_ =	shalt  }
0x76: {  	_ =	shalt  }
0x77: {  	_ =	shalt  }
0x78: {  	_ =	shalt  }
0x79: {  	_ =	shalt  }
0x7a: {  	_ =	shalt  }
0x7b: {  	_ =	shalt  }
0x7c: {  	_ =	shalt  }
0x7d: {  	_ =	shalt  }
0x7e: {  	_ =	shalt  }
0x7f: {  	_ =	shalt  }
0x80: {  	_ =	shalt  }
0x81: {  	_ =	shalt  }
0x82: {  	_ =	shalt  }
0x83: {  	_ =	shalt  }
0x84: {  	_ =	shalt  }
0x85: {  	_ =	shalt  }
0x86: {  	_ =	shalt  }
0x87: {  	_ =	shalt  }
.Lfunc_end0:
.L_simem_size_0:
called_computation.1_lowered:
.L_overlay_start_0:
0x88: {  	s2 =	sld [smem:$0x3FD9]  }
0x89: {  	s3 =	sld [smem:$0x3FFE];
	_ =	sdelay $0x1  }
0x8a: {  	s1 =	srdreg.scid  }
0x8b: {  	s0 =	sand.u32 $0x1, s1  }
0x8c: {  	s16 =	sshll.u32 s0, $0xA;
	s2 =	sadd.s32 s3, s2  }
0x8d: {  	s2 =	sadd.s32 s2, s16  }
0x8e: {  	[smem:$0x3FAB] =	sst s2  }
0x8f: {  	_ = 	snop  }
0x90: {  	(tm) =	ssettm $0x1  }
0x91: {  	s17 =	sld [smem:$0x3FFB];
	_ =	sdelay $0x3  }
0x92: {  	_ =	strace s17  }
0x93: {  	s2 =	sld [smem:$0x3FFC];
	_ =	sdelay $0x3  }
0x94: {  	_ =	strace s2  }
0x95: {  	s2 =	sld [smem:$0x3FFD];
	_ =	sdelay $0x3  }
0x96: {  	_ =	strace s2  }
0x97: {  	_ =	strace $0x8FFFFFFF  }
0x98: {  	s18 =	sld [smem:$0x3FDB];
	_ =	sdelay $0x1  }
0x99: {  	s19 =	simm.s32 $_scs_section_size  }
0x9a: {  	s4 =	simm.s32 $_size__tile_overlayer_lowered;
	s5 =	simm.s32 $_tile_overlayer_lowered  }
0x9b: {  	s22 =	simm.s32 $0x1BFF;
	s21 =	sshll.u32 s5, $0x1;
	s2 =	sadd.s32 s19, s18  }
0x9c: {  	s6 =	simm.s32 $0x0;
	s20 =	sshll.u32 s4, $0x1;
	s4 =	sadd.s32 s21, s2  }
0x9d: {  	[timem:s6], [sflag:s22] =	dma.local [hbm:s4], s20  }
0x9e: {  	_ =	swait.ge [sflag:s22], s20  }
0x9f: {  	s3 =	ssub.s32 $0x0, s20;
	[sflag:s22] =	ssyncset.done $0x0  }
0xa0: {  	[sflag:s22] =	ssyncadd.s32 s3;
	_ =	sdelay $0x1  }
0xa1: {  	s23 =	simm.s32 $0x1B8B  }
0xa2: {  	_ =	swait.ge [sflag:s23], $0x1  }
0xa3: {  	[sflag:s23] =	ssyncset.done $0x0  }
0xa4: {  	s25 =	simm.s32 $0x1B8E;
	s24 =	sld [smem:$0x3FFE];
	[sflag:s23] =	ssyncadd.s32 $0xFFFFFFFF  }
0xa5: {  	s26 =	simm.s32 $execute0_lowered;
	[smem:$0x3FD2] =	sst s25  }
0xa6: {  	s4 =	sshll.u32 s26, $0x1;
	_ =	strace $0x80000049;
	[dreg:$0x1] =	wrdreg $0xFFFFFFFF  }
0xa7: {  	s28 =	simm.s32 $_size_execute0_lowered;
	s2 =	sadd.s32 s2, s4;
	[dreg:$0x0] =	wrdreg $0x0  }
0xa8: {  	s4 =	sshll.u32 s28, $0x1;
	[dreg:$0x2] =	wrdreg s2  }
0xa9: {  	[dreg:$0x3] =	wrdreg s4  }
0xaa: {  	[dreg:$0x4] =	wrdreg $0xC0  }
0xab: {  	_ =	task [dreg:s6], $0x5FFFF  }
0xac: {  	[dreg:$0x1] =	wrdreg $0xFFFFFFFF  }
0xad: {  	[dreg:$0x0] =	wrdreg $0x60  }
0xae: {  	[dreg:$0x2] =	wrdreg s24  }
0xaf: {  	[dreg:$0x3] =	wrdreg $0xE0000  }
0xb0: {  	[dreg:$0x4] =	wrdreg $0x9  }
0xb1: {  	_ =	task.clear_ibuf [dreg:s6], $0x5FFFF;
	_ =	strace $0x90000049  }
0xb2: {  	s29 =	simm.s32 $0x9;
	_ =	strace $0x8000004B  }
0xb3: {  	_ =	swait.ge [sflag:s29], $0x1  }
0xb4: {  	[sflag:s29] =	ssyncadd.s32 $0xFFFFFFFF  }
0xb5: {  	_ =	strace $0x9000004B  }
0xb6: {  	_ =	sfence  }
0xb7: {  	s30 =	sld [smem:$0x0];
	_ =	sdelay $0x2  }
0xb8: {  	s31 =	sshll.u32 s1, $0xD;
	s1 =	sshrl.u32 s1, $0x2  }
0xb9: {  	s3 =	sand.u32 $0x4000, s31;
	s1 =	sadd.s32 s1, s30  }
0xba: {  	s0 =	sor.u32 s3, s0;
	s1 =	sshll.u32 s1, $0x11  }
0xbb: {  	s0 =	sor.u32 s1, s0  }
0xbc: {  	s0 =	sadd.s32 $0x8F2B, s0  }
0xbd: {  	[sflag:s0] =	ssyncadd.remote.s32 $0x1  }
0xbe: {  	_ =	sfence.sel $0xFFFF  }
0xbf: {  	[dreg:$0x0] =	wrdreg $0xFFFFFFFF;
	(pc) =	sbr.abs _section_cstart, $3  }
0xc0: {  	[dreg:$0x1] =	wrdreg $0xFFFFFFFF  }
0xc1: {  	_ =	task.clear_ibuf [dreg:s6], $0x2FFFF;
	_ =	strace $0x9FFFFFFF  }
0xc2: {  	(tm) =	ssettm $0x7FFFFFFF  }
0xc3: {  	_ =	shalt  }
tec
execute0_lowered:
.L_overlay_start_1:
0x0: {  	(tag) =	ssettag $0x1  }
0x1: {  	s0 =	rddreg [dreg:$0x0]  }
0x2: {  	s2 =	rddreg [dreg:$0x1];
	s14 =	stileid.u32;
	s3 =	simm.s32 $0x0  }
0x3: {  	s4 =	srdreg.scid;
	s18 =	simm.s32 $0xA;
	s19 =	simm.s32 $0x4E80  }
0x4: {  	s20 =	simm.s32 $0x80;
	s28 =	simm.s32 $0x2;
	s29 =	simm.s32 $0x4  }
0x5: {  	s30 =	simm.s32 $0x9;
	s31 =	simm.s32 $0x3;
	s1 =	smul.u32 $0x9D0, s14  }
0x6: {  	[smem:$0x7FF] =	sst s3;
	s4 =	sand.u32 $0x1, s4;
	s7 =	smul.u32 $0xF000, s14  }
0x7: {  	s10 =	sadd.s32 $0x2DA00, s0;
	s5 =	sadd.s32 $0x41600, s0;
	s6 =	sadd.s32 $0x6600, s0  }
0x8: {  	s13 =	smul.u32 $0x4E80, s14;
	s15 =	sadd.s32 $0x23C00, s0;
	s21 =	sshll.u32 s14, $0x6  }
0x9: {  	_ =	strace $0x8000004A;
	s8 =	smul.u32 $0xF0000, s4;
	s11 =	ssub.s32 $0x2, s4  }
0xa: {  	[dreg:$0x3] =	wrdreg s15;
	p0 =	seq.s32 s4, $0x0;
	s15 =	smov.u32 s6  }
0xb: {  	s9 =	sadd.s32 s1, s0;
	s12 =	sshrl.u32 s11, $0x1;
	s22 =	sshrl.u32 s13, $0x3  }
0xc: {  	s1 =	sadd.s32 s10, s1;
	s15 =	smov.u32 @p0 s5;
	s8 =	sadd.s32 s7, s8  }
0xd: {  	s11 =	ssub.s32 s11, s12;
	s7 =	sadd.s32 s7, s2;
	s9 =	sadd.s32 $0x37800, s9  }
0xe: {  	s23 =	sadd.s32 s10, s22;
	[dreg:$0x5] =	wrdreg s1;
	s26 =	sadd.s32 $0x40, s1  }
0xf: {  	s22 =	simm.s32 $0x4F00;
	s1 =	simm.s32 $0xB000;
	s8 =	sshrl.u32 s8, $0x3  }
0x10: {  	[dreg:$0x4] =	wrdreg s9;
	s24 =	sadd.s32 $0x10, s23;
	s12 =	sadd.s32 $0x20, s23  }
0x11: {  	s25 =	smax.u32 s11, $0x1;
	[dreg:$0x9] =	wrdreg s26;
	s17 =	sshrl.u32 s7, $0x3  }
.Ltmp0:
0x12: {  	s23 =	simm.s32 $0x8000;
	s26 =	simm.s32 $0x8;
	(pc) =	sbr.rel .LBB2_1-.Ltmp0, $4  }
0x13: {  	s7 =	simm.s32 $0x5;
	s11 =	simm.s32 $0x0;
	[dreg:$0x6] =	wrdreg s24  }
0x14: {  	s0 =	sadd.s32 s8, s0;
	s8 =	sor.u32 $0x1C0A, s21;
	[dreg:$0x8] =	wrdreg s25  }
0x15: {  	s21 =	simm.s32 $0x5000;
	s24 =	simm.s32 $0x7;
	s0 =	sadd.s32 $0x5EC00, s0  }
0x16: {  	s25 =	simm.s32 $0x1;
	[dreg:$0x7] =	wrdreg s0;
	s0 =	simm.s32 $0x4F80  }
.LBB2_4:
0x17: {  	s9 =	simm.s32 $0x6  }
0x18: {  	_ =	swait.ge [sflag:s9], $0x3000  }
0x19: {  	[sflag:s9] =	ssyncset.done $0x0  }
0x1a: {  	[sflag:s9] =	ssyncadd.s32 $0xFFFFD000  }
0x1b: {  	_ =	swait.ge [sflag:s24], $0x80  }
0x1c: {  	[sflag:s24] =	ssyncset.done $0x0  }
0x1d: {  	[sflag:s24] =	ssyncadd.s32 $0xFFFFFF80  }
0x1e: {  	_ =	swait.ge [sflag:s25], $0x3000  }
0x1f: {  	[sflag:s25] =	ssyncset.done $0x0  }
0x20: {  	[sflag:s25] =	ssyncadd.s32 $0xFFFFD000  }
0x21: {  	[spmem:s2] =	stream.indirect.scatter.add.f32 [tilespmem:s21], [sflag:$0xA], $0x60, s19, s20, $0xb8;
	[tilespmem:$0x1D000] =	vst v63  }
0x22: {  	_ =	swait.ge [sflag:s18], $0x3000  }
0x23: {  	[sflag:s18] =	ssyncset.done $0x0  }
0x24: {  	[sflag:s18] =	ssyncadd.s32 $0xFFFFD000  }
0x25: {  	[bflag:$0x0] =	sbarrier.arrive $0xFFFF  }
0x26: {  	s14 =	rddreg [dreg:$0x7]  }
0x27: {  	[hbm:s14], [sflag:s8] =	dma.local [spmem:s17], $0x1E00  }
0x28: {  	_ =	swait.ge [sflag:s18], $0x1E00  }
0x29: {  	s11 =	sadd.s32 $0x1, s11;
	s16 =	rddreg [dreg:$0x8]  }
0x2a: {  	p0 =	sne.s32 s11, s16  }
.Ltmp1:
0x2b: {  	_ = 	snop;
	(pc) =	sbr.rel @!p0 .LBB2_5-.Ltmp1, $3  }
0x2c: {  	_ =	sdelay $0x1  }
0x2d: {  	[sflag:s18] =	ssyncset.done $0x0  }
0x2e: {  	[sflag:s18] =	ssyncadd.s32 $0xFFFFE200  }
.LBB2_1:
0x2f: {  	s9 =	rddreg [dreg:$0x3]  }
0x30: {  	[spmem:s17], [sflag:s8] =	dma.local [hbm:s9], $0x1E00  }
0x31: {  	_ =	swait.ge [sflag:s18], $0x1E00  }
0x32: {  	[sflag:s18] =	ssyncset.done $0x0  }
0x33: {  	s13 =	rddreg [dreg:$0x4];
	[sflag:s18] =	ssyncadd.s32 $0xFFFFE200  }
0x34: {  	[tilespmem:s3], [sflag:$0xA] =	stream.linear.gather [hbm4b:s13+s3], $0x4E80, $0x38;
	[tilespmem:$0x1D000] =	vst v63  }
0x35: {  	_ =	swait.ge [sflag:s18], $0x4E80  }
0x36: {  	[sflag:s18] =	ssyncset.done $0x0  }
0x37: {  	[sflag:s18] =	ssyncadd.s32 $0xFFFFB180  }
0x38: {  	[bflag:$0x0] =	sbarrier.arrive $0xFFFF  }
0x39: {  	s14 =	rddreg [dreg:$0x5]  }
0x3a: {  	[tilespmem:s19], [sflag:$0x7] =	stream.linear.gather [hbm4b:s14+s3], $0x80, $0x38;
	[tilespmem:$0x1D000] =	vst v63  }
0x3b: {  	_ = 	snop  }
0x3c: {  	[tilespmem:s21], [sflag:$0x1] =	stream.indirect.gather [hbm4b:s15+s20], $0x60, s3, s20, $0xb8;
	[tilespmem:$0x1D000] =	vst v63  }
0x3d: {  	s16 =	rddreg [dreg:$0x6]  }
0x3e: {  	[tilespmem:s22], [sflag:$0x8] =	stream.linear.gather [hbm4b:s16+s3], $0x80, $0x38;
	[tilespmem:$0x1D000] =	vst v63  }
0x3f: {  	s10 =	simm.s32 $0x0;
	s16 =	rddreg [dreg:$0x9]  }
0x40: {  	[tilespmem:s23], [sflag:$0x2] =	stream.indirect.gather [hbm4b:s15+s20], $0x60, s20, s20, $0xb8;
	[tilespmem:$0x1D000] =	vst v63  }
.LBB2_2:
0x41: {  	_ =	swait.ge [sflag:s24], $0x80  }
0x42: {  	[sflag:s24] =	ssyncset.done $0x0  }
0x43: {  	[sflag:s24] =	ssyncadd.s32 $0xFFFFFF80  }
0x44: {  	_ =	swait.ge [sflag:s25], $0x3000  }
0x45: {  	p0 =	seq.s32 s10, $0x0;
	[sflag:s25] =	ssyncset.done $0x0  }
0x46: {  	p1 =	sne.s32 @p0 s4, $0x0;
	s14 =	simm.s32 @p0 $0x0;
	[sflag:s25] =	ssyncadd.s32 $0xFFFFD000  }
0x47: {  	[spmem:s2] =	stream.indirect.scatter.add.f32 [tilespmem:s21], [sflag:$0x4], $0x60, s19, s20, $0xb8;
	[tilespmem:$0x1D000] =	vst v63  }
0x48: {  	s13 =	simm.s32 @p0 $0x4F80;
	p2 =	por !p1, !p0;
	p1 =	por p1, !p0  }
0x49: {  	[tilespmem:s13], [sflag:$0x9] =	stream.linear.gather @p0 [hbm4b:s12+s14], $0x80, $0x38;
	[tilespmem:$0x1D000] =	vst v63  }
0x4a: {  	s9 =	simm.s32 @!p2 $0xB000;
	s13 =	simm.s32 @!p2 $0x80;
	s14 =	simm.s32 @!p2 $0x100  }
0x4b: {  	[tilespmem:s9], [sflag:$0x3] =	stream.indirect.gather @!p2 [hbm4b:s6+s13], $0x60, s14, s13, $0xb8;
	[tilespmem:$0x1D000] =	vst v63  }
0x4c: {  	s9 =	simm.s32 @!p1 $0x80;
	s13 =	simm.s32 @!p1 $0x100;
	s14 =	simm.s32 @!p1 $0xB000  }
0x4d: {  	[tilespmem:s14], [sflag:$0x3] =	stream.indirect.gather @!p1 [hbm4b:s5+s9], $0x60, s13, s9, $0xb8;
	[tilespmem:$0x1D000] =	vst v63  }
0x4e: {  	s9 =	simm.s32 @!p0 $0x6  }
0x4f: {  	p1 =	sne.s32 @!p0 s4, $0x0;
	_ =	swait.ge @!p0 [sflag:s9], $0x3000  }
0x50: {  	s13 =	simm.s32 @!p0 $0x0;
	s14 =	simm.s32 @!p0 $0x4F80;
	[sflag:s9] =	ssyncset.done @!p0 $0x0  }
0x51: {  	p2 =	por !p1, p0;
	[sflag:s9] =	ssyncadd.s32 @!p0 $0xFFFFD000;
	s9 =	sadd.s32 @!p0 $0xFFFFFFE0, s16  }
0x52: {  	[tilespmem:s14], [sflag:$0x9] =	stream.linear.gather @!p0 [hbm4b:s9+s13], $0x80, $0x38;
	[tilespmem:$0x1D000] =	vst v63  }
0x53: {  	s9 =	sshra.s32 @!p0 s10, $0x2;
	s13 =	simm.s32 @!p2 $0x80  }
0x54: {  	s14 =	simm.s32 @!p2 $0xB000;
	s9 =	sadd.s32 @!p0 $0x100, s9;
	p0 =	por p1, p0  }
0x55: {  	[tilespmem:s14], [sflag:$0x3] =	stream.indirect.gather @!p2 [hbm4b:s6+s13], $0x60, s9, s13, $0xb8;
	[tilespmem:$0x1D000] =	vst v63  }
0x56: {  	s13 =	simm.s32 @!p0 $0x80;
	s14 =	simm.s32 @!p0 $0xB000  }
0x57: {  	[tilespmem:s14], [sflag:$0x3] =	stream.indirect.gather @!p0 [hbm4b:s5+s13], $0x60, s9, s13, $0xb8;
	[tilespmem:$0x1D000] =	vst v63  }
0x58: {  	_ =	swait.ge [sflag:s26], $0x80  }
0x59: {  	[sflag:s26] =	ssyncset.done $0x0  }
0x5a: {  	[sflag:s26] =	ssyncadd.s32 $0xFFFFFF80  }
0x5b: {  	_ =	swait.ge [sflag:s28], $0x3000  }
0x5c: {  	[sflag:s28] =	ssyncset.done $0x0  }
0x5d: {  	[sflag:s28] =	ssyncadd.s32 $0xFFFFD000  }
0x5e: {  	[spmem:s2] =	stream.indirect.scatter.add.f32 [tilespmem:s23], [sflag:$0x5], $0x60, s22, s20, $0xb8;
	[tilespmem:$0x1D000] =	vst v63  }
0x5f: {  	_ =	swait.ge [sflag:s29], $0x3000  }
0x60: {  	[sflag:s29] =	ssyncset.done $0x0  }
0x61: {  	s14 =	sadd.s32 $0xFFFFFFF0, s16;
	[sflag:s29] =	ssyncadd.s32 $0xFFFFD000  }
0x62: {  	[tilespmem:s19], [sflag:$0x7] =	stream.linear.gather [hbm4b:s14+s3], $0x80, $0x38;
	[tilespmem:$0x1D000] =	vst v63  }
0x63: {  	s14 =	sshra.s32 s10, $0x2  }
0x64: {  	s13 =	sadd.s32 $0x180, s14  }
0x65: {  	[tilespmem:s21], [sflag:$0x1] =	stream.indirect.gather [hbm4b:s15+s20], $0x60, s13, s20, $0xb8;
	[tilespmem:$0x1D000] =	vst v63  }
0x66: {  	_ =	swait.ge [sflag:s30], $0x80  }
0x67: {  	[sflag:s30] =	ssyncset.done $0x0  }
0x68: {  	[sflag:s30] =	ssyncadd.s32 $0xFFFFFF80  }
0x69: {  	_ =	swait.ge [sflag:s31], $0x3000  }
0x6a: {  	p0 =	seq.s32 s10, $0x13200;
	[sflag:s31] =	ssyncset.done $0x0  }
.Ltmp2:
0x6b: {  	[sflag:s31] =	ssyncadd.s32 $0xFFFFD000;
	(pc) =	sbr.rel @p0 .LBB2_4-.Ltmp2, $4  }
0x6c: {  	[spmem:s2] =	stream.indirect.scatter.add.f32 [tilespmem:s1], [sflag:$0x6], $0x60, s0, s20, $0xb8;
	[tilespmem:$0x1D000] =	vst v63  }
0x6d: {  	_ =	swait.ge [sflag:s7], $0x3000  }
0x6e: {  	[sflag:s7] =	ssyncset.done $0x0  }
0x6f: {  	[sflag:s7] =	ssyncadd.s32 $0xFFFFD000  }
.Ltmp3:
0x70: {  	(pc) =	sbr.rel .LBB2_2-.Ltmp3, $4  }
0x71: {  	_ = 	snop  }
0x72: {  	[tilespmem:s22], [sflag:$0x8] =	stream.linear.gather [hbm4b:s16+s3], $0x80, $0x38;
	[tilespmem:$0x1D000] =	vst v63  }
0x73: {  	s9 =	sadd.s32 $0x200, s14;
	s10 =	sadd.s32 $0x600, s10;
	s16 =	sadd.s32 $0x30, s16  }
0x74: {  	[tilespmem:s23], [sflag:$0x2] =	stream.indirect.gather [hbm4b:s15+s20], $0x60, s9, s20, $0xb8;
	[tilespmem:$0x1D000] =	vst v63  }
.LBB2_5:
0x75: {  	_ =	sfence.sel $0x180000  }
0x76: {  	[bflag:$0x0] =	sbarrier.arrive $0xFFFF  }
0x77: {  	_ =	strace $0x9000004A  }
0x78: {  	s0 =	stileid.u32;
	[bflag:$0x2] =	sbarrier.arrive $0xFFFF  }
0x79: {  	p0 =	sne.s32 s0, $0x0;
	s0 =	rddreg [dreg:$0x2]  }
0x7a: {  	s0 =	sadd.s32 @!p0 $0x100000, s0  }
0x7b: {  	[sflag:s0] =	ssyncadd.tile.s32 @!p0 $0x1;
	_ =	shalt  }
.Lfunc_end2:
_tile_overlayer_lowered:
.L_overlay_start_2:
0x7c: {  	(tag) =	ssettag $0x2  }
0x7d: {  	s0 =	rddreg [dreg:$0x0];
	s2 =	stileid.u32  }
0x7e: {  	s1 =	rddreg [dreg:$0x1];
	p0 =	sne.s32 s2, $0x0  }
0x7f: {  	s3 =	rddreg [dreg:$0x2];
	[bflag:$0x3] =	sbarrier.arrive $0xFFFF;
	s2 =	simm.s32 @!p0 $0x1C0A  }
0x80: {  	[timem:s3], [sflag:s2] =	dma.local @!p0 [hbm:s0], s1  }
0x81: {  	s0 =	simm.s32 @!p0 $0xA  }
0x82: {  	_ =	swait.ge @!p0 [sflag:s0], s1  }
0x83: {  	s1 =	ssub.s32 @!p0 $0x0, s1;
	[sflag:s0] =	ssyncset.done @!p0 $0x0  }
0x84: {  	[sflag:s0] =	ssyncadd.s32 @!p0 s1  }
0x85: {  	[bflag:$0x3] =	sbarrier.arrive $0xFFFF  }
0x86: {  	_ =	shalt  }

// kernel: kernel.21.cloned.1.call-start
scs
__scs_entry_jumppad:
0x0: {  	(pc) =	sbr.rel $0x88, $3  }
0x1: {  	(tag) =	ssettag $0x0;
	lr =	simm.s32 $0x1  }
0x2: {  	[smem:$0x3F84] =	sst lr;
	_ =	strace $0xD0000000  }
0x3: {  	_ = 	snop  }
0x4: {  	_ = 	snop  }
0x5: {  	_ = 	snop  }
0x6: {  	_ = 	snop  }
0x7: {  	_ = 	snop  }
__scs_overlays_trampoline_lowered:
0x8: {  	[smem:$0x3F93] =	sst s0  }
0x9: {  	[smem:$0x3F94] =	sst s1  }
0xa: {  	[smem:$0x3F95] =	sst s2  }
0xb: {  	[smem:$0x3F96] =	sst s3  }
0xc: {  	[smem:$0x3F97] =	sst s4  }
0xd: {  	[smem:$0x3F98] =	sst s5  }
0xe: {  	[smem:$0x3F99] =	sst s6  }
0xf: {  	[smem:$0x3F9A] =	sst s7  }
0x10: {  	[smem:$0x3F9B] =	sst s8  }
0x11: {  	[smem:$0x3F9C] =	sst s9;
	s0 =	simm.s32 @!p0 $0x0  }
0x12: {  	s1 =	sld [smem:$0x3F82];
	s0 =	simm.s32 @p0 $0x1  }
0x13: {  	[smem:$0x3F9D] =	sst s0;
	s0 =	simm.s32 @!p1 $0x0  }
0x14: {  	s2 =	sld [smem:$0x3F81];
	s0 =	simm.s32 @p1 $0x1  }
0x15: {  	[smem:$0x3F9E] =	sst s0;
	s0 =	simm.s32 @!p2 $0x0  }
0x16: {  	s3 =	sld [smem:$0x3FDB];
	s0 =	simm.s32 @p2 $0x1  }
0x17: {  	s4 =	simm.s32 $0x1BF5;
	[smem:$0x3FA0] =	sst s0  }
0x18: {  	s0 =	sld [smem:$0x3F83];
	_ =	swait.ge [sflag:s4], $0x0  }
0x19: {  	s7 =	sld [smem:$0x3F84]  }
0x1a: {  	s8 =	sadd.s32 $0xFFFFE003, lr  }
0x1b: {  	s9 =	sadd.s32 $0xFFFFFEF7, lr;
	s5 =	simm.s32 $0xFFFFFFFF;
	p2 =	slt.u32 s8, $0xFFFFF086  }
0x1c: {  	p1 =	slt.u32 s9, $0xF7A;
	s5 =	simm.s32 @!p2 $0x0  }
0x1d: {  	s5 =	simm.s32 @p1 $0x1;
	p0 =	seq.s32 s7, s2  }
0x1e: {  	s7 =	smul.u32 @!p0 $0xF7A, s2;
	p2 =	seq.s32 @!p0 s5, $0x0  }
0x1f: {  	s9 =	smul.u32 $0xF7A, s1;
	s8 =	simm.s32 @!p0 $0x1BF5;
	p2 =	por !p2, p0  }
0x20: {  	[sflag:s8] =	ssyncset.s32 @!p0 $0xFFFFF086;
	s6 =	sadd.s32 @!p0 s3, s7;
	s7 =	simm.s32 @!p0 $0x108  }
0x21: {  	s3 =	sadd.s32 s3, s9;
	s6 =	sadd.s32 @!p0 $0x88, s6;
	s7 =	simm.s32 @p2 $0x1082  }
0x22: {  	[simem:s7], [sflag:s8] =	dma.local @!p0 [hbm:s6], $0xF7A  }
0x23: {  	s9 =	sor.u32 $0xD0000000, s2;
	s6 =	simm.s32 $0x108;
	_ =	swait.ge @!p0 [sflag:s8], $0x0  }
0x24: {  	s3 =	sadd.s32 $0x88, s3;
	s6 =	simm.s32 @!p1 $0x1082;
	[sflag:s4] =	ssyncset.s32 $0xFFFFF086  }
0x25: {  	[simem:s6], [sflag:s4] =	dma.local [hbm:s3], $0xF7A  }
0x26: {  	[smem:$0x3F84] =	sst s1;
	(tag) =	ssettag s2;
	_ =	strace s9  }
0x27: {  	s1 =	sld [smem:$0x3F94]  }
0x28: {  	s2 =	sld [smem:$0x3F95]  }
0x29: {  	s4 =	sld [smem:$0x3F97]  }
0x2a: {  	p0 =	seq.s32 s5, $0x0;
	s5 =	sld [smem:$0x3F98]  }
0x2b: {  	s6 =	sld [smem:$0x3F99]  }
0x2c: {  	s7 =	sld [smem:$0x3F9A]  }
0x2d: {  	s3 =	simm.s32 $0x108;
	s8 =	sld [smem:$0x3F9B]  }
0x2e: {  	s3 =	simm.s32 @!p0 $0x1082;
	s9 =	sld [smem:$0x3F9C]  }
0x2f: {  	lr =	sadd.s32 s0, s3;
	s0 =	sld [smem:$0x3F93]  }
0x30: {  	s3 =	sld [smem:$0x3F96]  }
0x31: {  	[smem:$0x3F9F] =	sst s10  }
0x32: {  	s10 =	sld [smem:$0x3F9D];
	_ =	sdelay $0x3  }
0x33: {  	p0 =	seq.s32 s10, $0x1;
	s10 =	sld [smem:$0x3F9F];
	_ =	sdelay $0x3  }
0x34: {  	[smem:$0x3F9F] =	sst s10  }
0x35: {  	s10 =	sld [smem:$0x3F9E];
	_ =	sdelay $0x3  }
0x36: {  	p1 =	seq.s32 s10, $0x1;
	s10 =	sld [smem:$0x3F9F];
	_ =	sdelay $0x3  }
0x37: {  	[smem:$0x3F9F] =	sst s10  }
0x38: {  	s10 =	sld [smem:$0x3FA0]  }
0x39: {  	_ = 	snop;
	(pc) =	sbr.ind lr, $3  }
0x3a: {  	_ = 	snop  }
0x3b: {  	_ = 	snop  }
0x3c: {  	p2 =	seq.s32 s10, $0x1;
	s10 =	sld [smem:$0x3F9F]  }
0x3d: {  	_ =	shalt  }
0x3e: {  	_ =	shalt  }
0x3f: {  	_ =	shalt  }
0x40: {  	_ =	shalt  }
0x41: {  	_ =	shalt  }
0x42: {  	_ =	shalt  }
0x43: {  	_ =	shalt  }
0x44: {  	_ =	shalt  }
0x45: {  	_ =	shalt  }
0x46: {  	_ =	shalt  }
0x47: {  	_ =	shalt  }
0x48: {  	_ =	shalt  }
0x49: {  	_ =	shalt  }
0x4a: {  	_ =	shalt  }
0x4b: {  	_ =	shalt  }
0x4c: {  	_ =	shalt  }
0x4d: {  	_ =	shalt  }
0x4e: {  	_ =	shalt  }
0x4f: {  	_ =	shalt  }
0x50: {  	_ =	shalt  }
0x51: {  	_ =	shalt  }
0x52: {  	_ =	shalt  }
0x53: {  	_ =	shalt  }
0x54: {  	_ =	shalt  }
0x55: {  	_ =	shalt  }
0x56: {  	_ =	shalt  }
0x57: {  	_ =	shalt  }
0x58: {  	_ =	shalt  }
0x59: {  	_ =	shalt  }
0x5a: {  	_ =	shalt  }
0x5b: {  	_ =	shalt  }
0x5c: {  	_ =	shalt  }
0x5d: {  	_ =	shalt  }
0x5e: {  	_ =	shalt  }
0x5f: {  	_ =	shalt  }
0x60: {  	_ =	shalt  }
0x61: {  	_ =	shalt  }
0x62: {  	_ =	shalt  }
0x63: {  	_ =	shalt  }
0x64: {  	_ =	shalt  }
0x65: {  	_ =	shalt  }
0x66: {  	_ =	shalt  }
0x67: {  	_ =	shalt  }
0x68: {  	_ =	shalt  }
0x69: {  	_ =	shalt  }
0x6a: {  	_ =	shalt  }
0x6b: {  	_ =	shalt  }
0x6c: {  	_ =	shalt  }
0x6d: {  	_ =	shalt  }
0x6e: {  	_ =	shalt  }
0x6f: {  	_ =	shalt  }
0x70: {  	_ =	shalt  }
0x71: {  	_ =	shalt  }
0x72: {  	_ =	shalt  }
0x73: {  	_ =	shalt  }
0x74: {  	_ =	shalt  }
0x75: {  	_ =	shalt  }
0x76: {  	_ =	shalt  }
0x77: {  	_ =	shalt  }
0x78: {  	_ =	shalt  }
0x79: {  	_ =	shalt  }
0x7a: {  	_ =	shalt  }
0x7b: {  	_ =	shalt  }
0x7c: {  	_ =	shalt  }
0x7d: {  	_ =	shalt  }
0x7e: {  	_ =	shalt  }
0x7f: {  	_ =	shalt  }
0x80: {  	_ =	shalt  }
0x81: {  	_ =	shalt  }
0x82: {  	_ =	shalt  }
0x83: {  	_ =	shalt  }
0x84: {  	_ =	shalt  }
0x85: {  	_ =	shalt  }
0x86: {  	_ =	shalt  }
0x87: {  	_ =	shalt  }
.Lfunc_end0:
.L_simem_size_0:
called_computation.2_lowered:
.L_overlay_start_0:
0x88: {  	s2 =	sld [smem:$0x3FD9]  }
0x89: {  	s3 =	sld [smem:$0x3FFE];
	_ =	sdelay $0x1  }
0x8a: {  	s1 =	srdreg.scid  }
0x8b: {  	s0 =	sand.u32 $0x1, s1  }
0x8c: {  	s16 =	sshll.u32 s0, $0xA;
	s2 =	sadd.s32 s3, s2  }
0x8d: {  	s2 =	sadd.s32 s2, s16  }
0x8e: {  	[smem:$0x3FAB] =	sst s2  }
0x8f: {  	_ = 	snop  }
0x90: {  	(tm) =	ssettm $0x1  }
0x91: {  	s17 =	sld [smem:$0x3FFB];
	_ =	sdelay $0x3  }
0x92: {  	_ =	strace s17  }
0x93: {  	s2 =	sld [smem:$0x3FFC];
	_ =	sdelay $0x3  }
0x94: {  	_ =	strace s2  }
0x95: {  	s2 =	sld [smem:$0x3FFD];
	_ =	sdelay $0x3  }
0x96: {  	_ =	strace s2  }
0x97: {  	_ =	strace $0x8FFFFFFF  }
0x98: {  	s18 =	sld [smem:$0x3FDB];
	_ =	sdelay $0x1  }
0x99: {  	s19 =	simm.s32 $_scs_section_size  }
0x9a: {  	s4 =	simm.s32 $_size__tile_overlayer_lowered;
	s5 =	simm.s32 $_tile_overlayer_lowered  }
0x9b: {  	s22 =	simm.s32 $0x1BFF;
	s21 =	sshll.u32 s5, $0x1;
	s2 =	sadd.s32 s19, s18  }
0x9c: {  	s6 =	simm.s32 $0x0;
	s20 =	sshll.u32 s4, $0x1;
	s4 =	sadd.s32 s21, s2  }
0x9d: {  	[timem:s6], [sflag:s22] =	dma.local [hbm:s4], s20  }
0x9e: {  	_ =	swait.ge [sflag:s22], s20  }
0x9f: {  	s3 =	ssub.s32 $0x0, s20;
	[sflag:s22] =	ssyncset.done $0x0  }
0xa0: {  	[sflag:s22] =	ssyncadd.s32 s3;
	_ =	sdelay $0x1  }
0xa1: {  	s23 =	simm.s32 $0x1B8B  }
0xa2: {  	_ =	swait.ge [sflag:s23], $0x1  }
0xa3: {  	[sflag:s23] =	ssyncset.done $0x0  }
0xa4: {  	s25 =	simm.s32 $0x1B8E;
	s24 =	sld [smem:$0x3FFE];
	[sflag:s23] =	ssyncadd.s32 $0xFFFFFFFF  }
0xa5: {  	s26 =	simm.s32 $execute0_lowered;
	[smem:$0x3FD2] =	sst s25  }
0xa6: {  	s4 =	sshll.u32 s26, $0x1;
	_ =	strace $0x8000004C;
	[dreg:$0x1] =	wrdreg $0xFFFFFFFF  }
0xa7: {  	s28 =	simm.s32 $_size_execute0_lowered;
	s2 =	sadd.s32 s2, s4;
	[dreg:$0x0] =	wrdreg $0x0  }
0xa8: {  	s4 =	sshll.u32 s28, $0x1;
	[dreg:$0x2] =	wrdreg s2  }
0xa9: {  	[dreg:$0x3] =	wrdreg s4  }
0xaa: {  	[dreg:$0x4] =	wrdreg $0xC0  }
0xab: {  	_ =	task [dreg:s6], $0x5FFFF  }
0xac: {  	[dreg:$0x1] =	wrdreg $0xFFFFFFFF  }
0xad: {  	[dreg:$0x0] =	wrdreg $0x60  }
0xae: {  	[dreg:$0x2] =	wrdreg s24  }
0xaf: {  	[dreg:$0x3] =	wrdreg $0xE0000  }
0xb0: {  	[dreg:$0x4] =	wrdreg $0x9  }
0xb1: {  	_ =	task.clear_ibuf [dreg:s6], $0x5FFFF;
	_ =	strace $0x9000004C  }
0xb2: {  	s29 =	simm.s32 $0x9;
	_ =	strace $0x8000004E  }
0xb3: {  	_ =	swait.ge [sflag:s29], $0x1  }
0xb4: {  	[sflag:s29] =	ssyncadd.s32 $0xFFFFFFFF  }
0xb5: {  	_ =	strace $0x9000004E  }
0xb6: {  	_ =	sfence  }
0xb7: {  	s30 =	sld [smem:$0x0];
	_ =	sdelay $0x2  }
0xb8: {  	s31 =	sshll.u32 s1, $0xD;
	s1 =	sshrl.u32 s1, $0x2  }
0xb9: {  	s3 =	sand.u32 $0x4000, s31;
	s1 =	sadd.s32 s1, s30  }
0xba: {  	s0 =	sor.u32 s3, s0;
	s1 =	sshll.u32 s1, $0x11  }
0xbb: {  	s0 =	sor.u32 s1, s0  }
0xbc: {  	s0 =	sadd.s32 $0x8F2B, s0  }
0xbd: {  	[sflag:s0] =	ssyncadd.remote.s32 $0x1  }
0xbe: {  	_ =	sfence.sel $0xFFFF  }
0xbf: {  	[dreg:$0x0] =	wrdreg $0xFFFFFFFF;
	(pc) =	sbr.abs _section_cstart, $3  }
0xc0: {  	[dreg:$0x1] =	wrdreg $0xFFFFFFFF  }
0xc1: {  	_ =	task.clear_ibuf [dreg:s6], $0x2FFFF;
	_ =	strace $0x9FFFFFFF  }
0xc2: {  	(tm) =	ssettm $0x7FFFFFFF  }
0xc3: {  	_ =	shalt  }
tec
execute0_lowered:
.L_overlay_start_1:
0x0: {  	(tag) =	ssettag $0x1  }
0x1: {  	s0 =	rddreg [dreg:$0x0]  }
0x2: {  	s2 =	rddreg [dreg:$0x1];
	s14 =	stileid.u32;
	s3 =	simm.s32 $0x0  }
0x3: {  	s4 =	srdreg.scid;
	s18 =	simm.s32 $0xA;
	s19 =	simm.s32 $0x4E80  }
0x4: {  	s20 =	simm.s32 $0x80;
	s28 =	simm.s32 $0x2;
	s29 =	simm.s32 $0x4  }
0x5: {  	s30 =	simm.s32 $0x9;
	s31 =	simm.s32 $0x3;
	s1 =	smul.u32 $0x9D0, s14  }
0x6: {  	[smem:$0x7FF] =	sst s3;
	s4 =	sand.u32 $0x1, s4;
	s7 =	smul.u32 $0xF000, s14  }
0x7: {  	s10 =	sadd.s32 $0x2DA00, s0;
	s5 =	sadd.s32 $0x41600, s0;
	s6 =	sadd.s32 $0x6600, s0  }
0x8: {  	s13 =	smul.u32 $0x4E80, s14;
	s15 =	sadd.s32 $0x23C00, s0;
	s21 =	sshll.u32 s14, $0x6  }
0x9: {  	_ =	strace $0x8000004D;
	s8 =	smul.u32 $0xF0000, s4;
	s11 =	ssub.s32 $0x2, s4  }
0xa: {  	[dreg:$0x3] =	wrdreg s15;
	p0 =	seq.s32 s4, $0x0;
	s15 =	smov.u32 s6  }
0xb: {  	s9 =	sadd.s32 s1, s0;
	s12 =	sshrl.u32 s11, $0x1;
	s22 =	sshrl.u32 s13, $0x3  }
0xc: {  	s1 =	sadd.s32 s10, s1;
	s15 =	smov.u32 @p0 s5;
	s8 =	sadd.s32 s7, s8  }
0xd: {  	s11 =	ssub.s32 s11, s12;
	s7 =	sadd.s32 s7, s2;
	s9 =	sadd.s32 $0x37800, s9  }
0xe: {  	s23 =	sadd.s32 s10, s22;
	[dreg:$0x5] =	wrdreg s1;
	s26 =	sadd.s32 $0x40, s1  }
0xf: {  	s22 =	simm.s32 $0x4F00;
	s1 =	simm.s32 $0xB000;
	s8 =	sshrl.u32 s8, $0x3  }
0x10: {  	[dreg:$0x4] =	wrdreg s9;
	s24 =	sadd.s32 $0x10, s23;
	s12 =	sadd.s32 $0x20, s23  }
0x11: {  	s25 =	smax.u32 s11, $0x1;
	[dreg:$0x9] =	wrdreg s26;
	s17 =	sshrl.u32 s7, $0x3  }
.Ltmp0:
0x12: {  	s23 =	simm.s32 $0x8000;
	s26 =	simm.s32 $0x8;
	(pc) =	sbr.rel .LBB2_1-.Ltmp0, $4  }
0x13: {  	s7 =	simm.s32 $0x5;
	s11 =	simm.s32 $0x0;
	[dreg:$0x6] =	wrdreg s24  }
0x14: {  	s0 =	sadd.s32 s8, s0;
	s8 =	sor.u32 $0x1C0A, s21;
	[dreg:$0x8] =	wrdreg s25  }
0x15: {  	s21 =	simm.s32 $0x5000;
	s24 =	simm.s32 $0x7;
	s0 =	sadd.s32 $0x5EC00, s0  }
0x16: {  	s25 =	simm.s32 $0x1;
	[dreg:$0x7] =	wrdreg s0;
	s0 =	simm.s32 $0x4F80  }
.LBB2_4:
0x17: {  	s9 =	simm.s32 $0x6  }
0x18: {  	_ =	swait.ge [sflag:s9], $0x3000  }
0x19: {  	[sflag:s9] =	ssyncset.done $0x0  }
0x1a: {  	[sflag:s9] =	ssyncadd.s32 $0xFFFFD000  }
0x1b: {  	_ =	swait.ge [sflag:s24], $0x80  }
0x1c: {  	[sflag:s24] =	ssyncset.done $0x0  }
0x1d: {  	[sflag:s24] =	ssyncadd.s32 $0xFFFFFF80  }
0x1e: {  	_ =	swait.ge [sflag:s25], $0x3000  }
0x1f: {  	[sflag:s25] =	ssyncset.done $0x0  }
0x20: {  	[sflag:s25] =	ssyncadd.s32 $0xFFFFD000  }
0x21: {  	[spmem:s2] =	stream.indirect.scatter.add.f32 [tilespmem:s21], [sflag:$0xA], $0x60, s19, s20, $0xb8;
	[tilespmem:$0x1D000] =	vst v63  }
0x22: {  	_ =	swait.ge [sflag:s18], $0x3000  }
0x23: {  	[sflag:s18] =	ssyncset.done $0x0  }
0x24: {  	[sflag:s18] =	ssyncadd.s32 $0xFFFFD000  }
0x25: {  	[bflag:$0x0] =	sbarrier.arrive $0xFFFF  }
0x26: {  	s14 =	rddreg [dreg:$0x7]  }
0x27: {  	[hbm:s14], [sflag:s8] =	dma.local [spmem:s17], $0x1E00  }
0x28: {  	_ =	swait.ge [sflag:s18], $0x1E00  }
0x29: {  	s11 =	sadd.s32 $0x1, s11;
	s16 =	rddreg [dreg:$0x8]  }
0x2a: {  	p0 =	sne.s32 s11, s16  }
.Ltmp1:
0x2b: {  	_ = 	snop;
	(pc) =	sbr.rel @!p0 .LBB2_5-.Ltmp1, $3  }
0x2c: {  	_ =	sdelay $0x1  }
0x2d: {  	[sflag:s18] =	ssyncset.done $0x0  }
0x2e: {  	[sflag:s18] =	ssyncadd.s32 $0xFFFFE200  }
.LBB2_1:
0x2f: {  	s9 =	rddreg [dreg:$0x3]  }
0x30: {  	[spmem:s17], [sflag:s8] =	dma.local [hbm:s9], $0x1E00  }
0x31: {  	_ =	swait.ge [sflag:s18], $0x1E00  }
0x32: {  	[sflag:s18] =	ssyncset.done $0x0  }
0x33: {  	s13 =	rddreg [dreg:$0x4];
	[sflag:s18] =	ssyncadd.s32 $0xFFFFE200  }
0x34: {  	[tilespmem:s3], [sflag:$0xA] =	stream.linear.gather [hbm4b:s13+s3], $0x4E80, $0x38;
	[tilespmem:$0x1D000] =	vst v63  }
0x35: {  	_ =	swait.ge [sflag:s18], $0x4E80  }
0x36: {  	[sflag:s18] =	ssyncset.done $0x0  }
0x37: {  	[sflag:s18] =	ssyncadd.s32 $0xFFFFB180  }
0x38: {  	[bflag:$0x0] =	sbarrier.arrive $0xFFFF  }
0x39: {  	s14 =	rddreg [dreg:$0x5]  }
0x3a: {  	[tilespmem:s19], [sflag:$0x7] =	stream.linear.gather [hbm4b:s14+s3], $0x80, $0x38;
	[tilespmem:$0x1D000] =	vst v63  }
0x3b: {  	_ = 	snop  }
0x3c: {  	[tilespmem:s21], [sflag:$0x1] =	stream.indirect.gather [hbm4b:s15+s20], $0x60, s3, s20, $0xb8;
	[tilespmem:$0x1D000] =	vst v63  }
0x3d: {  	s16 =	rddreg [dreg:$0x6]  }
0x3e: {  	[tilespmem:s22], [sflag:$0x8] =	stream.linear.gather [hbm4b:s16+s3], $0x80, $0x38;
	[tilespmem:$0x1D000] =	vst v63  }
0x3f: {  	s10 =	simm.s32 $0x0;
	s16 =	rddreg [dreg:$0x9]  }
0x40: {  	[tilespmem:s23], [sflag:$0x2] =	stream.indirect.gather [hbm4b:s15+s20], $0x60, s20, s20, $0xb8;
	[tilespmem:$0x1D000] =	vst v63  }
.LBB2_2:
0x41: {  	_ =	swait.ge [sflag:s24], $0x80  }
0x42: {  	[sflag:s24] =	ssyncset.done $0x0  }
0x43: {  	[sflag:s24] =	ssyncadd.s32 $0xFFFFFF80  }
0x44: {  	_ =	swait.ge [sflag:s25], $0x3000  }
0x45: {  	p0 =	seq.s32 s10, $0x0;
	[sflag:s25] =	ssyncset.done $0x0  }
0x46: {  	p1 =	sne.s32 @p0 s4, $0x0;
	s14 =	simm.s32 @p0 $0x0;
	[sflag:s25] =	ssyncadd.s32 $0xFFFFD000  }
0x47: {  	[spmem:s2] =	stream.indirect.scatter.add.f32 [tilespmem:s21], [sflag:$0x4], $0x60, s19, s20, $0xb8;
	[tilespmem:$0x1D000] =	vst v63  }
0x48: {  	s13 =	simm.s32 @p0 $0x4F80;
	p2 =	por !p1, !p0;
	p1 =	por p1, !p0  }
0x49: {  	[tilespmem:s13], [sflag:$0x9] =	stream.linear.gather @p0 [hbm4b:s12+s14], $0x80, $0x38;
	[tilespmem:$0x1D000] =	vst v63  }
0x4a: {  	s9 =	simm.s32 @!p2 $0xB000;
	s13 =	simm.s32 @!p2 $0x80;
	s14 =	simm.s32 @!p2 $0x100  }
0x4b: {  	[tilespmem:s9], [sflag:$0x3] =	stream.indirect.gather @!p2 [hbm4b:s6+s13], $0x60, s14, s13, $0xb8;
	[tilespmem:$0x1D000] =	vst v63  }
0x4c: {  	s9 =	simm.s32 @!p1 $0x80;
	s13 =	simm.s32 @!p1 $0x100;
	s14 =	simm.s32 @!p1 $0xB000  }
0x4d: {  	[tilespmem:s14], [sflag:$0x3] =	stream.indirect.gather @!p1 [hbm4b:s5+s9], $0x60, s13, s9, $0xb8;
	[tilespmem:$0x1D000] =	vst v63  }
0x4e: {  	s9 =	simm.s32 @!p0 $0x6  }
0x4f: {  	p1 =	sne.s32 @!p0 s4, $0x0;
	_ =	swait.ge @!p0 [sflag:s9], $0x3000  }
0x50: {  	s13 =	simm.s32 @!p0 $0x0;
	s14 =	simm.s32 @!p0 $0x4F80;
	[sflag:s9] =	ssyncset.done @!p0 $0x0  }
0x51: {  	p2 =	por !p1, p0;
	[sflag:s9] =	ssyncadd.s32 @!p0 $0xFFFFD000;
	s9 =	sadd.s32 @!p0 $0xFFFFFFE0, s16  }
0x52: {  	[tilespmem:s14], [sflag:$0x9] =	stream.linear.gather @!p0 [hbm4b:s9+s13], $0x80, $0x38;
	[tilespmem:$0x1D000] =	vst v63  }
0x53: {  	s9 =	sshra.s32 @!p0 s10, $0x2;
	s13 =	simm.s32 @!p2 $0x80  }
0x54: {  	s14 =	simm.s32 @!p2 $0xB000;
	s9 =	sadd.s32 @!p0 $0x100, s9;
	p0 =	por p1, p0  }
0x55: {  	[tilespmem:s14], [sflag:$0x3] =	stream.indirect.gather @!p2 [hbm4b:s6+s13], $0x60, s9, s13, $0xb8;
	[tilespmem:$0x1D000] =	vst v63  }
0x56: {  	s13 =	simm.s32 @!p0 $0x80;
	s14 =	simm.s32 @!p0 $0xB000  }
0x57: {  	[tilespmem:s14], [sflag:$0x3] =	stream.indirect.gather @!p0 [hbm4b:s5+s13], $0x60, s9, s13, $0xb8;
	[tilespmem:$0x1D000] =	vst v63  }
0x58: {  	_ =	swait.ge [sflag:s26], $0x80  }
0x59: {  	[sflag:s26] =	ssyncset.done $0x0  }
0x5a: {  	[sflag:s26] =	ssyncadd.s32 $0xFFFFFF80  }
0x5b: {  	_ =	swait.ge [sflag:s28], $0x3000  }
0x5c: {  	[sflag:s28] =	ssyncset.done $0x0  }
0x5d: {  	[sflag:s28] =	ssyncadd.s32 $0xFFFFD000  }
0x5e: {  	[spmem:s2] =	stream.indirect.scatter.add.f32 [tilespmem:s23], [sflag:$0x5], $0x60, s22, s20, $0xb8;
	[tilespmem:$0x1D000] =	vst v63  }
0x5f: {  	_ =	swait.ge [sflag:s29], $0x3000  }
0x60: {  	[sflag:s29] =	ssyncset.done $0x0  }
0x61: {  	s14 =	sadd.s32 $0xFFFFFFF0, s16;
	[sflag:s29] =	ssyncadd.s32 $0xFFFFD000  }
0x62: {  	[tilespmem:s19], [sflag:$0x7] =	stream.linear.gather [hbm4b:s14+s3], $0x80, $0x38;
	[tilespmem:$0x1D000] =	vst v63  }
0x63: {  	s14 =	sshra.s32 s10, $0x2  }
0x64: {  	s13 =	sadd.s32 $0x180, s14  }
0x65: {  	[tilespmem:s21], [sflag:$0x1] =	stream.indirect.gather [hbm4b:s15+s20], $0x60, s13, s20, $0xb8;
	[tilespmem:$0x1D000] =	vst v63  }
0x66: {  	_ =	swait.ge [sflag:s30], $0x80  }
0x67: {  	[sflag:s30] =	ssyncset.done $0x0  }
0x68: {  	[sflag:s30] =	ssyncadd.s32 $0xFFFFFF80  }
0x69: {  	_ =	swait.ge [sflag:s31], $0x3000  }
0x6a: {  	p0 =	seq.s32 s10, $0x13200;
	[sflag:s31] =	ssyncset.done $0x0  }
.Ltmp2:
0x6b: {  	[sflag:s31] =	ssyncadd.s32 $0xFFFFD000;
	(pc) =	sbr.rel @p0 .LBB2_4-.Ltmp2, $4  }
0x6c: {  	[spmem:s2] =	stream.indirect.scatter.add.f32 [tilespmem:s1], [sflag:$0x6], $0x60, s0, s20, $0xb8;
	[tilespmem:$0x1D000] =	vst v63  }
0x6d: {  	_ =	swait.ge [sflag:s7], $0x3000  }
0x6e: {  	[sflag:s7] =	ssyncset.done $0x0  }
0x6f: {  	[sflag:s7] =	ssyncadd.s32 $0xFFFFD000  }
.Ltmp3:
0x70: {  	(pc) =	sbr.rel .LBB2_2-.Ltmp3, $4  }
0x71: {  	_ = 	snop  }
0x72: {  	[tilespmem:s22], [sflag:$0x8] =	stream.linear.gather [hbm4b:s16+s3], $0x80, $0x38;
	[tilespmem:$0x1D000] =	vst v63  }
0x73: {  	s9 =	sadd.s32 $0x200, s14;
	s10 =	sadd.s32 $0x600, s10;
	s16 =	sadd.s32 $0x30, s16  }
0x74: {  	[tilespmem:s23], [sflag:$0x2] =	stream.indirect.gather [hbm4b:s15+s20], $0x60, s9, s20, $0xb8;
	[tilespmem:$0x1D000] =	vst v63  }
.LBB2_5:
0x75: {  	_ =	sfence.sel $0x180000  }
0x76: {  	[bflag:$0x0] =	sbarrier.arrive $0xFFFF  }
0x77: {  	_ =	strace $0x9000004D  }
0x78: {  	s0 =	stileid.u32;
	[bflag:$0x2] =	sbarrier.arrive $0xFFFF  }
0x79: {  	p0 =	sne.s32 s0, $0x0;
	s0 =	rddreg [dreg:$0x2]  }
0x7a: {  	s0 =	sadd.s32 @!p0 $0x100000, s0  }
0x7b: {  	[sflag:s0] =	ssyncadd.tile.s32 @!p0 $0x1;
	_ =	shalt  }
.Lfunc_end2:
_tile_overlayer_lowered:
.L_overlay_start_2:
0x7c: {  	(tag) =	ssettag $0x2  }
0x7d: {  	s0 =	rddreg [dreg:$0x0];
	s2 =	stileid.u32  }
0x7e: {  	s1 =	rddreg [dreg:$0x1];
	p0 =	sne.s32 s2, $0x0  }
0x7f: {  	s3 =	rddreg [dreg:$0x2];
	[bflag:$0x3] =	sbarrier.arrive $0xFFFF;
	s2 =	simm.s32 @!p0 $0x1C0A  }
0x80: {  	[timem:s3], [sflag:s2] =	dma.local @!p0 [hbm:s0], s1  }
0x81: {  	s0 =	simm.s32 @!p0 $0xA  }
0x82: {  	_ =	swait.ge @!p0 [sflag:s0], s1  }
0x83: {  	s1 =	ssub.s32 @!p0 $0x0, s1;
	[sflag:s0] =	ssyncset.done @!p0 $0x0  }
0x84: {  	[sflag:s0] =	ssyncadd.s32 @!p0 s1  }
0x85: {  	[bflag:$0x3] =	sbarrier.arrive $0xFFFF  }
0x86: {  	_ =	shalt  }

// kernel: kernel.24.cloned.1.call-start
scs
__scs_entry_jumppad:
0x0: {  	(pc) =	sbr.rel $0x88, $3  }
0x1: {  	(tag) =	ssettag $0x0;
	lr =	simm.s32 $0x1  }
0x2: {  	[smem:$0x3F84] =	sst lr;
	_ =	strace $0xD0000000  }
0x3: {  	_ = 	snop  }
0x4: {  	_ = 	snop  }
0x5: {  	_ = 	snop  }
0x6: {  	_ = 	snop  }
0x7: {  	_ = 	snop  }
__scs_overlays_trampoline_lowered:
0x8: {  	[smem:$0x3F93] =	sst s0  }
0x9: {  	[smem:$0x3F94] =	sst s1  }
0xa: {  	[smem:$0x3F95] =	sst s2  }
0xb: {  	[smem:$0x3F96] =	sst s3  }
0xc: {  	[smem:$0x3F97] =	sst s4  }
0xd: {  	[smem:$0x3F98] =	sst s5  }
0xe: {  	[smem:$0x3F99] =	sst s6  }
0xf: {  	[smem:$0x3F9A] =	sst s7  }
0x10: {  	[smem:$0x3F9B] =	sst s8  }
0x11: {  	[smem:$0x3F9C] =	sst s9;
	s0 =	simm.s32 @!p0 $0x0  }
0x12: {  	s1 =	sld [smem:$0x3F82];
	s0 =	simm.s32 @p0 $0x1  }
0x13: {  	[smem:$0x3F9D] =	sst s0;
	s0 =	simm.s32 @!p1 $0x0  }
0x14: {  	s2 =	sld [smem:$0x3F81];
	s0 =	simm.s32 @p1 $0x1  }
0x15: {  	[smem:$0x3F9E] =	sst s0;
	s0 =	simm.s32 @!p2 $0x0  }
0x16: {  	s3 =	sld [smem:$0x3FDB];
	s0 =	simm.s32 @p2 $0x1  }
0x17: {  	s4 =	simm.s32 $0x1BF5;
	[smem:$0x3FA0] =	sst s0  }
0x18: {  	s0 =	sld [smem:$0x3F83];
	_ =	swait.ge [sflag:s4], $0x0  }
0x19: {  	s7 =	sld [smem:$0x3F84]  }
0x1a: {  	s8 =	sadd.s32 $0xFFFFE003, lr  }
0x1b: {  	s9 =	sadd.s32 $0xFFFFFEF7, lr;
	s5 =	simm.s32 $0xFFFFFFFF;
	p2 =	slt.u32 s8, $0xFFFFF086  }
0x1c: {  	p1 =	slt.u32 s9, $0xF7A;
	s5 =	simm.s32 @!p2 $0x0  }
0x1d: {  	s5 =	simm.s32 @p1 $0x1;
	p0 =	seq.s32 s7, s2  }
0x1e: {  	s7 =	smul.u32 @!p0 $0xF7A, s2;
	p2 =	seq.s32 @!p0 s5, $0x0  }
0x1f: {  	s9 =	smul.u32 $0xF7A, s1;
	s8 =	simm.s32 @!p0 $0x1BF5;
	p2 =	por !p2, p0  }
0x20: {  	[sflag:s8] =	ssyncset.s32 @!p0 $0xFFFFF086;
	s6 =	sadd.s32 @!p0 s3, s7;
	s7 =	simm.s32 @!p0 $0x108  }
0x21: {  	s3 =	sadd.s32 s3, s9;
	s6 =	sadd.s32 @!p0 $0x88, s6;
	s7 =	simm.s32 @p2 $0x1082  }
0x22: {  	[simem:s7], [sflag:s8] =	dma.local @!p0 [hbm:s6], $0xF7A  }
0x23: {  	s9 =	sor.u32 $0xD0000000, s2;
	s6 =	simm.s32 $0x108;
	_ =	swait.ge @!p0 [sflag:s8], $0x0  }
0x24: {  	s3 =	sadd.s32 $0x88, s3;
	s6 =	simm.s32 @!p1 $0x1082;
	[sflag:s4] =	ssyncset.s32 $0xFFFFF086  }
0x25: {  	[simem:s6], [sflag:s4] =	dma.local [hbm:s3], $0xF7A  }
0x26: {  	[smem:$0x3F84] =	sst s1;
	(tag) =	ssettag s2;
	_ =	strace s9  }
0x27: {  	s1 =	sld [smem:$0x3F94]  }
0x28: {  	s2 =	sld [smem:$0x3F95]  }
0x29: {  	s4 =	sld [smem:$0x3F97]  }
0x2a: {  	p0 =	seq.s32 s5, $0x0;
	s5 =	sld [smem:$0x3F98]  }
0x2b: {  	s6 =	sld [smem:$0x3F99]  }
0x2c: {  	s7 =	sld [smem:$0x3F9A]  }
0x2d: {  	s3 =	simm.s32 $0x108;
	s8 =	sld [smem:$0x3F9B]  }
0x2e: {  	s3 =	simm.s32 @!p0 $0x1082;
	s9 =	sld [smem:$0x3F9C]  }
0x2f: {  	lr =	sadd.s32 s0, s3;
	s0 =	sld [smem:$0x3F93]  }
0x30: {  	s3 =	sld [smem:$0x3F96]  }
0x31: {  	[smem:$0x3F9F] =	sst s10  }
0x32: {  	s10 =	sld [smem:$0x3F9D];
	_ =	sdelay $0x3  }
0x33: {  	p0 =	seq.s32 s10, $0x1;
	s10 =	sld [smem:$0x3F9F];
	_ =	sdelay $0x3  }
0x34: {  	[smem:$0x3F9F] =	sst s10  }
0x35: {  	s10 =	sld [smem:$0x3F9E];
	_ =	sdelay $0x3  }
0x36: {  	p1 =	seq.s32 s10, $0x1;
	s10 =	sld [smem:$0x3F9F];
	_ =	sdelay $0x3  }
0x37: {  	[smem:$0x3F9F] =	sst s10  }
0x38: {  	s10 =	sld [smem:$0x3FA0]  }
0x39: {  	_ = 	snop;
	(pc) =	sbr.ind lr, $3  }
0x3a: {  	_ = 	snop  }
0x3b: {  	_ = 	snop  }
0x3c: {  	p2 =	seq.s32 s10, $0x1;
	s10 =	sld [smem:$0x3F9F]  }
0x3d: {  	_ =	shalt  }
0x3e: {  	_ =	shalt  }
0x3f: {  	_ =	shalt  }
0x40: {  	_ =	shalt  }
0x41: {  	_ =	shalt  }
0x42: {  	_ =	shalt  }
0x43: {  	_ =	shalt  }
0x44: {  	_ =	shalt  }
0x45: {  	_ =	shalt  }
0x46: {  	_ =	shalt  }
0x47: {  	_ =	shalt  }
0x48: {  	_ =	shalt  }
0x49: {  	_ =	shalt  }
0x4a: {  	_ =	shalt  }
0x4b: {  	_ =	shalt  }
0x4c: {  	_ =	shalt  }
0x4d: {  	_ =	shalt  }
0x4e: {  	_ =	shalt  }
0x4f: {  	_ =	shalt  }
0x50: {  	_ =	shalt  }
0x51: {  	_ =	shalt  }
0x52: {  	_ =	shalt  }
0x53: {  	_ =	shalt  }
0x54: {  	_ =	shalt  }
0x55: {  	_ =	shalt  }
0x56: {  	_ =	shalt  }
0x57: {  	_ =	shalt  }
0x58: {  	_ =	shalt  }
0x59: {  	_ =	shalt  }
0x5a: {  	_ =	shalt  }
0x5b: {  	_ =	shalt  }
0x5c: {  	_ =	shalt  }
0x5d: {  	_ =	shalt  }
0x5e: {  	_ =	shalt  }
0x5f: {  	_ =	shalt  }
0x60: {  	_ =	shalt  }
0x61: {  	_ =	shalt  }
0x62: {  	_ =	shalt  }
0x63: {  	_ =	shalt  }
0x64: {  	_ =	shalt  }
0x65: {  	_ =	shalt  }
0x66: {  	_ =	shalt  }
0x67: {  	_ =	shalt  }
0x68: {  	_ =	shalt  }
0x69: {  	_ =	shalt  }
0x6a: {  	_ =	shalt  }
0x6b: {  	_ =	shalt  }
0x6c: {  	_ =	shalt  }
0x6d: {  	_ =	shalt  }
0x6e: {  	_ =	shalt  }
0x6f: {  	_ =	shalt  }
0x70: {  	_ =	shalt  }
0x71: {  	_ =	shalt  }
0x72: {  	_ =	shalt  }
0x73: {  	_ =	shalt  }
0x74: {  	_ =	shalt  }
0x75: {  	_ =	shalt  }
0x76: {  	_ =	shalt  }
0x77: {  	_ =	shalt  }
0x78: {  	_ =	shalt  }
0x79: {  	_ =	shalt  }
0x7a: {  	_ =	shalt  }
0x7b: {  	_ =	shalt  }
0x7c: {  	_ =	shalt  }
0x7d: {  	_ =	shalt  }
0x7e: {  	_ =	shalt  }
0x7f: {  	_ =	shalt  }
0x80: {  	_ =	shalt  }
0x81: {  	_ =	shalt  }
0x82: {  	_ =	shalt  }
0x83: {  	_ =	shalt  }
0x84: {  	_ =	shalt  }
0x85: {  	_ =	shalt  }
0x86: {  	_ =	shalt  }
0x87: {  	_ =	shalt  }
.Lfunc_end0:
.L_simem_size_0:
called_computation.3_lowered:
.L_overlay_start_0:
0x88: {  	s2 =	sld [smem:$0x3FD9]  }
0x89: {  	s3 =	sld [smem:$0x3FFE];
	_ =	sdelay $0x1  }
0x8a: {  	s1 =	srdreg.scid  }
0x8b: {  	s0 =	sand.u32 $0x1, s1  }
0x8c: {  	s16 =	sshll.u32 s0, $0xA;
	s2 =	sadd.s32 s3, s2  }
0x8d: {  	s2 =	sadd.s32 s2, s16  }
0x8e: {  	[smem:$0x3FAB] =	sst s2  }
0x8f: {  	_ = 	snop  }
0x90: {  	(tm) =	ssettm $0x1  }
0x91: {  	s17 =	sld [smem:$0x3FFB];
	_ =	sdelay $0x3  }
0x92: {  	_ =	strace s17  }
0x93: {  	s2 =	sld [smem:$0x3FFC];
	_ =	sdelay $0x3  }
0x94: {  	_ =	strace s2  }
0x95: {  	s2 =	sld [smem:$0x3FFD];
	_ =	sdelay $0x3  }
0x96: {  	_ =	strace s2  }
0x97: {  	_ =	strace $0x8FFFFFFF  }
0x98: {  	s18 =	sld [smem:$0x3FDB];
	_ =	sdelay $0x1  }
0x99: {  	s19 =	simm.s32 $_scs_section_size  }
0x9a: {  	s4 =	simm.s32 $_size__tile_overlayer_lowered;
	s5 =	simm.s32 $_tile_overlayer_lowered  }
0x9b: {  	s22 =	simm.s32 $0x1BFF;
	s21 =	sshll.u32 s5, $0x1;
	s2 =	sadd.s32 s19, s18  }
0x9c: {  	s6 =	simm.s32 $0x0;
	s20 =	sshll.u32 s4, $0x1;
	s4 =	sadd.s32 s21, s2  }
0x9d: {  	[timem:s6], [sflag:s22] =	dma.local [hbm:s4], s20  }
0x9e: {  	_ =	swait.ge [sflag:s22], s20  }
0x9f: {  	s3 =	ssub.s32 $0x0, s20;
	[sflag:s22] =	ssyncset.done $0x0  }
0xa0: {  	[sflag:s22] =	ssyncadd.s32 s3;
	_ =	sdelay $0x1  }
0xa1: {  	s23 =	simm.s32 $0x1B8B  }
0xa2: {  	_ =	swait.ge [sflag:s23], $0x1  }
0xa3: {  	[sflag:s23] =	ssyncset.done $0x0  }
0xa4: {  	s25 =	simm.s32 $0x1B8E;
	s24 =	sld [smem:$0x3FFE];
	[sflag:s23] =	ssyncadd.s32 $0xFFFFFFFF  }
0xa5: {  	s26 =	simm.s32 $execute0_lowered;
	[smem:$0x3FD2] =	sst s25  }
0xa6: {  	s4 =	sshll.u32 s26, $0x1;
	_ =	strace $0x8000004F;
	[dreg:$0x1] =	wrdreg $0xFFFFFFFF  }
0xa7: {  	s28 =	simm.s32 $_size_execute0_lowered;
	s2 =	sadd.s32 s2, s4;
	[dreg:$0x0] =	wrdreg $0x0  }
0xa8: {  	s4 =	sshll.u32 s28, $0x1;
	[dreg:$0x2] =	wrdreg s2  }
0xa9: {  	[dreg:$0x3] =	wrdreg s4  }
0xaa: {  	[dreg:$0x4] =	wrdreg $0xC0  }
0xab: {  	_ =	task [dreg:s6], $0x5FFFF  }
0xac: {  	[dreg:$0x1] =	wrdreg $0xFFFFFFFF  }
0xad: {  	[dreg:$0x0] =	wrdreg $0x60  }
0xae: {  	[dreg:$0x2] =	wrdreg s24  }
0xaf: {  	[dreg:$0x3] =	wrdreg $0xE0000  }
0xb0: {  	[dreg:$0x4] =	wrdreg $0x9  }
0xb1: {  	_ =	task.clear_ibuf [dreg:s6], $0x5FFFF;
	_ =	strace $0x9000004F  }
0xb2: {  	s29 =	simm.s32 $0x9;
	_ =	strace $0x80000051  }
0xb3: {  	_ =	swait.ge [sflag:s29], $0x1  }
0xb4: {  	[sflag:s29] =	ssyncadd.s32 $0xFFFFFFFF  }
0xb5: {  	_ =	strace $0x90000051  }
0xb6: {  	_ =	sfence  }
0xb7: {  	s30 =	sld [smem:$0x0];
	_ =	sdelay $0x2  }
0xb8: {  	s31 =	sshll.u32 s1, $0xD;
	s1 =	sshrl.u32 s1, $0x2  }
0xb9: {  	s3 =	sand.u32 $0x4000, s31;
	s1 =	sadd.s32 s1, s30  }
0xba: {  	s0 =	sor.u32 s3, s0;
	s1 =	sshll.u32 s1, $0x11  }
0xbb: {  	s0 =	sor.u32 s1, s0  }
0xbc: {  	s0 =	sadd.s32 $0x8F2B, s0  }
0xbd: {  	[sflag:s0] =	ssyncadd.remote.s32 $0x1  }
0xbe: {  	_ =	sfence.sel $0xFFFF  }
0xbf: {  	[dreg:$0x0] =	wrdreg $0xFFFFFFFF;
	(pc) =	sbr.abs _section_cstart, $3  }
0xc0: {  	[dreg:$0x1] =	wrdreg $0xFFFFFFFF  }
0xc1: {  	_ =	task.clear_ibuf [dreg:s6], $0x2FFFF;
	_ =	strace $0x9FFFFFFF  }
0xc2: {  	(tm) =	ssettm $0x7FFFFFFF  }
0xc3: {  	_ =	shalt  }
tec
execute0_lowered:
.L_overlay_start_1:
0x0: {  	(tag) =	ssettag $0x1  }
0x1: {  	s0 =	rddreg [dreg:$0x0]  }
0x2: {  	s2 =	rddreg [dreg:$0x1];
	s14 =	stileid.u32;
	s3 =	simm.s32 $0x0  }
0x3: {  	s4 =	srdreg.scid;
	s18 =	simm.s32 $0xA;
	s19 =	simm.s32 $0x4E80  }
0x4: {  	s20 =	simm.s32 $0x80;
	s28 =	simm.s32 $0x2;
	s29 =	simm.s32 $0x4  }
0x5: {  	s30 =	simm.s32 $0x9;
	s31 =	simm.s32 $0x3;
	s1 =	smul.u32 $0x9D0, s14  }
0x6: {  	[smem:$0x7FF] =	sst s3;
	s4 =	sand.u32 $0x1, s4;
	s7 =	smul.u32 $0xF000, s14  }
0x7: {  	s10 =	sadd.s32 $0x2DA00, s0;
	s5 =	sadd.s32 $0x41600, s0;
	s6 =	sadd.s32 $0x6600, s0  }
0x8: {  	s13 =	smul.u32 $0x4E80, s14;
	s15 =	sadd.s32 $0x23C00, s0;
	s21 =	sshll.u32 s14, $0x6  }
0x9: {  	_ =	strace $0x80000050;
	s8 =	smul.u32 $0xF0000, s4;
	s11 =	ssub.s32 $0x2, s4  }
0xa: {  	[dreg:$0x3] =	wrdreg s15;
	p0 =	seq.s32 s4, $0x0;
	s15 =	smov.u32 s6  }
0xb: {  	s9 =	sadd.s32 s1, s0;
	s12 =	sshrl.u32 s11, $0x1;
	s22 =	sshrl.u32 s13, $0x3  }
0xc: {  	s1 =	sadd.s32 s10, s1;
	s15 =	smov.u32 @p0 s5;
	s8 =	sadd.s32 s7, s8  }
0xd: {  	s11 =	ssub.s32 s11, s12;
	s7 =	sadd.s32 s7, s2;
	s9 =	sadd.s32 $0x37800, s9  }
0xe: {  	s23 =	sadd.s32 s10, s22;
	[dreg:$0x5] =	wrdreg s1;
	s26 =	sadd.s32 $0x40, s1  }
0xf: {  	s22 =	simm.s32 $0x4F00;
	s1 =	simm.s32 $0xB000;
	s8 =	sshrl.u32 s8, $0x3  }
0x10: {  	[dreg:$0x4] =	wrdreg s9;
	s24 =	sadd.s32 $0x10, s23;
	s12 =	sadd.s32 $0x20, s23  }
0x11: {  	s25 =	smax.u32 s11, $0x1;
	[dreg:$0x9] =	wrdreg s26;
	s17 =	sshrl.u32 s7, $0x3  }
.Ltmp0:
0x12: {  	s23 =	simm.s32 $0x8000;
	s26 =	simm.s32 $0x8;
	(pc) =	sbr.rel .LBB2_1-.Ltmp0, $4  }
0x13: {  	s7 =	simm.s32 $0x5;
	s11 =	simm.s32 $0x0;
	[dreg:$0x6] =	wrdreg s24  }
0x14: {  	s0 =	sadd.s32 s8, s0;
	s8 =	sor.u32 $0x1C0A, s21;
	[dreg:$0x8] =	wrdreg s25  }
0x15: {  	s21 =	simm.s32 $0x5000;
	s24 =	simm.s32 $0x7;
	s0 =	sadd.s32 $0x5EC00, s0  }
0x16: {  	s25 =	simm.s32 $0x1;
	[dreg:$0x7] =	wrdreg s0;
	s0 =	simm.s32 $0x4F80  }
.LBB2_4:
0x17: {  	s9 =	simm.s32 $0x6  }
0x18: {  	_ =	swait.ge [sflag:s9], $0x3000  }
0x19: {  	[sflag:s9] =	ssyncset.done $0x0  }
0x1a: {  	[sflag:s9] =	ssyncadd.s32 $0xFFFFD000  }
0x1b: {  	_ =	swait.ge [sflag:s24], $0x80  }
0x1c: {  	[sflag:s24] =	ssyncset.done $0x0  }
0x1d: {  	[sflag:s24] =	ssyncadd.s32 $0xFFFFFF80  }
0x1e: {  	_ =	swait.ge [sflag:s25], $0x3000  }
0x1f: {  	[sflag:s25] =	ssyncset.done $0x0  }
0x20: {  	[sflag:s25] =	ssyncadd.s32 $0xFFFFD000  }
0x21: {  	[spmem:s2] =	stream.indirect.scatter.add.f32 [tilespmem:s21], [sflag:$0xA], $0x60, s19, s20, $0xb8;
	[tilespmem:$0x1D000] =	vst v63  }
0x22: {  	_ =	swait.ge [sflag:s18], $0x3000  }
0x23: {  	[sflag:s18] =	ssyncset.done $0x0  }
0x24: {  	[sflag:s18] =	ssyncadd.s32 $0xFFFFD000  }
0x25: {  	[bflag:$0x0] =	sbarrier.arrive $0xFFFF  }
0x26: {  	s14 =	rddreg [dreg:$0x7]  }
0x27: {  	[hbm:s14], [sflag:s8] =	dma.local [spmem:s17], $0x1E00  }
0x28: {  	_ =	swait.ge [sflag:s18], $0x1E00  }
0x29: {  	s11 =	sadd.s32 $0x1, s11;
	s16 =	rddreg [dreg:$0x8]  }
0x2a: {  	p0 =	sne.s32 s11, s16  }
.Ltmp1:
0x2b: {  	_ = 	snop;
	(pc) =	sbr.rel @!p0 .LBB2_5-.Ltmp1, $3  }
0x2c: {  	_ =	sdelay $0x1  }
0x2d: {  	[sflag:s18] =	ssyncset.done $0x0  }
0x2e: {  	[sflag:s18] =	ssyncadd.s32 $0xFFFFE200  }
.LBB2_1:
0x2f: {  	s9 =	rddreg [dreg:$0x3]  }
0x30: {  	[spmem:s17], [sflag:s8] =	dma.local [hbm:s9], $0x1E00  }
0x31: {  	_ =	swait.ge [sflag:s18], $0x1E00  }
0x32: {  	[sflag:s18] =	ssyncset.done $0x0  }
0x33: {  	s13 =	rddreg [dreg:$0x4];
	[sflag:s18] =	ssyncadd.s32 $0xFFFFE200  }
0x34: {  	[tilespmem:s3], [sflag:$0xA] =	stream.linear.gather [hbm4b:s13+s3], $0x4E80, $0x38;
	[tilespmem:$0x1D000] =	vst v63  }
0x35: {  	_ =	swait.ge [sflag:s18], $0x4E80  }
0x36: {  	[sflag:s18] =	ssyncset.done $0x0  }
0x37: {  	[sflag:s18] =	ssyncadd.s32 $0xFFFFB180  }
0x38: {  	[bflag:$0x0] =	sbarrier.arrive $0xFFFF  }
0x39: {  	s14 =	rddreg [dreg:$0x5]  }
0x3a: {  	[tilespmem:s19], [sflag:$0x7] =	stream.linear.gather [hbm4b:s14+s3], $0x80, $0x38;
	[tilespmem:$0x1D000] =	vst v63  }
0x3b: {  	_ = 	snop  }
0x3c: {  	[tilespmem:s21], [sflag:$0x1] =	stream.indirect.gather [hbm4b:s15+s20], $0x60, s3, s20, $0xb8;
	[tilespmem:$0x1D000] =	vst v63  }
0x3d: {  	s16 =	rddreg [dreg:$0x6]  }
0x3e: {  	[tilespmem:s22], [sflag:$0x8] =	stream.linear.gather [hbm4b:s16+s3], $0x80, $0x38;
	[tilespmem:$0x1D000] =	vst v63  }
0x3f: {  	s10 =	simm.s32 $0x0;
	s16 =	rddreg [dreg:$0x9]  }
0x40: {  	[tilespmem:s23], [sflag:$0x2] =	stream.indirect.gather [hbm4b:s15+s20], $0x60, s20, s20, $0xb8;
	[tilespmem:$0x1D000] =	vst v63  }
.LBB2_2:
0x41: {  	_ =	swait.ge [sflag:s24], $0x80  }
0x42: {  	[sflag:s24] =	ssyncset.done $0x0  }
0x43: {  	[sflag:s24] =	ssyncadd.s32 $0xFFFFFF80  }
0x44: {  	_ =	swait.ge [sflag:s25], $0x3000  }
0x45: {  	p0 =	seq.s32 s10, $0x0;
	[sflag:s25] =	ssyncset.done $0x0  }
0x46: {  	p1 =	sne.s32 @p0 s4, $0x0;
	s14 =	simm.s32 @p0 $0x0;
	[sflag:s25] =	ssyncadd.s32 $0xFFFFD000  }
0x47: {  	[spmem:s2] =	stream.indirect.scatter.add.f32 [tilespmem:s21], [sflag:$0x4], $0x60, s19, s20, $0xb8;
	[tilespmem:$0x1D000] =	vst v63  }
0x48: {  	s13 =	simm.s32 @p0 $0x4F80;
	p2 =	por !p1, !p0;
	p1 =	por p1, !p0  }
0x49: {  	[tilespmem:s13], [sflag:$0x9] =	stream.linear.gather @p0 [hbm4b:s12+s14], $0x80, $0x38;
	[tilespmem:$0x1D000] =	vst v63  }
0x4a: {  	s9 =	simm.s32 @!p2 $0xB000;
	s13 =	simm.s32 @!p2 $0x80;
	s14 =	simm.s32 @!p2 $0x100  }
0x4b: {  	[tilespmem:s9], [sflag:$0x3] =	stream.indirect.gather @!p2 [hbm4b:s6+s13], $0x60, s14, s13, $0xb8;
	[tilespmem:$0x1D000] =	vst v63  }
0x4c: {  	s9 =	simm.s32 @!p1 $0x80;
	s13 =	simm.s32 @!p1 $0x100;
	s14 =	simm.s32 @!p1 $0xB000  }
0x4d: {  	[tilespmem:s14], [sflag:$0x3] =	stream.indirect.gather @!p1 [hbm4b:s5+s9], $0x60, s13, s9, $0xb8;
	[tilespmem:$0x1D000] =	vst v63  }
0x4e: {  	s9 =	simm.s32 @!p0 $0x6  }
0x4f: {  	p1 =	sne.s32 @!p0 s4, $0x0;
	_ =	swait.ge @!p0 [sflag:s9], $0x3000  }
0x50: {  	s13 =	simm.s32 @!p0 $0x0;
	s14 =	simm.s32 @!p0 $0x4F80;
	[sflag:s9] =	ssyncset.done @!p0 $0x0  }
0x51: {  	p2 =	por !p1, p0;
	[sflag:s9] =	ssyncadd.s32 @!p0 $0xFFFFD000;
	s9 =	sadd.s32 @!p0 $0xFFFFFFE0, s16  }
0x52: {  	[tilespmem:s14], [sflag:$0x9] =	stream.linear.gather @!p0 [hbm4b:s9+s13], $0x80, $0x38;
	[tilespmem:$0x1D000] =	vst v63  }
0x53: {  	s9 =	sshra.s32 @!p0 s10, $0x2;
	s13 =	simm.s32 @!p2 $0x80  }
0x54: {  	s14 =	simm.s32 @!p2 $0xB000;
	s9 =	sadd.s32 @!p0 $0x100, s9;
	p0 =	por p1, p0  }
0x55: {  	[tilespmem:s14], [sflag:$0x3] =	stream.indirect.gather @!p2 [hbm4b:s6+s13], $0x60, s9, s13, $0xb8;
	[tilespmem:$0x1D000] =	vst v63  }
0x56: {  	s13 =	simm.s32 @!p0 $0x80;
	s14 =	simm.s32 @!p0 $0xB000  }
0x57: {  	[tilespmem:s14], [sflag:$0x3] =	stream.indirect.gather @!p0 [hbm4b:s5+s13], $0x60, s9, s13, $0xb8;
	[tilespmem:$0x1D000] =	vst v63  }
0x58: {  	_ =	swait.ge [sflag:s26], $0x80  }
0x59: {  	[sflag:s26] =	ssyncset.done $0x0  }
0x5a: {  	[sflag:s26] =	ssyncadd.s32 $0xFFFFFF80  }
0x5b: {  	_ =	swait.ge [sflag:s28], $0x3000  }
0x5c: {  	[sflag:s28] =	ssyncset.done $0x0  }
0x5d: {  	[sflag:s28] =	ssyncadd.s32 $0xFFFFD000  }
0x5e: {  	[spmem:s2] =	stream.indirect.scatter.add.f32 [tilespmem:s23], [sflag:$0x5], $0x60, s22, s20, $0xb8;
	[tilespmem:$0x1D000] =	vst v63  }
0x5f: {  	_ =	swait.ge [sflag:s29], $0x3000  }
0x60: {  	[sflag:s29] =	ssyncset.done $0x0  }
0x61: {  	s14 =	sadd.s32 $0xFFFFFFF0, s16;
	[sflag:s29] =	ssyncadd.s32 $0xFFFFD000  }
0x62: {  	[tilespmem:s19], [sflag:$0x7] =	stream.linear.gather [hbm4b:s14+s3], $0x80, $0x38;
	[tilespmem:$0x1D000] =	vst v63  }
0x63: {  	s14 =	sshra.s32 s10, $0x2  }
0x64: {  	s13 =	sadd.s32 $0x180, s14  }
0x65: {  	[tilespmem:s21], [sflag:$0x1] =	stream.indirect.gather [hbm4b:s15+s20], $0x60, s13, s20, $0xb8;
	[tilespmem:$0x1D000] =	vst v63  }
0x66: {  	_ =	swait.ge [sflag:s30], $0x80  }
0x67: {  	[sflag:s30] =	ssyncset.done $0x0  }
0x68: {  	[sflag:s30] =	ssyncadd.s32 $0xFFFFFF80  }
0x69: {  	_ =	swait.ge [sflag:s31], $0x3000  }
0x6a: {  	p0 =	seq.s32 s10, $0x13200;
	[sflag:s31] =	ssyncset.done $0x0  }
.Ltmp2:
0x6b: {  	[sflag:s31] =	ssyncadd.s32 $0xFFFFD000;
	(pc) =	sbr.rel @p0 .LBB2_4-.Ltmp2, $4  }
0x6c: {  	[spmem:s2] =	stream.indirect.scatter.add.f32 [tilespmem:s1], [sflag:$0x6], $0x60, s0, s20, $0xb8;
	[tilespmem:$0x1D000] =	vst v63  }
0x6d: {  	_ =	swait.ge [sflag:s7], $0x3000  }
0x6e: {  	[sflag:s7] =	ssyncset.done $0x0  }
0x6f: {  	[sflag:s7] =	ssyncadd.s32 $0xFFFFD000  }
.Ltmp3:
0x70: {  	(pc) =	sbr.rel .LBB2_2-.Ltmp3, $4  }
0x71: {  	_ = 	snop  }
0x72: {  	[tilespmem:s22], [sflag:$0x8] =	stream.linear.gather [hbm4b:s16+s3], $0x80, $0x38;
	[tilespmem:$0x1D000] =	vst v63  }
0x73: {  	s9 =	sadd.s32 $0x200, s14;
	s10 =	sadd.s32 $0x600, s10;
	s16 =	sadd.s32 $0x30, s16  }
0x74: {  	[tilespmem:s23], [sflag:$0x2] =	stream.indirect.gather [hbm4b:s15+s20], $0x60, s9, s20, $0xb8;
	[tilespmem:$0x1D000] =	vst v63  }
.LBB2_5:
0x75: {  	_ =	sfence.sel $0x180000  }
0x76: {  	[bflag:$0x0] =	sbarrier.arrive $0xFFFF  }
0x77: {  	_ =	strace $0x90000050  }
0x78: {  	s0 =	stileid.u32;
	[bflag:$0x2] =	sbarrier.arrive $0xFFFF  }
0x79: {  	p0 =	sne.s32 s0, $0x0;
	s0 =	rddreg [dreg:$0x2]  }
0x7a: {  	s0 =	sadd.s32 @!p0 $0x100000, s0  }
0x7b: {  	[sflag:s0] =	ssyncadd.tile.s32 @!p0 $0x1;
	_ =	shalt  }
.Lfunc_end2:
_tile_overlayer_lowered:
.L_overlay_start_2:
0x7c: {  	(tag) =	ssettag $0x2  }
0x7d: {  	s0 =	rddreg [dreg:$0x0];
	s2 =	stileid.u32  }
0x7e: {  	s1 =	rddreg [dreg:$0x1];
	p0 =	sne.s32 s2, $0x0  }
0x7f: {  	s3 =	rddreg [dreg:$0x2];
	[bflag:$0x3] =	sbarrier.arrive $0xFFFF;
	s2 =	simm.s32 @!p0 $0x1C0A  }
0x80: {  	[timem:s3], [sflag:s2] =	dma.local @!p0 [hbm:s0], s1  }
0x81: {  	s0 =	simm.s32 @!p0 $0xA  }
0x82: {  	_ =	swait.ge @!p0 [sflag:s0], s1  }
0x83: {  	s1 =	ssub.s32 @!p0 $0x0, s1;
	[sflag:s0] =	ssyncset.done @!p0 $0x0  }
0x84: {  	[sflag:s0] =	ssyncadd.s32 @!p0 s1  }
0x85: {  	[bflag:$0x3] =	sbarrier.arrive $0xFFFF  }
0x86: {  	_ =	shalt  }

</sc_bundles>
